<compile_context>
chip_gen: v7x
topology: tpu7x:2x2x1
jax: 0.10.2.dev20260603
libtpu: 0.0.44.dev20260713+nightly
codegen_flags: <defaults>
</compile_context>

<pallas_src>
import jax
import jax.numpy as jnp
from jax import lax
from jax.experimental import pallas as pl
from jax.experimental.pallas import tpu as pltpu
from jax.experimental.pallas import tpu_sc as plsc

NUM_USER = 20000
NUM_ITEM = 30000
N_NODES = NUM_USER + NUM_ITEM
N_EDGES = 800000
DF = 128
DL = 64
DH = DL // 2

NC, NS = 2, 16
NROWS = 50176
TILE_ROWS = NROWS // NS
CHUNK = 128
E_PAD = 819200
NCHUNKS = E_PAD // CHUNK
SUP = 40
HIST_CPT = NCHUNKS // NC // NS
CONV_CPT = NCHUNKS // NS
SUPC = 16
GRP = 2
EG = GRP * CHUNK
NGS = SUPC // GRP

_MESH = plsc.VectorSubcoreMesh(
    core_axis_name="c", subcore_axis_name="s", num_cores=NC, num_subcores=NS
)


def _hist_body(rows_hbm, degp_hbm, idxbuf, ones_v, zrow, deg_sh):
    c = lax.axis_index("c")
    s = lax.axis_index("s")
    rb = s * TILE_ROWS

    @pl.loop(0, CHUNK, step=16)
    def _(i):
        ones_v[pl.ds(i, 16)] = jnp.ones((16,), jnp.float32)

    @pl.loop(0, TILE_ROWS, step=16)
    def _(i):
        zrow[pl.ds(i, 16)] = jnp.zeros((16,), jnp.float32)

    pltpu.sync_copy(zrow, deg_sh.at[pl.ds(rb, TILE_ROWS)])
    plsc.subcore_barrier()

    cb = (c * NS + s) * HIST_CPT

    @pl.loop(0, HIST_CPT, step=SUP)
    def _(u):
        pltpu.sync_copy(rows_hbm.at[pl.ds(cb + u, SUP)], idxbuf)

        @pl.loop(0, SUP)
        def _(j):
            pltpu.sync_copy(ones_v, deg_sh.at[idxbuf.at[j]], add=True)

    plsc.subcore_barrier()
    pltpu.sync_copy(deg_sh.at[pl.ds(rb, TILE_ROWS)], zrow)
    pltpu.sync_copy(zrow, degp_hbm.at[pl.ds(c * NROWS + rb, TILE_ROWS)])


_hist = pl.kernel(
    _hist_body,
    out_type=jax.ShapeDtypeStruct((NC * NROWS,), jnp.float32),
    mesh=_MESH,
    scratch_types=[
        pltpu.VMEM((SUP, CHUNK), jnp.int32),
        pltpu.VMEM((CHUNK,), jnp.float32),
        pltpu.VMEM((TILE_ROWS,), jnp.float32),
        pltpu.VMEM_SHARED((NROWS,), jnp.float32),
    ],
)


def _gcn_body(cols_hbm, rows_hbm, ytab_hbm, acc_hbm,
              colbuf, rowbuf, gbuf, acc_sh,
              gsem_a, gsem_b, ssem_a, ssem_b):
    c = lax.axis_index("c")
    s = lax.axis_index("s")
    rb = s * TILE_ROWS
    zb = gbuf.at[pl.ds(0, EG)]

    @pl.loop(0, EG)
    def _(r):
        zb[r, pl.ds(0, 16)] = jnp.zeros((16,), jnp.float32)
        zb[r, pl.ds(16, 16)] = jnp.zeros((16,), jnp.float32)

    @pl.loop(0, TILE_ROWS // EG)
    def _(k):
        pltpu.sync_copy(zb, acc_sh.at[pl.ds(rb + k * EG, EG)])

    pltpu.sync_copy(
        zb.at[pl.ds(0, TILE_ROWS % EG)],
        acc_sh.at[pl.ds(rb + (TILE_ROWS // EG) * EG, TILE_ROWS % EG)],
    )
    plsc.subcore_barrier()

    ggbase = (s * CONV_CPT) // GRP
    gsems = (gsem_a, gsem_b)
    ssems = (ssem_a, ssem_b)
    ytab_c = ytab_hbm.at[c]

    def plane(g):
        return gbuf.at[pl.ds((g % 3) * EG, EG)]

    def fire_gather(g):
        pltpu.async_copy(ytab_c.at[colbuf.at[g]], plane(g), gsems[g % 2])

    def drain_gather(parity):
        pltpu.make_async_copy(ytab_c.at[colbuf.at[0]], plane(0),
                              gsems[parity]).wait()

    def fire_scatter(g):
        pltpu.async_copy(plane(g), acc_sh.at[rowbuf.at[g]],
                         ssems[g % 2], add=True)

    def drain_scatter(parity):
        pltpu.make_async_copy(plane(0), acc_sh.at[rowbuf.at[0]],
                              ssems[parity]).wait()

    @pl.loop(0, CONV_CPT // SUPC)
    def _(u):
        pltpu.sync_copy(cols_hbm.at[pl.ds(ggbase + u * NGS, NGS)], colbuf)
        pltpu.sync_copy(rows_hbm.at[pl.ds(ggbase + u * NGS, NGS)], rowbuf)
        fire_gather(0)
        fire_gather(1)
        for g in range(NGS):
            drain_gather(g % 2)
            fire_scatter(g)
            if g > 0:
                drain_scatter((g - 1) % 2)
            if g + 2 < NGS:
                fire_gather(g + 2)
        drain_scatter((NGS - 1) % 2)

    plsc.subcore_barrier()

    acc_c = acc_hbm.at[c]

    def dump_block(k, nrows):
        pltpu.sync_copy(acc_sh.at[pl.ds(rb + k * EG, nrows)],
                        zb.at[pl.ds(0, nrows)])
        pltpu.sync_copy(zb.at[pl.ds(0, nrows)],
                        acc_c.at[pl.ds(rb + k * EG, nrows)])

    @pl.loop(0, TILE_ROWS // EG)
    def _(k):
        dump_block(k, EG)

    dump_block(TILE_ROWS // EG, TILE_ROWS % EG)


_gcn = pl.kernel(
    _gcn_body,
    out_type=jax.ShapeDtypeStruct((NC, NROWS, DH), jnp.float32),
    mesh=_MESH,
    scratch_types=[
        pltpu.VMEM((NGS, EG), jnp.int32),
        pltpu.VMEM((NGS, EG), jnp.int32),
        pltpu.VMEM((3 * EG, DH), jnp.float32),
        pltpu.VMEM_SHARED((NROWS, DH), jnp.float32),
        pltpu.SemaphoreType.DMA,
        pltpu.SemaphoreType.DMA,
        pltpu.SemaphoreType.DMA,
        pltpu.SemaphoreType.DMA,
    ],
    compiler_params=pltpu.CompilerParams(use_tc_tiling_on_sc=False),
)



RM = 3000
RN = 3136


def _mlp_body(f_ref, w_ref, b_ref, w1_ref, b1_ref, o_ref):
    h = jnp.dot(f_ref[...], w_ref[...], preferred_element_type=jnp.float32)
    h = h + b_ref[...]
    h = jnp.where(h > 0, h, 0.01 * h)
    o_ref[...] = (
        jnp.dot(h, w1_ref[...], preferred_element_type=jnp.float32) + b1_ref[...]
    )


_mlp = pl.pallas_call(
    _mlp_body,
    grid=(NUM_ITEM // RM,),
    in_specs=[
        pl.BlockSpec((RM, DF), lambda i: (i, 0)),
        pl.BlockSpec((DF, 4 * DL), lambda i: (0, 0)),
        pl.BlockSpec((1, 4 * DL), lambda i: (0, 0)),
        pl.BlockSpec((4 * DL, DL), lambda i: (0, 0)),
        pl.BlockSpec((1, DL), lambda i: (0, 0)),
    ],
    out_specs=pl.BlockSpec((RM, DL), lambda i: (i, 0)),
    out_shape=jax.ShapeDtypeStruct((NUM_ITEM, DL), jnp.float32),
)


def _norm_body(xu_ref, degp_ref, xn_ref, yt_ref, dis_ref, dis2_ref):
    deg = degp_ref[:, 0:1] + degp_ref[:, 1:2]
    pos = deg > 0.0
    dis = jnp.where(pos, lax.rsqrt(deg), 0.0)
    dis2 = jnp.where(pos, 1.0 / deg, 0.0)
    x = xu_ref[...]
    nr = jnp.maximum(jnp.sqrt(jnp.sum(x * x, axis=1, keepdims=True)), 1e-12)
    xn = x / nr
    y = xn * dis
    xn_ref[...] = xn
    yt_ref[0] = y[:, :DH]
    yt_ref[1] = y[:, DH:]
    dis_ref[...] = dis
    dis2_ref[...] = dis2


_norm = pl.pallas_call(
    _norm_body,
    grid=(NROWS // RN,),
    in_specs=[
        pl.BlockSpec((RN, DL), lambda i: (i, 0)),
        pl.BlockSpec((RN, 2), lambda i: (i, 0)),
    ],
    out_specs=[
        pl.BlockSpec((RN, DL), lambda i: (i, 0)),
        pl.BlockSpec((2, RN, DH), lambda i: (0, i, 0)),
        pl.BlockSpec((RN, 1), lambda i: (i, 0)),
        pl.BlockSpec((RN, 1), lambda i: (i, 0)),
    ],
    out_shape=[
        jax.ShapeDtypeStruct((NROWS, DL), jnp.float32),
        jax.ShapeDtypeStruct((2, NROWS, DH), jnp.float32),
        jax.ShapeDtypeStruct((NROWS, 1), jnp.float32),
        jax.ShapeDtypeStruct((NROWS, 1), jnp.float32),
    ],
)


def _scale_body(a_ref, dis2_ref, o_ref):
    o_ref[0] = a_ref[0] * dis2_ref[...]
    o_ref[1] = a_ref[1] * dis2_ref[...]


_scale = pl.pallas_call(
    _scale_body,
    grid=(NROWS // RN,),
    in_specs=[
        pl.BlockSpec((2, RN, DH), lambda i: (0, i, 0)),
        pl.BlockSpec((RN, 1), lambda i: (i, 0)),
    ],
    out_specs=pl.BlockSpec((2, RN, DH), lambda i: (0, i, 0)),
    out_shape=jax.ShapeDtypeStruct((2, NROWS, DH), jnp.float32),
)


def _comb_body(xn_ref, a1_ref, a2_ref, dis_ref, o_ref):
    h0 = a1_ref[0] + a2_ref[0]
    h1 = a1_ref[1] + a2_ref[1]
    hh = jnp.concatenate([h0, h1], axis=1)
    o_ref[...] = xn_ref[...] + dis_ref[...] * hh


_comb = pl.pallas_call(
    _comb_body,
    grid=(NROWS // RN,),
    in_specs=[
        pl.BlockSpec((RN, DL), lambda i: (i, 0)),
        pl.BlockSpec((2, RN, DH), lambda i: (0, i, 0)),
        pl.BlockSpec((2, RN, DH), lambda i: (0, i, 0)),
        pl.BlockSpec((RN, 1), lambda i: (i, 0)),
    ],
    out_specs=pl.BlockSpec((RN, DL), lambda i: (i, 0)),
    out_shape=jax.ShapeDtypeStruct((NROWS, DL), jnp.float32),
)


def kernel(edge_index_drop, edge_index, features, preference,
           W_mlp, b_mlp, W_mlp1, b_mlp1):
    rows = edge_index[0].astype(jnp.int32)
    cols = edge_index[1].astype(jnp.int32)
    pad = E_PAD - N_EDGES
    rows_p = jnp.concatenate(
        [rows, jnp.full((pad,), N_NODES, jnp.int32)]).reshape(NCHUNKS, CHUNK)
    cols_p = jnp.concatenate(
        [cols, jnp.zeros((pad,), jnp.int32)]).reshape(NCHUNKS, CHUNK)

    cols3 = cols_p.reshape(NCHUNKS // GRP, EG)
    rows3 = rows_p.reshape(NCHUNKS // GRP, EG)

    degp = _hist(rows_p)
    temp = _mlp(features, W_mlp, b_mlp.reshape(1, -1), W_mlp1,
                b_mlp1.reshape(1, -1))
    xu = jnp.concatenate(
        [preference, temp, jnp.zeros((NROWS - N_NODES, DL), jnp.float32)],
        axis=0)
    degp_t = jnp.transpose(degp.reshape(NC, NROWS))
    xn, yt, dis, dis2 = _norm(xu, degp_t)
    acc1 = _gcn(cols3, rows3, yt)
    y1 = _scale(acc1, dis2)
    acc2 = _gcn(cols3, rows3, y1)
    out = _comb(xn, acc1, acc2, dis)
    return out[:N_NODES], preference

# --- scband reference (transcript-rebuilt; emitter-appended) ---
"""Pipeline reference for scband-dual-gnn-10746008175453 (READ-ONLY COPY).

The authoritative reference and input builder live on the scoring server;
editing this copy changes nothing except your own understanding.
"""

import jax, jax.numpy as jnp
import numpy as np

NUM_USER = 20000
NUM_ITEM = 30000
N_NODES = NUM_USER + NUM_ITEM
N_EDGES = 800000
DIM_FEAT = 128
DIM_LATENT = 64


def setup_inputs(seed: int = 0) -> dict:
    key = jax.random.key(seed)
    k1, k2, k3, k4, k5, k6, k7, k8 = jax.random.split(key, 8)
    features = jax.random.normal(k1, (NUM_ITEM, DIM_FEAT), dtype=jnp.float32)
    edge_index = jax.random.randint(k2, (2, N_EDGES), 0, N_NODES, dtype=jnp.int64)
    edge_index_drop = jax.random.randint(k3, (2, N_EDGES), 0, N_NODES, dtype=jnp.int64)
    # learned params (per GCN modality branch of DualGNN)
    preference = jax.random.normal(k4, (NUM_USER, DIM_LATENT), dtype=jnp.float32) * (1.0 / np.sqrt(DIM_LATENT))
    W_mlp = jax.random.normal(k5, (DIM_FEAT, 4 * DIM_LATENT), dtype=jnp.float32) * (1.0 / np.sqrt(DIM_FEAT))
    b_mlp = jnp.zeros((4 * DIM_LATENT,), dtype=jnp.float32)
    W_mlp1 = jax.random.normal(k6, (4 * DIM_LATENT, DIM_LATENT), dtype=jnp.float32) * (1.0 / np.sqrt(4 * DIM_LATENT))
    b_mlp1 = jnp.zeros((DIM_LATENT,), dtype=jnp.float32)
    return {
        'edge_index_drop': edge_index_drop,
        'edge_index': edge_index,
        'features': features,
        'preference': preference,
        'W_mlp': W_mlp,
        'b_mlp': b_mlp,
        'W_mlp1': W_mlp1,
        'b_mlp1': b_mlp1,
    }


def _gcn_conv(x, edge_index, num_nodes):
    # Base_gcn: symmetric-normalized message passing (no linear weight), aggr='add'
    row = edge_index[0]
    col = edge_index[1]
    ones = jnp.ones((edge_index.shape[1],), dtype=x.dtype)
    deg = jax.ops.segment_sum(ones, row, num_segments=num_nodes)
    deg_inv_sqrt = jnp.where(deg > 0, deg ** -0.5, 0.0)
    norm = deg_inv_sqrt[row] * deg_inv_sqrt[col]
    msgs = jnp.take(x, col, axis=0) * norm[:, None]
    return jax.ops.segment_sum(msgs, row, num_segments=num_nodes)


def reference(edge_index_drop, edge_index, features, preference, W_mlp, b_mlp, W_mlp1, b_mlp1):
    # temp_features = MLP_1(leaky_relu(MLP(features)))
    h_mlp = jax.nn.leaky_relu(features @ W_mlp + b_mlp, negative_slope=0.01)
    temp_features = h_mlp @ W_mlp1 + b_mlp1
    x = jnp.concatenate((preference, temp_features), axis=0)
    # F.normalize (L2 per-row, eps=1e-12)
    nrm = jnp.maximum(jnp.linalg.norm(x, axis=1, keepdims=True), 1e-12)
    x = x / nrm
    h = _gcn_conv(x, edge_index, N_NODES)
    h_1 = _gcn_conv(h, edge_index, N_NODES)
    x_hat = h + x + h_1
    return (x_hat, preference)

if __name__ == "__main__":
    import jax
    _d = setup_inputs()
    print(jax.jit(kernel)(*tuple(_d.values())))

</pallas_src>

<mosaic_0001>
#map = affine_map<(d0, d1) -> (0, 0)>
#map1 = affine_map<(d0, d1) -> (0, 0, 0)>
module attributes {stable_mosaic.version = 14 : i64} {
  func.func @_gcn_body(%arg0: i32, %arg1: i32, %arg2: memref<3200x256xi32, #tpu.memory_space<hbm>>, %arg3: memref<3200x256xi32, #tpu.memory_space<hbm>>, %arg4: memref<2x50176x32xf32, #tpu.memory_space<hbm>>, %arg5: memref<2x50176x32xf32, #tpu.memory_space<hbm>>, %arg6: memref<8x256xi32, #tpu.memory_space<vmem>>, %arg7: memref<8x256xi32, #tpu.memory_space<vmem>>, %arg8: memref<768x32xf32, #tpu.memory_space<vmem>>, %arg9: memref<50176x32xf32, #tpu.memory_space<vmem_shared>>, %arg10: memref<!tpu.dma_semaphore, #tpu.memory_space<semaphore_mem>>, %arg11: memref<!tpu.dma_semaphore, #tpu.memory_space<semaphore_mem>>, %arg12: memref<!tpu.dma_semaphore, #tpu.memory_space<semaphore_mem>>, %arg13: memref<!tpu.dma_semaphore, #tpu.memory_space<semaphore_mem>>) attributes {dimension_semantics = [#tpu.dimension_semantics<core_parallel>, #tpu.dimension_semantics<subcore_parallel>], iteration_bounds = array<i64: 2, 16>, scalar_prefetch = 0 : i64, scratch_operands = 8 : i64, tpu.core_type = #tpu.core_type<sc_vector_subcore>, window_params = [{transform_indices = #map}, {transform_indices = #map}, {transform_indices = #map1}, {transform_indices = #map1}]} {
    %mul3A = arith.constant 3136 : i32
    %mul3A_0 = arith.muli %arg1, %mul3A : i32
    %scan3A = arith.constant 0 : i32
    %scan3A_1 = arith.constant 256 : i32
    %scan3A_2 = arith.addi %scan3A, %scan3A_1 : i32
    %scan3A_3 = arith.constant 1 : i32
    scf.for %scan3A_44 = %scan3A to %scan3A_2 step %scan3A_3  : i32 {
      %mul3A_45 = arith.constant 1 : i32
      %mul3A_46 = arith.muli %scan3A_44, %mul3A_45 : i32
      %add3A_47 = arith.constant 0 : i32
      %add3A_48 = arith.addi %add3A_47, %mul3A_46 : i32
      %broadcast_in_dim3A = arith.constant 0.000000e+00 : f32
      %broadcast_in_dim3A_49 = vector.broadcast %broadcast_in_dim3A : f32 to vector<16xf32>
      %swap3A = arith.constant 0 : i32
      %swap3A_50 = arith.constant 0 : i32
      %swap3A_51 = tpu.memref_slice %arg8[%swap3A, %swap3A_50] : memref<768x32xf32, #tpu.memory_space<vmem>> -> memref<256x32xf32, #tpu.memory_space<vmem>>
      %swap3A_52 = arith.index_cast %add3A_48 : i32 to index
      %swap3A_53 = arith.constant 0 : index
      %swap3A_54 = tpu.vector_load %swap3A_51[%swap3A_52, %swap3A_53] {strides = array<i32>} : memref<256x32xf32, #tpu.memory_space<vmem>>, vector<1x16xf32>,
      %swap3A_55 = vector.shape_cast %swap3A_54 : vector<1x16xf32> to vector<16xf32>
      %swap3A_56 = vector.shape_cast %broadcast_in_dim3A_49 : vector<16xf32> to vector<1x16xf32>
      tpu.vector_store %swap3A_51[%swap3A_52, %swap3A_53], %swap3A_56 {strides = array<i32>} : memref<256x32xf32, #tpu.memory_space<vmem>>, vector<1x16xf32>,
      %broadcast_in_dim3A_57 = arith.constant 0.000000e+00 : f32
      %broadcast_in_dim3A_58 = vector.broadcast %broadcast_in_dim3A_57 : f32 to vector<16xf32>
      %swap3A_59 = arith.constant 0 : i32
      %swap3A_60 = arith.constant 0 : i32
      %swap3A_61 = tpu.memref_slice %arg8[%swap3A_59, %swap3A_60] : memref<768x32xf32, #tpu.memory_space<vmem>> -> memref<256x32xf32, #tpu.memory_space<vmem>>
      %swap3A_62 = arith.index_cast %add3A_48 : i32 to index
      %swap3A_63 = arith.constant 16 : index
      %swap3A_64 = tpu.vector_load %swap3A_61[%swap3A_62, %swap3A_63] {strides = array<i32>} : memref<256x32xf32, #tpu.memory_space<vmem>>, vector<1x16xf32>,
      %swap3A_65 = vector.shape_cast %swap3A_64 : vector<1x16xf32> to vector<16xf32>
      %swap3A_66 = vector.shape_cast %broadcast_in_dim3A_58 : vector<16xf32> to vector<1x16xf32>
      tpu.vector_store %swap3A_61[%swap3A_62, %swap3A_63], %swap3A_66 {strides = array<i32>} : memref<256x32xf32, #tpu.memory_space<vmem>>, vector<1x16xf32>,
    }
    %scan3A_4 = arith.constant 256 : i32
    %scan3A_5 = arith.constant 0 : i32
    %scan3A_6 = arith.constant 12 : i32
    %scan3A_7 = arith.addi %scan3A_5, %scan3A_6 : i32
    %scan3A_8 = arith.constant 1 : i32
    scf.for %scan3A_44 = %scan3A_5 to %scan3A_7 step %scan3A_8  : i32 {
      %mul3A_45 = arith.constant 1 : i32
      %mul3A_46 = arith.muli %scan3A_44, %mul3A_45 : i32
      %add3A_47 = arith.constant 0 : i32
      %add3A_48 = arith.addi %add3A_47, %mul3A_46 : i32
      %mul3A_49 = arith.constant 256 : i32
      %mul3A_50 = arith.muli %add3A_48, %mul3A_49 : i32
      %add3A_51 = arith.addi %mul3A_0, %mul3A_50 : i32
      "tpu.region"() ({
        %run_scoped3A = tpu.sem_alloc : memref<!tpu.dma_semaphore, #tpu.memory_space<semaphore_mem>>
        %dma_start3A = arith.constant 0 : i32
        %dma_start3A_52 = arith.constant 0 : i32
        %dma_start3A_53 = tpu.memref_slice %arg8[%dma_start3A, %dma_start3A_52] : memref<768x32xf32, #tpu.memory_space<vmem>> -> memref<256x32xf32, #tpu.memory_space<vmem>>
        %dma_start3A_54 = arith.constant 0 : i32
        %dma_start3A_55 = tpu.memref_slice %arg9[%add3A_51, %dma_start3A_54] : memref<50176x32xf32, #tpu.memory_space<vmem_shared>> -> memref<256x32xf32, #tpu.memory_space<vmem_shared>>
        %dma_start3A_56 = arith.constant 0 : i32
        %dma_start3A_57 = tpu.memref_slice %arg9[%add3A_51, %dma_start3A_56] : memref<50176x32xf32, #tpu.memory_space<vmem_shared>> -> memref<256x32xf32, #tpu.memory_space<vmem_shared>>
        %dma_start3A_58 = arith.constant 0 : i32
        %dma_start3A_59 = arith.constant 0 : i32
        %dma_start3A_60 = tpu.memref_slice %arg8[%dma_start3A_58, %dma_start3A_59] : memref<768x32xf32, #tpu.memory_space<vmem>> -> memref<256x32xf32, #tpu.memory_space<vmem>>
        tpu.enqueue_dma source(%dma_start3A_60 : memref<256x32xf32, #tpu.memory_space<vmem>>) target(%dma_start3A_57 : memref<256x32xf32, #tpu.memory_space<vmem_shared>>) target_semaphore(%run_scoped3A : memref<!tpu.dma_semaphore, #tpu.memory_space<semaphore_mem>>)
        %dma_wait3A = arith.constant 0 : i32
        %dma_wait3A_61 = arith.constant 0 : i32
        %dma_wait3A_62 = tpu.memref_slice %arg8[%dma_wait3A, %dma_wait3A_61] : memref<768x32xf32, #tpu.memory_space<vmem>> -> memref<256x32xf32, #tpu.memory_space<vmem>>
        %dma_wait3A_63 = arith.constant 0 : i32
        %dma_wait3A_64 = tpu.memref_slice %arg9[%add3A_51, %dma_wait3A_63] : memref<50176x32xf32, #tpu.memory_space<vmem_shared>> -> memref<256x32xf32, #tpu.memory_space<vmem_shared>>
        %dma_wait3A_65 = arith.constant 0 : i32
        %dma_wait3A_66 = tpu.memref_slice %arg9[%add3A_51, %dma_wait3A_65] : memref<50176x32xf32, #tpu.memory_space<vmem_shared>> -> memref<256x32xf32, #tpu.memory_space<vmem_shared>>
        %dma_wait3A_67 = arith.constant 0 : i32
        %dma_wait3A_68 = arith.constant 0 : i32
        %dma_wait3A_69 = tpu.memref_slice %arg8[%dma_wait3A_67, %dma_wait3A_68] : memref<768x32xf32, #tpu.memory_space<vmem>> -> memref<256x32xf32, #tpu.memory_space<vmem>>
        tpu.wait_dma2 semaphore(%run_scoped3A : memref<!tpu.dma_semaphore, #tpu.memory_space<semaphore_mem>>) src(%dma_wait3A_69 : memref<256x32xf32, #tpu.memory_space<vmem>>) dst(%dma_wait3A_66 : memref<256x32xf32, #tpu.memory_space<vmem_shared>>)
        tpu.yield
      }) : () -> ()
    }
    %scan3A_9 = arith.constant 12 : i32
    %add3A = arith.constant 3072 : i32
    %add3A_10 = arith.addi %mul3A_0, %add3A : i32
    "tpu.region"() ({
      %run_scoped3A = tpu.sem_alloc : memref<!tpu.dma_semaphore, #tpu.memory_space<semaphore_mem>>
      %dma_start3A = arith.constant 0 : i32
      %dma_start3A_44 = arith.constant 0 : i32
      %dma_start3A_45 = tpu.memref_slice %arg8[%dma_start3A, %dma_start3A_44] : memref<768x32xf32, #tpu.memory_space<vmem>> -> memref<256x32xf32, #tpu.memory_space<vmem>>
      %dma_start3A_46 = arith.constant 0 : i32
      %dma_start3A_47 = arith.constant 0 : i32
      %dma_start3A_48 = tpu.memref_slice %dma_start3A_45[%dma_start3A_46, %dma_start3A_47] : memref<256x32xf32, #tpu.memory_space<vmem>> -> memref<64x32xf32, #tpu.memory_space<vmem>>
      %dma_start3A_49 = arith.constant 0 : i32
      %dma_start3A_50 = tpu.memref_slice %arg9[%add3A_10, %dma_start3A_49] : memref<50176x32xf32, #tpu.memory_space<vmem_shared>> -> memref<64x32xf32, #tpu.memory_space<vmem_shared>>
      %dma_start3A_51 = arith.constant 0 : i32
      %dma_start3A_52 = tpu.memref_slice %arg9[%add3A_10, %dma_start3A_51] : memref<50176x32xf32, #tpu.memory_space<vmem_shared>> -> memref<64x32xf32, #tpu.memory_space<vmem_shared>>
      %dma_start3A_53 = arith.constant 0 : i32
      %dma_start3A_54 = arith.constant 0 : i32
      %dma_start3A_55 = tpu.memref_slice %arg8[%dma_start3A_53, %dma_start3A_54] : memref<768x32xf32, #tpu.memory_space<vmem>> -> memref<256x32xf32, #tpu.memory_space<vmem>>
      %dma_start3A_56 = arith.constant 0 : i32
      %dma_start3A_57 = arith.constant 0 : i32
      %dma_start3A_58 = tpu.memref_slice %dma_start3A_55[%dma_start3A_56, %dma_start3A_57] : memref<256x32xf32, #tpu.memory_space<vmem>> -> memref<64x32xf32, #tpu.memory_space<vmem>>
      tpu.enqueue_dma source(%dma_start3A_58 : memref<64x32xf32, #tpu.memory_space<vmem>>) target(%dma_start3A_52 : memref<64x32xf32, #tpu.memory_space<vmem_shared>>) target_semaphore(%run_scoped3A : memref<!tpu.dma_semaphore, #tpu.memory_space<semaphore_mem>>)
      %dma_wait3A = arith.constant 0 : i32
      %dma_wait3A_59 = arith.constant 0 : i32
      %dma_wait3A_60 = tpu.memref_slice %arg8[%dma_wait3A, %dma_wait3A_59] : memref<768x32xf32, #tpu.memory_space<vmem>> -> memref<256x32xf32, #tpu.memory_space<vmem>>
      %dma_wait3A_61 = arith.constant 0 : i32
      %dma_wait3A_62 = arith.constant 0 : i32
      %dma_wait3A_63 = tpu.memref_slice %dma_wait3A_60[%dma_wait3A_61, %dma_wait3A_62] : memref<256x32xf32, #tpu.memory_space<vmem>> -> memref<64x32xf32, #tpu.memory_space<vmem>>
      %dma_wait3A_64 = arith.constant 0 : i32
      %dma_wait3A_65 = tpu.memref_slice %arg9[%add3A_10, %dma_wait3A_64] : memref<50176x32xf32, #tpu.memory_space<vmem_shared>> -> memref<64x32xf32, #tpu.memory_space<vmem_shared>>
      %dma_wait3A_66 = arith.constant 0 : i32
      %dma_wait3A_67 = tpu.memref_slice %arg9[%add3A_10, %dma_wait3A_66] : memref<50176x32xf32, #tpu.memory_space<vmem_shared>> -> memref<64x32xf32, #tpu.memory_space<vmem_shared>>
      %dma_wait3A_68 = arith.constant 0 : i32
      %dma_wait3A_69 = arith.constant 0 : i32
      %dma_wait3A_70 = tpu.memref_slice %arg8[%dma_wait3A_68, %dma_wait3A_69] : memref<768x32xf32, #tpu.memory_space<vmem>> -> memref<256x32xf32, #tpu.memory_space<vmem>>
      %dma_wait3A_71 = arith.constant 0 : i32
      %dma_wait3A_72 = arith.constant 0 : i32
      %dma_wait3A_73 = tpu.memref_slice %dma_wait3A_70[%dma_wait3A_71, %dma_wait3A_72] : memref<256x32xf32, #tpu.memory_space<vmem>> -> memref<64x32xf32, #tpu.memory_space<vmem>>
      tpu.wait_dma2 semaphore(%run_scoped3A : memref<!tpu.dma_semaphore, #tpu.memory_space<semaphore_mem>>) src(%dma_wait3A_73 : memref<64x32xf32, #tpu.memory_space<vmem>>) dst(%dma_wait3A_67 : memref<64x32xf32, #tpu.memory_space<vmem_shared>>)
      tpu.yield
    }) : () -> ()
    %barrier3A = arith.constant 0 : index
    tpu.barrier barrier_id(%barrier3A)
    %mul3A_11 = arith.constant 400 : i32
    %mul3A_12 = arith.muli %arg1, %mul3A_11 : i32
    %jit3A = arith.constant 2 : i32
    %div3A = arith.divsi %mul3A_12, %jit3A : i32
    %sign3A = arith.constant 0 : i32
    %sign3A_13 = arith.cmpi sgt, %mul3A_12, %sign3A : i32
    %sign3A_14 = arith.extui %sign3A_13 : i1 to i32
    %sign3A_15 = arith.constant 0 : i32
    %sign3A_16 = arith.cmpi slt, %mul3A_12, %sign3A_15 : i32
    %sign3A_17 = arith.extui %sign3A_16 : i1 to i32
    %sign3A_18 = arith.subi %sign3A_14, %sign3A_17 : i32
    %sign3A_19 = arith.constant 0 : i32
    %sign3A_20 = arith.cmpi sgt, %jit3A, %sign3A_19 : i32
    %sign3A_21 = arith.extui %sign3A_20 : i1 to i32
    %sign3A_22 = arith.constant 0 : i32
    %sign3A_23 = arith.cmpi slt, %jit3A, %sign3A_22 : i32
    %sign3A_24 = arith.extui %sign3A_23 : i1 to i32
    %sign3A_25 = arith.subi %sign3A_21, %sign3A_24 : i32
    %ne3A = arith.cmpi ne, %sign3A_18, %sign3A_25 : i32
    %rem3A = arith.remsi %mul3A_12, %jit3A : i32
    %ne3A_26 = arith.constant 0 : i32
    %ne3A_27 = arith.cmpi ne, %rem3A, %ne3A_26 : i32
    %and3A = arith.andi %ne3A, %ne3A_27 : i1
    %sub3A = arith.constant 1 : i32
    %sub3A_28 = arith.subi %div3A, %sub3A : i32
    %select_n3A = arith.select %and3A, %sub3A_28, %div3A : i32
    %scan3A_29 = arith.constant 0 : i32
    %scan3A_30 = arith.constant 25 : i32
    %scan3A_31 = arith.addi %scan3A_29, %scan3A_30 : i32
    %scan3A_32 = arith.constant 1 : i32
    scf.for %scan3A_44 = %scan3A_29 to %scan3A_31 step %scan3A_32  : i32 {
      %mul3A_45 = arith.constant 1 : i32
      %mul3A_46 = arith.muli %scan3A_44, %mul3A_45 : i32
      %add3A_47 = arith.constant 0 : i32
      %add3A_48 = arith.addi %add3A_47, %mul3A_46 : i32
      %mul3A_49 = arith.constant 8 : i32
      %mul3A_50 = arith.muli %add3A_48, %mul3A_49 : i32
      %add3A_51 = arith.addi %select_n3A, %mul3A_50 : i32
      "tpu.region"() ({
        %run_scoped3A = tpu.sem_alloc : memref<!tpu.dma_semaphore, #tpu.memory_space<semaphore_mem>>
        %dma_start3A_437 = arith.constant 0 : i32
        %dma_start3A_438 = tpu.memref_slice %arg2[%add3A_51, %dma_start3A_437] : memref<3200x256xi32, #tpu.memory_space<hbm>> -> memref<8x256xi32, #tpu.memory_space<hbm>>
        %dma_start3A_439 = arith.constant 0 : i32
        %dma_start3A_440 = tpu.memref_slice %arg2[%add3A_51, %dma_start3A_439] : memref<3200x256xi32, #tpu.memory_space<hbm>> -> memref<8x256xi32, #tpu.memory_space<hbm>>
        tpu.enqueue_dma source(%dma_start3A_440 : memref<8x256xi32, #tpu.memory_space<hbm>>) target(%arg6 : memref<8x256xi32, #tpu.memory_space<vmem>>) target_semaphore(%run_scoped3A : memref<!tpu.dma_semaphore, #tpu.memory_space<semaphore_mem>>)
        %dma_wait3A_441 = arith.constant 0 : i32
        %dma_wait3A_442 = tpu.memref_slice %arg2[%add3A_51, %dma_wait3A_441] : memref<3200x256xi32, #tpu.memory_space<hbm>> -> memref<8x256xi32, #tpu.memory_space<hbm>>
        %dma_wait3A_443 = arith.constant 0 : i32
        %dma_wait3A_444 = tpu.memref_slice %arg2[%add3A_51, %dma_wait3A_443] : memref<3200x256xi32, #tpu.memory_space<hbm>> -> memref<8x256xi32, #tpu.memory_space<hbm>>
        tpu.wait_dma2 semaphore(%run_scoped3A : memref<!tpu.dma_semaphore, #tpu.memory_space<semaphore_mem>>) src(%dma_wait3A_444 : memref<8x256xi32, #tpu.memory_space<hbm>>) dst(%arg6 : memref<8x256xi32, #tpu.memory_space<vmem>>)
        tpu.yield
      }) : () -> ()
      %mul3A_52 = arith.constant 8 : i32
      %mul3A_53 = arith.muli %add3A_48, %mul3A_52 : i32
      %add3A_54 = arith.addi %select_n3A, %mul3A_53 : i32
      "tpu.region"() ({
        %run_scoped3A = tpu.sem_alloc : memref<!tpu.dma_semaphore, #tpu.memory_space<semaphore_mem>>
        %dma_start3A_437 = arith.constant 0 : i32
        %dma_start3A_438 = tpu.memref_slice %arg3[%add3A_54, %dma_start3A_437] : memref<3200x256xi32, #tpu.memory_space<hbm>> -> memref<8x256xi32, #tpu.memory_space<hbm>>
        %dma_start3A_439 = arith.constant 0 : i32
        %dma_start3A_440 = tpu.memref_slice %arg3[%add3A_54, %dma_start3A_439] : memref<3200x256xi32, #tpu.memory_space<hbm>> -> memref<8x256xi32, #tpu.memory_space<hbm>>
        tpu.enqueue_dma source(%dma_start3A_440 : memref<8x256xi32, #tpu.memory_space<hbm>>) target(%arg7 : memref<8x256xi32, #tpu.memory_space<vmem>>) target_semaphore(%run_scoped3A : memref<!tpu.dma_semaphore, #tpu.memory_space<semaphore_mem>>)
        %dma_wait3A_441 = arith.constant 0 : i32
        %dma_wait3A_442 = tpu.memref_slice %arg3[%add3A_54, %dma_wait3A_441] : memref<3200x256xi32, #tpu.memory_space<hbm>> -> memref<8x256xi32, #tpu.memory_space<hbm>>
        %dma_wait3A_443 = arith.constant 0 : i32
        %dma_wait3A_444 = tpu.memref_slice %arg3[%add3A_54, %dma_wait3A_443] : memref<3200x256xi32, #tpu.memory_space<hbm>> -> memref<8x256xi32, #tpu.memory_space<hbm>>
        tpu.wait_dma2 semaphore(%run_scoped3A : memref<!tpu.dma_semaphore, #tpu.memory_space<semaphore_mem>>) src(%dma_wait3A_444 : memref<8x256xi32, #tpu.memory_space<hbm>>) dst(%arg7 : memref<8x256xi32, #tpu.memory_space<vmem>>)
        tpu.yield
      }) : () -> ()
      %dma_start3A = arith.constant 0 : i32
      %dma_start3A_55 = arith.constant 0 : i32
      %dma_start3A_56 = arith.constant 0 : i32
      %dma_start3A_57 = tpu.memref_slice %arg8[%dma_start3A_55, %dma_start3A_56] : memref<768x32xf32, #tpu.memory_space<vmem>> -> memref<256x32xf32, #tpu.memory_space<vmem>>
      %dma_start3A_58 = arith.constant 0 : i32
      %dma_start3A_59 = tpu.memref_slice %arg6[%dma_start3A, %dma_start3A_58] : memref<8x256xi32, #tpu.memory_space<vmem>> -> memref<1x256xi32, #tpu.memory_space<vmem>>
      %dma_start3A_60 = tpu.memref_squeeze %dma_start3A_59 : memref<1x256xi32, #tpu.memory_space<vmem>> -> memref<256xi32, #tpu.memory_space<vmem>>
      %dma_start3A_61 = arith.constant 0 : i32
      %dma_start3A_62 = arith.constant 0 : i32
      %dma_start3A_63 = tpu.memref_slice %arg4[%arg0, %dma_start3A_61, %dma_start3A_62] : memref<2x50176x32xf32, #tpu.memory_space<hbm>> -> memref<1x50176x32xf32, #tpu.memory_space<hbm>>
      %dma_start3A_64 = tpu.memref_squeeze %dma_start3A_63 : memref<1x50176x32xf32, #tpu.memory_space<hbm>> -> memref<50176x32xf32, #tpu.memory_space<hbm>>
      %dma_start3A_65 = arith.constant 0 : i32
      %dma_start3A_66 = arith.constant 0 : i32
      %dma_start3A_67 = tpu.memref_slice %dma_start3A_64[%dma_start3A_65, %dma_start3A_66] : memref<50176x32xf32, #tpu.memory_space<hbm>> -> memref<50176x32xf32, #tpu.memory_space<hbm>>
      tpu.enqueue_indirect_dma source(%dma_start3A_67 : memref<50176x32xf32, #tpu.memory_space<hbm>>) target(%dma_start3A_57 : memref<256x32xf32, #tpu.memory_space<vmem>>) offsets(%dma_start3A_60 : memref<256xi32, #tpu.memory_space<vmem>>) semaphore(%arg10 : memref<!tpu.dma_semaphore, #tpu.memory_space<semaphore_mem>>)
      %dma_start3A_68 = arith.constant 1 : i32
      %dma_start3A_69 = arith.constant 256 : i32
      %dma_start3A_70 = arith.constant 0 : i32
      %dma_start3A_71 = tpu.memref_slice %arg8[%dma_start3A_69, %dma_start3A_70] : memref<768x32xf32, #tpu.memory_space<vmem>> -> memref<256x32xf32, #tpu.memory_space<vmem>>
      %dma_start3A_72 = arith.constant 0 : i32
      %dma_start3A_73 = tpu.memref_slice %arg6[%dma_start3A_68, %dma_start3A_72] : memref<8x256xi32, #tpu.memory_space<vmem>> -> memref<1x256xi32, #tpu.memory_space<vmem>>
      %dma_start3A_74 = tpu.memref_squeeze %dma_start3A_73 : memref<1x256xi32, #tpu.memory_space<vmem>> -> memref<256xi32, #tpu.memory_space<vmem>>
      %dma_start3A_75 = arith.constant 0 : i32
      %dma_start3A_76 = arith.constant 0 : i32
      %dma_start3A_77 = tpu.memref_slice %arg4[%arg0, %dma_start3A_75, %dma_start3A_76] : memref<2x50176x32xf32, #tpu.memory_space<hbm>> -> memref<1x50176x32xf32, #tpu.memory_space<hbm>>
      %dma_start3A_78 = tpu.memref_squeeze %dma_start3A_77 : memref<1x50176x32xf32, #tpu.memory_space<hbm>> -> memref<50176x32xf32, #tpu.memory_space<hbm>>
      %dma_start3A_79 = arith.constant 0 : i32
      %dma_start3A_80 = arith.constant 0 : i32
      %dma_start3A_81 = tpu.memref_slice %dma_start3A_78[%dma_start3A_79, %dma_start3A_80] : memref<50176x32xf32, #tpu.memory_space<hbm>> -> memref<50176x32xf32, #tpu.memory_space<hbm>>
      tpu.enqueue_indirect_dma source(%dma_start3A_81 : memref<50176x32xf32, #tpu.memory_space<hbm>>) target(%dma_start3A_71 : memref<256x32xf32, #tpu.memory_space<vmem>>) offsets(%dma_start3A_74 : memref<256xi32, #tpu.memory_space<vmem>>) semaphore(%arg11 : memref<!tpu.dma_semaphore, #tpu.memory_space<semaphore_mem>>)
      %dma_wait3A = arith.constant 0 : i32
      %dma_wait3A_82 = arith.constant 0 : i32
      %dma_wait3A_83 = arith.constant 0 : i32
      %dma_wait3A_84 = tpu.memref_slice %arg8[%dma_wait3A_82, %dma_wait3A_83] : memref<768x32xf32, #tpu.memory_space<vmem>> -> memref<256x32xf32, #tpu.memory_space<vmem>>
      %dma_wait3A_85 = arith.constant 0 : i32
      %dma_wait3A_86 = tpu.memref_slice %arg6[%dma_wait3A, %dma_wait3A_85] : memref<8x256xi32, #tpu.memory_space<vmem>> -> memref<1x256xi32, #tpu.memory_space<vmem>>
      %dma_wait3A_87 = tpu.memref_squeeze %dma_wait3A_86 : memref<1x256xi32, #tpu.memory_space<vmem>> -> memref<256xi32, #tpu.memory_space<vmem>>
      %dma_wait3A_88 = arith.constant 0 : i32
      %dma_wait3A_89 = arith.constant 0 : i32
      %dma_wait3A_90 = tpu.memref_slice %arg4[%arg0, %dma_wait3A_88, %dma_wait3A_89] : memref<2x50176x32xf32, #tpu.memory_space<hbm>> -> memref<1x50176x32xf32, #tpu.memory_space<hbm>>
      %dma_wait3A_91 = tpu.memref_squeeze %dma_wait3A_90 : memref<1x50176x32xf32, #tpu.memory_space<hbm>> -> memref<50176x32xf32, #tpu.memory_space<hbm>>
      %dma_wait3A_92 = arith.constant 0 : i32
      %dma_wait3A_93 = arith.constant 0 : i32
      %dma_wait3A_94 = tpu.memref_slice %dma_wait3A_91[%dma_wait3A_92, %dma_wait3A_93] : memref<50176x32xf32, #tpu.memory_space<hbm>> -> memref<50176x32xf32, #tpu.memory_space<hbm>>
      tpu.wait_indirect_dma semaphore(%arg10 : memref<!tpu.dma_semaphore, #tpu.memory_space<semaphore_mem>>) src(%dma_wait3A_94 : memref<50176x32xf32, #tpu.memory_space<hbm>>) dst(%dma_wait3A_84 : memref<256x32xf32, #tpu.memory_space<vmem>>)
      %dma_start3A_95 = arith.constant 0 : i32
      %dma_start3A_96 = arith.constant 0 : i32
      %dma_start3A_97 = arith.constant 0 : i32
      %dma_start3A_98 = tpu.memref_slice %arg8[%dma_start3A_96, %dma_start3A_97] : memref<768x32xf32, #tpu.memory_space<vmem>> -> memref<256x32xf32, #tpu.memory_space<vmem>>
      %dma_start3A_99 = arith.constant 0 : i32
      %dma_start3A_100 = tpu.memref_slice %arg7[%dma_start3A_95, %dma_start3A_99] : memref<8x256xi32, #tpu.memory_space<vmem>> -> memref<1x256xi32, #tpu.memory_space<vmem>>
      %dma_start3A_101 = tpu.memref_squeeze %dma_start3A_100 : memref<1x256xi32, #tpu.memory_space<vmem>> -> memref<256xi32, #tpu.memory_space<vmem>>
      %dma_start3A_102 = arith.constant 0 : i32
      %dma_start3A_103 = arith.constant 0 : i32
      %dma_start3A_104 = tpu.memref_slice %arg9[%dma_start3A_102, %dma_start3A_103] : memref<50176x32xf32, #tpu.memory_space<vmem_shared>> -> memref<50176x32xf32, #tpu.memory_space<vmem_shared>>
      tpu.enqueue_indirect_dma source(%dma_start3A_98 : memref<256x32xf32, #tpu.memory_space<vmem>>) target(%dma_start3A_104 : memref<50176x32xf32, #tpu.memory_space<vmem_shared>>) offsets(%dma_start3A_101 : memref<256xi32, #tpu.memory_space<vmem>>) semaphore(%arg12 : memref<!tpu.dma_semaphore, #tpu.memory_space<semaphore_mem>>) {add = true}
      %dma_start3A_105 = arith.constant 2 : i32
      %dma_start3A_106 = arith.constant 512 : i32
      %dma_start3A_107 = arith.constant 0 : i32
      %dma_start3A_108 = tpu.memref_slice %arg8[%dma_start3A_106, %dma_start3A_107] : memref<768x32xf32, #tpu.memory_space<vmem>> -> memref<256x32xf32, #tpu.memory_space<vmem>>
      %dma_start3A_109 = arith.constant 0 : i32
      %dma_start3A_110 = tpu.memref_slice %arg6[%dma_start3A_105, %dma_start3A_109] : memref<8x256xi32, #tpu.memory_space<vmem>> -> memref<1x256xi32, #tpu.memory_space<vmem>>
      %dma_start3A_111 = tpu.memref_squeeze %dma_start3A_110 : memref<1x256xi32, #tpu.memory_space<vmem>> -> memref<256xi32, #tpu.memory_space<vmem>>
      %dma_start3A_112 = arith.constant 0 : i32
      %dma_start3A_113 = arith.constant 0 : i32
      %dma_start3A_114 = tpu.memref_slice %arg4[%arg0, %dma_start3A_112, %dma_start3A_113] : memref<2x50176x32xf32, #tpu.memory_space<hbm>> -> memref<1x50176x32xf32, #tpu.memory_space<hbm>>
      %dma_start3A_115 = tpu.memref_squeeze %dma_start3A_114 : memref<1x50176x32xf32, #tpu.memory_space<hbm>> -> memref<50176x32xf32, #tpu.memory_space<hbm>>
      %dma_start3A_116 = arith.constant 0 : i32
      %dma_start3A_117 = arith.constant 0 : i32
      %dma_start3A_118 = tpu.memref_slice %dma_start3A_115[%dma_start3A_116, %dma_start3A_117] : memref<50176x32xf32, #tpu.memory_space<hbm>> -> memref<50176x32xf32, #tpu.memory_space<hbm>>
      tpu.enqueue_indirect_dma source(%dma_start3A_118 : memref<50176x32xf32, #tpu.memory_space<hbm>>) target(%dma_start3A_108 : memref<256x32xf32, #tpu.memory_space<vmem>>) offsets(%dma_start3A_111 : memref<256xi32, #tpu.memory_space<vmem>>) semaphore(%arg10 : memref<!tpu.dma_semaphore, #tpu.memory_space<semaphore_mem>>)
      %dma_wait3A_119 = arith.constant 0 : i32
      %dma_wait3A_120 = arith.constant 0 : i32
      %dma_wait3A_121 = arith.constant 0 : i32
      %dma_wait3A_122 = tpu.memref_slice %arg8[%dma_wait3A_120, %dma_wait3A_121] : memref<768x32xf32, #tpu.memory_space<vmem>> -> memref<256x32xf32, #tpu.memory_space<vmem>>
      %dma_wait3A_123 = arith.constant 0 : i32
      %dma_wait3A_124 = tpu.memref_slice %arg6[%dma_wait3A_119, %dma_wait3A_123] : memref<8x256xi32, #tpu.memory_space<vmem>> -> memref<1x256xi32, #tpu.memory_space<vmem>>
      %dma_wait3A_125 = tpu.memref_squeeze %dma_wait3A_124 : memref<1x256xi32, #tpu.memory_space<vmem>> -> memref<256xi32, #tpu.memory_space<vmem>>
      %dma_wait3A_126 = arith.constant 0 : i32
      %dma_wait3A_127 = arith.constant 0 : i32
      %dma_wait3A_128 = tpu.memref_slice %arg4[%arg0, %dma_wait3A_126, %dma_wait3A_127] : memref<2x50176x32xf32, #tpu.memory_space<hbm>> -> memref<1x50176x32xf32, #tpu.memory_space<hbm>>
      %dma_wait3A_129 = tpu.memref_squeeze %dma_wait3A_128 : memref<1x50176x32xf32, #tpu.memory_space<hbm>> -> memref<50176x32xf32, #tpu.memory_space<hbm>>
      %dma_wait3A_130 = arith.constant 0 : i32
      %dma_wait3A_131 = arith.constant 0 : i32
      %dma_wait3A_132 = tpu.memref_slice %dma_wait3A_129[%dma_wait3A_130, %dma_wait3A_131] : memref<50176x32xf32, #tpu.memory_space<hbm>> -> memref<50176x32xf32, #tpu.memory_space<hbm>>
      tpu.wait_indirect_dma semaphore(%arg11 : memref<!tpu.dma_semaphore, #tpu.memory_space<semaphore_mem>>) src(%dma_wait3A_132 : memref<50176x32xf32, #tpu.memory_space<hbm>>) dst(%dma_wait3A_122 : memref<256x32xf32, #tpu.memory_space<vmem>>)
      %dma_start3A_133 = arith.constant 1 : i32
      %dma_start3A_134 = arith.constant 256 : i32
      %dma_start3A_135 = arith.constant 0 : i32
      %dma_start3A_136 = tpu.memref_slice %arg8[%dma_start3A_134, %dma_start3A_135] : memref<768x32xf32, #tpu.memory_space<vmem>> -> memref<256x32xf32, #tpu.memory_space<vmem>>
      %dma_start3A_137 = arith.constant 0 : i32
      %dma_start3A_138 = tpu.memref_slice %arg7[%dma_start3A_133, %dma_start3A_137] : memref<8x256xi32, #tpu.memory_space<vmem>> -> memref<1x256xi32, #tpu.memory_space<vmem>>
      %dma_start3A_139 = tpu.memref_squeeze %dma_start3A_138 : memref<1x256xi32, #tpu.memory_space<vmem>> -> memref<256xi32, #tpu.memory_space<vmem>>
      %dma_start3A_140 = arith.constant 0 : i32
      %dma_start3A_141 = arith.constant 0 : i32
      %dma_start3A_142 = tpu.memref_slice %arg9[%dma_start3A_140, %dma_start3A_141] : memref<50176x32xf32, #tpu.memory_space<vmem_shared>> -> memref<50176x32xf32, #tpu.memory_space<vmem_shared>>
      tpu.enqueue_indirect_dma source(%dma_start3A_136 : memref<256x32xf32, #tpu.memory_space<vmem>>) target(%dma_start3A_142 : memref<50176x32xf32, #tpu.memory_space<vmem_shared>>) offsets(%dma_start3A_139 : memref<256xi32, #tpu.memory_space<vmem>>) semaphore(%arg13 : memref<!tpu.dma_semaphore, #tpu.memory_space<semaphore_mem>>) {add = true}
      %dma_wait3A_143 = arith.constant 0 : i32
      %dma_wait3A_144 = arith.constant 0 : i32
      %dma_wait3A_145 = arith.constant 0 : i32
      %dma_wait3A_146 = tpu.memref_slice %arg8[%dma_wait3A_144, %dma_wait3A_145] : memref<768x32xf32, #tpu.memory_space<vmem>> -> memref<256x32xf32, #tpu.memory_space<vmem>>
      %dma_wait3A_147 = arith.constant 0 : i32
      %dma_wait3A_148 = tpu.memref_slice %arg7[%dma_wait3A_143, %dma_wait3A_147] : memref<8x256xi32, #tpu.memory_space<vmem>> -> memref<1x256xi32, #tpu.memory_space<vmem>>
      %dma_wait3A_149 = tpu.memref_squeeze %dma_wait3A_148 : memref<1x256xi32, #tpu.memory_space<vmem>> -> memref<256xi32, #tpu.memory_space<vmem>>
      %dma_wait3A_150 = arith.constant 0 : i32
      %dma_wait3A_151 = arith.constant 0 : i32
      %dma_wait3A_152 = tpu.memref_slice %arg9[%dma_wait3A_150, %dma_wait3A_151] : memref<50176x32xf32, #tpu.memory_space<vmem_shared>> -> memref<50176x32xf32, #tpu.memory_space<vmem_shared>>
      tpu.wait_indirect_dma semaphore(%arg12 : memref<!tpu.dma_semaphore, #tpu.memory_space<semaphore_mem>>) src(%dma_wait3A_146 : memref<256x32xf32, #tpu.memory_space<vmem>>) dst(%dma_wait3A_152 : memref<50176x32xf32, #tpu.memory_space<vmem_shared>>)
      %dma_start3A_153 = arith.constant 3 : i32
      %dma_start3A_154 = arith.constant 0 : i32
      %dma_start3A_155 = arith.constant 0 : i32
      %dma_start3A_156 = tpu.memref_slice %arg8[%dma_start3A_154, %dma_start3A_155] : memref<768x32xf32, #tpu.memory_space<vmem>> -> memref<256x32xf32, #tpu.memory_space<vmem>>
      %dma_start3A_157 = arith.constant 0 : i32
      %dma_start3A_158 = tpu.memref_slice %arg6[%dma_start3A_153, %dma_start3A_157] : memref<8x256xi32, #tpu.memory_space<vmem>> -> memref<1x256xi32, #tpu.memory_space<vmem>>
      %dma_start3A_159 = tpu.memref_squeeze %dma_start3A_158 : memref<1x256xi32, #tpu.memory_space<vmem>> -> memref<256xi32, #tpu.memory_space<vmem>>
      %dma_start3A_160 = arith.constant 0 : i32
      %dma_start3A_161 = arith.constant 0 : i32
      %dma_start3A_162 = tpu.memref_slice %arg4[%arg0, %dma_start3A_160, %dma_start3A_161] : memref<2x50176x32xf32, #tpu.memory_space<hbm>> -> memref<1x50176x32xf32, #tpu.memory_space<hbm>>
      %dma_start3A_163 = tpu.memref_squeeze %dma_start3A_162 : memref<1x50176x32xf32, #tpu.memory_space<hbm>> -> memref<50176x32xf32, #tpu.memory_space<hbm>>
      %dma_start3A_164 = arith.constant 0 : i32
      %dma_start3A_165 = arith.constant 0 : i32
      %dma_start3A_166 = tpu.memref_slice %dma_start3A_163[%dma_start3A_164, %dma_start3A_165] : memref<50176x32xf32, #tpu.memory_space<hbm>> -> memref<50176x32xf32, #tpu.memory_space<hbm>>
      tpu.enqueue_indirect_dma source(%dma_start3A_166 : memref<50176x32xf32, #tpu.memory_space<hbm>>) target(%dma_start3A_156 : memref<256x32xf32, #tpu.memory_space<vmem>>) offsets(%dma_start3A_159 : memref<256xi32, #tpu.memory_space<vmem>>) semaphore(%arg11 : memref<!tpu.dma_semaphore, #tpu.memory_space<semaphore_mem>>)
      %dma_wait3A_167 = arith.constant 0 : i32
      %dma_wait3A_168 = arith.constant 0 : i32
      %dma_wait3A_169 = arith.constant 0 : i32
      %dma_wait3A_170 = tpu.memref_slice %arg8[%dma_wait3A_168, %dma_wait3A_169] : memref<768x32xf32, #tpu.memory_space<vmem>> -> memref<256x32xf32, #tpu.memory_space<vmem>>
      %dma_wait3A_171 = arith.constant 0 : i32
      %dma_wait3A_172 = tpu.memref_slice %arg6[%dma_wait3A_167, %dma_wait3A_171] : memref<8x256xi32, #tpu.memory_space<vmem>> -> memref<1x256xi32, #tpu.memory_space<vmem>>
      %dma_wait3A_173 = tpu.memref_squeeze %dma_wait3A_172 : memref<1x256xi32, #tpu.memory_space<vmem>> -> memref<256xi32, #tpu.memory_space<vmem>>
      %dma_wait3A_174 = arith.constant 0 : i32
      %dma_wait3A_175 = arith.constant 0 : i32
      %dma_wait3A_176 = tpu.memref_slice %arg4[%arg0, %dma_wait3A_174, %dma_wait3A_175] : memref<2x50176x32xf32, #tpu.memory_space<hbm>> -> memref<1x50176x32xf32, #tpu.memory_space<hbm>>
      %dma_wait3A_177 = tpu.memref_squeeze %dma_wait3A_176 : memref<1x50176x32xf32, #tpu.memory_space<hbm>> -> memref<50176x32xf32, #tpu.memory_space<hbm>>
      %dma_wait3A_178 = arith.constant 0 : i32
      %dma_wait3A_179 = arith.constant 0 : i32
      %dma_wait3A_180 = tpu.memref_slice %dma_wait3A_177[%dma_wait3A_178, %dma_wait3A_179] : memref<50176x32xf32, #tpu.memory_space<hbm>> -> memref<50176x32xf32, #tpu.memory_space<hbm>>
      tpu.wait_indirect_dma semaphore(%arg10 : memref<!tpu.dma_semaphore, #tpu.memory_space<semaphore_mem>>) src(%dma_wait3A_180 : memref<50176x32xf32, #tpu.memory_space<hbm>>) dst(%dma_wait3A_170 : memref<256x32xf32, #tpu.memory_space<vmem>>)
      %dma_start3A_181 = arith.constant 2 : i32
      %dma_start3A_182 = arith.constant 512 : i32
      %dma_start3A_183 = arith.constant 0 : i32
      %dma_start3A_184 = tpu.memref_slice %arg8[%dma_start3A_182, %dma_start3A_183] : memref<768x32xf32, #tpu.memory_space<vmem>> -> memref<256x32xf32, #tpu.memory_space<vmem>>
      %dma_start3A_185 = arith.constant 0 : i32
      %dma_start3A_186 = tpu.memref_slice %arg7[%dma_start3A_181, %dma_start3A_185] : memref<8x256xi32, #tpu.memory_space<vmem>> -> memref<1x256xi32, #tpu.memory_space<vmem>>
      %dma_start3A_187 = tpu.memref_squeeze %dma_start3A_186 : memref<1x256xi32, #tpu.memory_space<vmem>> -> memref<256xi32, #tpu.memory_space<vmem>>
      %dma_start3A_188 = arith.constant 0 : i32
      %dma_start3A_189 = arith.constant 0 : i32
      %dma_start3A_190 = tpu.memref_slice %arg9[%dma_start3A_188, %dma_start3A_189] : memref<50176x32xf32, #tpu.memory_space<vmem_shared>> -> memref<50176x32xf32, #tpu.memory_space<vmem_shared>>
      tpu.enqueue_indirect_dma source(%dma_start3A_184 : memref<256x32xf32, #tpu.memory_space<vmem>>) target(%dma_start3A_190 : memref<50176x32xf32, #tpu.memory_space<vmem_shared>>) offsets(%dma_start3A_187 : memref<256xi32, #tpu.memory_space<vmem>>) semaphore(%arg12 : memref<!tpu.dma_semaphore, #tpu.memory_space<semaphore_mem>>) {add = true}
      %dma_wait3A_191 = arith.constant 0 : i32
      %dma_wait3A_192 = arith.constant 0 : i32
      %dma_wait3A_193 = arith.constant 0 : i32
      %dma_wait3A_194 = tpu.memref_slice %arg8[%dma_wait3A_192, %dma_wait3A_193] : memref<768x32xf32, #tpu.memory_space<vmem>> -> memref<256x32xf32, #tpu.memory_space<vmem>>
      %dma_wait3A_195 = arith.constant 0 : i32
      %dma_wait3A_196 = tpu.memref_slice %arg7[%dma_wait3A_191, %dma_wait3A_195] : memref<8x256xi32, #tpu.memory_space<vmem>> -> memref<1x256xi32, #tpu.memory_space<vmem>>
      %dma_wait3A_197 = tpu.memref_squeeze %dma_wait3A_196 : memref<1x256xi32, #tpu.memory_space<vmem>> -> memref<256xi32, #tpu.memory_space<vmem>>
      %dma_wait3A_198 = arith.constant 0 : i32
      %dma_wait3A_199 = arith.constant 0 : i32
      %dma_wait3A_200 = tpu.memref_slice %arg9[%dma_wait3A_198, %dma_wait3A_199] : memref<50176x32xf32, #tpu.memory_space<vmem_shared>> -> memref<50176x32xf32, #tpu.memory_space<vmem_shared>>
      tpu.wait_indirect_dma semaphore(%arg13 : memref<!tpu.dma_semaphore, #tpu.memory_space<semaphore_mem>>) src(%dma_wait3A_194 : memref<256x32xf32, #tpu.memory_space<vmem>>) dst(%dma_wait3A_200 : memref<50176x32xf32, #tpu.memory_space<vmem_shared>>)
      %dma_start3A_201 = arith.constant 4 : i32
      %dma_start3A_202 = arith.constant 256 : i32
      %dma_start3A_203 = arith.constant 0 : i32
      %dma_start3A_204 = tpu.memref_slice %arg8[%dma_start3A_202, %dma_start3A_203] : memref<768x32xf32, #tpu.memory_space<vmem>> -> memref<256x32xf32, #tpu.memory_space<vmem>>
      %dma_start3A_205 = arith.constant 0 : i32
      %dma_start3A_206 = tpu.memref_slice %arg6[%dma_start3A_201, %dma_start3A_205] : memref<8x256xi32, #tpu.memory_space<vmem>> -> memref<1x256xi32, #tpu.memory_space<vmem>>
      %dma_start3A_207 = tpu.memref_squeeze %dma_start3A_206 : memref<1x256xi32, #tpu.memory_space<vmem>> -> memref<256xi32, #tpu.memory_space<vmem>>
      %dma_start3A_208 = arith.constant 0 : i32
      %dma_start3A_209 = arith.constant 0 : i32
      %dma_start3A_210 = tpu.memref_slice %arg4[%arg0, %dma_start3A_208, %dma_start3A_209] : memref<2x50176x32xf32, #tpu.memory_space<hbm>> -> memref<1x50176x32xf32, #tpu.memory_space<hbm>>
      %dma_start3A_211 = tpu.memref_squeeze %dma_start3A_210 : memref<1x50176x32xf32, #tpu.memory_space<hbm>> -> memref<50176x32xf32, #tpu.memory_space<hbm>>
      %dma_start3A_212 = arith.constant 0 : i32
      %dma_start3A_213 = arith.constant 0 : i32
      %dma_start3A_214 = tpu.memref_slice %dma_start3A_211[%dma_start3A_212, %dma_start3A_213] : memref<50176x32xf32, #tpu.memory_space<hbm>> -> memref<50176x32xf32, #tpu.memory_space<hbm>>
      tpu.enqueue_indirect_dma source(%dma_start3A_214 : memref<50176x32xf32, #tpu.memory_space<hbm>>) target(%dma_start3A_204 : memref<256x32xf32, #tpu.memory_space<vmem>>) offsets(%dma_start3A_207 : memref<256xi32, #tpu.memory_space<vmem>>) semaphore(%arg10 : memref<!tpu.dma_semaphore, #tpu.memory_space<semaphore_mem>>)
      %dma_wait3A_215 = arith.constant 0 : i32
      %dma_wait3A_216 = arith.constant 0 : i32
      %dma_wait3A_217 = arith.constant 0 : i32
      %dma_wait3A_218 = tpu.memref_slice %arg8[%dma_wait3A_216, %dma_wait3A_217] : memref<768x32xf32, #tpu.memory_space<vmem>> -> memref<256x32xf32, #tpu.memory_space<vmem>>
      %dma_wait3A_219 = arith.constant 0 : i32
      %dma_wait3A_220 = tpu.memref_slice %arg6[%dma_wait3A_215, %dma_wait3A_219] : memref<8x256xi32, #tpu.memory_space<vmem>> -> memref<1x256xi32, #tpu.memory_space<vmem>>
      %dma_wait3A_221 = tpu.memref_squeeze %dma_wait3A_220 : memref<1x256xi32, #tpu.memory_space<vmem>> -> memref<256xi32, #tpu.memory_space<vmem>>
      %dma_wait3A_222 = arith.constant 0 : i32
      %dma_wait3A_223 = arith.constant 0 : i32
      %dma_wait3A_224 = tpu.memref_slice %arg4[%arg0, %dma_wait3A_222, %dma_wait3A_223] : memref<2x50176x32xf32, #tpu.memory_space<hbm>> -> memref<1x50176x32xf32, #tpu.memory_space<hbm>>
      %dma_wait3A_225 = tpu.memref_squeeze %dma_wait3A_224 : memref<1x50176x32xf32, #tpu.memory_space<hbm>> -> memref<50176x32xf32, #tpu.memory_space<hbm>>
      %dma_wait3A_226 = arith.constant 0 : i32
      %dma_wait3A_227 = arith.constant 0 : i32
      %dma_wait3A_228 = tpu.memref_slice %dma_wait3A_225[%dma_wait3A_226, %dma_wait3A_227] : memref<50176x32xf32, #tpu.memory_space<hbm>> -> memref<50176x32xf32, #tpu.memory_space<hbm>>
      tpu.wait_indirect_dma semaphore(%arg11 : memref<!tpu.dma_semaphore, #tpu.memory_space<semaphore_mem>>) src(%dma_wait3A_228 : memref<50176x32xf32, #tpu.memory_space<hbm>>) dst(%dma_wait3A_218 : memref<256x32xf32, #tpu.memory_space<vmem>>)
      %dma_start3A_229 = arith.constant 3 : i32
      %dma_start3A_230 = arith.constant 0 : i32
      %dma_start3A_231 = arith.constant 0 : i32
      %dma_start3A_232 = tpu.memref_slice %arg8[%dma_start3A_230, %dma_start3A_231] : memref<768x32xf32, #tpu.memory_space<vmem>> -> memref<256x32xf32, #tpu.memory_space<vmem>>
      %dma_start3A_233 = arith.constant 0 : i32
      %dma_start3A_234 = tpu.memref_slice %arg7[%dma_start3A_229, %dma_start3A_233] : memref<8x256xi32, #tpu.memory_space<vmem>> -> memref<1x256xi32, #tpu.memory_space<vmem>>
      %dma_start3A_235 = tpu.memref_squeeze %dma_start3A_234 : memref<1x256xi32, #tpu.memory_space<vmem>> -> memref<256xi32, #tpu.memory_space<vmem>>
      %dma_start3A_236 = arith.constant 0 : i32
      %dma_start3A_237 = arith.constant 0 : i32
      %dma_start3A_238 = tpu.memref_slice %arg9[%dma_start3A_236, %dma_start3A_237] : memref<50176x32xf32, #tpu.memory_space<vmem_shared>> -> memref<50176x32xf32, #tpu.memory_space<vmem_shared>>
      tpu.enqueue_indirect_dma source(%dma_start3A_232 : memref<256x32xf32, #tpu.memory_space<vmem>>) target(%dma_start3A_238 : memref<50176x32xf32, #tpu.memory_space<vmem_shared>>) offsets(%dma_start3A_235 : memref<256xi32, #tpu.memory_space<vmem>>) semaphore(%arg13 : memref<!tpu.dma_semaphore, #tpu.memory_space<semaphore_mem>>) {add = true}
      %dma_wait3A_239 = arith.constant 0 : i32
      %dma_wait3A_240 = arith.constant 0 : i32
      %dma_wait3A_241 = arith.constant 0 : i32
      %dma_wait3A_242 = tpu.memref_slice %arg8[%dma_wait3A_240, %dma_wait3A_241] : memref<768x32xf32, #tpu.memory_space<vmem>> -> memref<256x32xf32, #tpu.memory_space<vmem>>
      %dma_wait3A_243 = arith.constant 0 : i32
      %dma_wait3A_244 = tpu.memref_slice %arg7[%dma_wait3A_239, %dma_wait3A_243] : memref<8x256xi32, #tpu.memory_space<vmem>> -> memref<1x256xi32, #tpu.memory_space<vmem>>
      %dma_wait3A_245 = tpu.memref_squeeze %dma_wait3A_244 : memref<1x256xi32, #tpu.memory_space<vmem>> -> memref<256xi32, #tpu.memory_space<vmem>>
      %dma_wait3A_246 = arith.constant 0 : i32
      %dma_wait3A_247 = arith.constant 0 : i32
      %dma_wait3A_248 = tpu.memref_slice %arg9[%dma_wait3A_246, %dma_wait3A_247] : memref<50176x32xf32, #tpu.memory_space<vmem_shared>> -> memref<50176x32xf32, #tpu.memory_space<vmem_shared>>
      tpu.wait_indirect_dma semaphore(%arg12 : memref<!tpu.dma_semaphore, #tpu.memory_space<semaphore_mem>>) src(%dma_wait3A_242 : memref<256x32xf32, #tpu.memory_space<vmem>>) dst(%dma_wait3A_248 : memref<50176x32xf32, #tpu.memory_space<vmem_shared>>)
      %dma_start3A_249 = arith.constant 5 : i32
      %dma_start3A_250 = arith.constant 512 : i32
      %dma_start3A_251 = arith.constant 0 : i32
      %dma_start3A_252 = tpu.memref_slice %arg8[%dma_start3A_250, %dma_start3A_251] : memref<768x32xf32, #tpu.memory_space<vmem>> -> memref<256x32xf32, #tpu.memory_space<vmem>>
      %dma_start3A_253 = arith.constant 0 : i32
      %dma_start3A_254 = tpu.memref_slice %arg6[%dma_start3A_249, %dma_start3A_253] : memref<8x256xi32, #tpu.memory_space<vmem>> -> memref<1x256xi32, #tpu.memory_space<vmem>>
      %dma_start3A_255 = tpu.memref_squeeze %dma_start3A_254 : memref<1x256xi32, #tpu.memory_space<vmem>> -> memref<256xi32, #tpu.memory_space<vmem>>
      %dma_start3A_256 = arith.constant 0 : i32
      %dma_start3A_257 = arith.constant 0 : i32
      %dma_start3A_258 = tpu.memref_slice %arg4[%arg0, %dma_start3A_256, %dma_start3A_257] : memref<2x50176x32xf32, #tpu.memory_space<hbm>> -> memref<1x50176x32xf32, #tpu.memory_space<hbm>>
      %dma_start3A_259 = tpu.memref_squeeze %dma_start3A_258 : memref<1x50176x32xf32, #tpu.memory_space<hbm>> -> memref<50176x32xf32, #tpu.memory_space<hbm>>
      %dma_start3A_260 = arith.constant 0 : i32
      %dma_start3A_261 = arith.constant 0 : i32
      %dma_start3A_262 = tpu.memref_slice %dma_start3A_259[%dma_start3A_260, %dma_start3A_261] : memref<50176x32xf32, #tpu.memory_space<hbm>> -> memref<50176x32xf32, #tpu.memory_space<hbm>>
      tpu.enqueue_indirect_dma source(%dma_start3A_262 : memref<50176x32xf32, #tpu.memory_space<hbm>>) target(%dma_start3A_252 : memref<256x32xf32, #tpu.memory_space<vmem>>) offsets(%dma_start3A_255 : memref<256xi32, #tpu.memory_space<vmem>>) semaphore(%arg11 : memref<!tpu.dma_semaphore, #tpu.memory_space<semaphore_mem>>)
      %dma_wait3A_263 = arith.constant 0 : i32
      %dma_wait3A_264 = arith.constant 0 : i32
      %dma_wait3A_265 = arith.constant 0 : i32
      %dma_wait3A_266 = tpu.memref_slice %arg8[%dma_wait3A_264, %dma_wait3A_265] : memref<768x32xf32, #tpu.memory_space<vmem>> -> memref<256x32xf32, #tpu.memory_space<vmem>>
      %dma_wait3A_267 = arith.constant 0 : i32
      %dma_wait3A_268 = tpu.memref_slice %arg6[%dma_wait3A_263, %dma_wait3A_267] : memref<8x256xi32, #tpu.memory_space<vmem>> -> memref<1x256xi32, #tpu.memory_space<vmem>>
      %dma_wait3A_269 = tpu.memref_squeeze %dma_wait3A_268 : memref<1x256xi32, #tpu.memory_space<vmem>> -> memref<256xi32, #tpu.memory_space<vmem>>
      %dma_wait3A_270 = arith.constant 0 : i32
      %dma_wait3A_271 = arith.constant 0 : i32
      %dma_wait3A_272 = tpu.memref_slice %arg4[%arg0, %dma_wait3A_270, %dma_wait3A_271] : memref<2x50176x32xf32, #tpu.memory_space<hbm>> -> memref<1x50176x32xf32, #tpu.memory_space<hbm>>
      %dma_wait3A_273 = tpu.memref_squeeze %dma_wait3A_272 : memref<1x50176x32xf32, #tpu.memory_space<hbm>> -> memref<50176x32xf32, #tpu.memory_space<hbm>>
      %dma_wait3A_274 = arith.constant 0 : i32
      %dma_wait3A_275 = arith.constant 0 : i32
      %dma_wait3A_276 = tpu.memref_slice %dma_wait3A_273[%dma_wait3A_274, %dma_wait3A_275] : memref<50176x32xf32, #tpu.memory_space<hbm>> -> memref<50176x32xf32, #tpu.memory_space<hbm>>
      tpu.wait_indirect_dma semaphore(%arg10 : memref<!tpu.dma_semaphore, #tpu.memory_space<semaphore_mem>>) src(%dma_wait3A_276 : memref<50176x32xf32, #tpu.memory_space<hbm>>) dst(%dma_wait3A_266 : memref<256x32xf32, #tpu.memory_space<vmem>>)
      %dma_start3A_277 = arith.constant 4 : i32
      %dma_start3A_278 = arith.constant 256 : i32
      %dma_start3A_279 = arith.constant 0 : i32
      %dma_start3A_280 = tpu.memref_slice %arg8[%dma_start3A_278, %dma_start3A_279] : memref<768x32xf32, #tpu.memory_space<vmem>> -> memref<256x32xf32, #tpu.memory_space<vmem>>
      %dma_start3A_281 = arith.constant 0 : i32
      %dma_start3A_282 = tpu.memref_slice %arg7[%dma_start3A_277, %dma_start3A_281] : memref<8x256xi32, #tpu.memory_space<vmem>> -> memref<1x256xi32, #tpu.memory_space<vmem>>
      %dma_start3A_283 = tpu.memref_squeeze %dma_start3A_282 : memref<1x256xi32, #tpu.memory_space<vmem>> -> memref<256xi32, #tpu.memory_space<vmem>>
      %dma_start3A_284 = arith.constant 0 : i32
      %dma_start3A_285 = arith.constant 0 : i32
      %dma_start3A_286 = tpu.memref_slice %arg9[%dma_start3A_284, %dma_start3A_285] : memref<50176x32xf32, #tpu.memory_space<vmem_shared>> -> memref<50176x32xf32, #tpu.memory_space<vmem_shared>>
      tpu.enqueue_indirect_dma source(%dma_start3A_280 : memref<256x32xf32, #tpu.memory_space<vmem>>) target(%dma_start3A_286 : memref<50176x32xf32, #tpu.memory_space<vmem_shared>>) offsets(%dma_start3A_283 : memref<256xi32, #tpu.memory_space<vmem>>) semaphore(%arg12 : memref<!tpu.dma_semaphore, #tpu.memory_space<semaphore_mem>>) {add = true}
      %dma_wait3A_287 = arith.constant 0 : i32
      %dma_wait3A_288 = arith.constant 0 : i32
      %dma_wait3A_289 = arith.constant 0 : i32
      %dma_wait3A_290 = tpu.memref_slice %arg8[%dma_wait3A_288, %dma_wait3A_289] : memref<768x32xf32, #tpu.memory_space<vmem>> -> memref<256x32xf32, #tpu.memory_space<vmem>>
      %dma_wait3A_291 = arith.constant 0 : i32
      %dma_wait3A_292 = tpu.memref_slice %arg7[%dma_wait3A_287, %dma_wait3A_291] : memref<8x256xi32, #tpu.memory_space<vmem>> -> memref<1x256xi32, #tpu.memory_space<vmem>>
      %dma_wait3A_293 = tpu.memref_squeeze %dma_wait3A_292 : memref<1x256xi32, #tpu.memory_space<vmem>> -> memref<256xi32, #tpu.memory_space<vmem>>
      %dma_wait3A_294 = arith.constant 0 : i32
      %dma_wait3A_295 = arith.constant 0 : i32
      %dma_wait3A_296 = tpu.memref_slice %arg9[%dma_wait3A_294, %dma_wait3A_295] : memref<50176x32xf32, #tpu.memory_space<vmem_shared>> -> memref<50176x32xf32, #tpu.memory_space<vmem_shared>>
      tpu.wait_indirect_dma semaphore(%arg13 : memref<!tpu.dma_semaphore, #tpu.memory_space<semaphore_mem>>) src(%dma_wait3A_290 : memref<256x32xf32, #tpu.memory_space<vmem>>) dst(%dma_wait3A_296 : memref<50176x32xf32, #tpu.memory_space<vmem_shared>>)
      %dma_start3A_297 = arith.constant 6 : i32
      %dma_start3A_298 = arith.constant 0 : i32
      %dma_start3A_299 = arith.constant 0 : i32
      %dma_start3A_300 = tpu.memref_slice %arg8[%dma_start3A_298, %dma_start3A_299] : memref<768x32xf32, #tpu.memory_space<vmem>> -> memref<256x32xf32, #tpu.memory_space<vmem>>
      %dma_start3A_301 = arith.constant 0 : i32
      %dma_start3A_302 = tpu.memref_slice %arg6[%dma_start3A_297, %dma_start3A_301] : memref<8x256xi32, #tpu.memory_space<vmem>> -> memref<1x256xi32, #tpu.memory_space<vmem>>
      %dma_start3A_303 = tpu.memref_squeeze %dma_start3A_302 : memref<1x256xi32, #tpu.memory_space<vmem>> -> memref<256xi32, #tpu.memory_space<vmem>>
      %dma_start3A_304 = arith.constant 0 : i32
      %dma_start3A_305 = arith.constant 0 : i32
      %dma_start3A_306 = tpu.memref_slice %arg4[%arg0, %dma_start3A_304, %dma_start3A_305] : memref<2x50176x32xf32, #tpu.memory_space<hbm>> -> memref<1x50176x32xf32, #tpu.memory_space<hbm>>
      %dma_start3A_307 = tpu.memref_squeeze %dma_start3A_306 : memref<1x50176x32xf32, #tpu.memory_space<hbm>> -> memref<50176x32xf32, #tpu.memory_space<hbm>>
      %dma_start3A_308 = arith.constant 0 : i32
      %dma_start3A_309 = arith.constant 0 : i32
      %dma_start3A_310 = tpu.memref_slice %dma_start3A_307[%dma_start3A_308, %dma_start3A_309] : memref<50176x32xf32, #tpu.memory_space<hbm>> -> memref<50176x32xf32, #tpu.memory_space<hbm>>
      tpu.enqueue_indirect_dma source(%dma_start3A_310 : memref<50176x32xf32, #tpu.memory_space<hbm>>) target(%dma_start3A_300 : memref<256x32xf32, #tpu.memory_space<vmem>>) offsets(%dma_start3A_303 : memref<256xi32, #tpu.memory_space<vmem>>) semaphore(%arg10 : memref<!tpu.dma_semaphore, #tpu.memory_space<semaphore_mem>>)
      %dma_wait3A_311 = arith.constant 0 : i32
      %dma_wait3A_312 = arith.constant 0 : i32
      %dma_wait3A_313 = arith.constant 0 : i32
      %dma_wait3A_314 = tpu.memref_slice %arg8[%dma_wait3A_312, %dma_wait3A_313] : memref<768x32xf32, #tpu.memory_space<vmem>> -> memref<256x32xf32, #tpu.memory_space<vmem>>
      %dma_wait3A_315 = arith.constant 0 : i32
      %dma_wait3A_316 = tpu.memref_slice %arg6[%dma_wait3A_311, %dma_wait3A_315] : memref<8x256xi32, #tpu.memory_space<vmem>> -> memref<1x256xi32, #tpu.memory_space<vmem>>
      %dma_wait3A_317 = tpu.memref_squeeze %dma_wait3A_316 : memref<1x256xi32, #tpu.memory_space<vmem>> -> memref<256xi32, #tpu.memory_space<vmem>>
      %dma_wait3A_318 = arith.constant 0 : i32
      %dma_wait3A_319 = arith.constant 0 : i32
      %dma_wait3A_320 = tpu.memref_slice %arg4[%arg0, %dma_wait3A_318, %dma_wait3A_319] : memref<2x50176x32xf32, #tpu.memory_space<hbm>> -> memref<1x50176x32xf32, #tpu.memory_space<hbm>>
      %dma_wait3A_321 = tpu.memref_squeeze %dma_wait3A_320 : memref<1x50176x32xf32, #tpu.memory_space<hbm>> -> memref<50176x32xf32, #tpu.memory_space<hbm>>
      %dma_wait3A_322 = arith.constant 0 : i32
      %dma_wait3A_323 = arith.constant 0 : i32
      %dma_wait3A_324 = tpu.memref_slice %dma_wait3A_321[%dma_wait3A_322, %dma_wait3A_323] : memref<50176x32xf32, #tpu.memory_space<hbm>> -> memref<50176x32xf32, #tpu.memory_space<hbm>>
      tpu.wait_indirect_dma semaphore(%arg11 : memref<!tpu.dma_semaphore, #tpu.memory_space<semaphore_mem>>) src(%dma_wait3A_324 : memref<50176x32xf32, #tpu.memory_space<hbm>>) dst(%dma_wait3A_314 : memref<256x32xf32, #tpu.memory_space<vmem>>)
      %dma_start3A_325 = arith.constant 5 : i32
      %dma_start3A_326 = arith.constant 512 : i32
      %dma_start3A_327 = arith.constant 0 : i32
      %dma_start3A_328 = tpu.memref_slice %arg8[%dma_start3A_326, %dma_start3A_327] : memref<768x32xf32, #tpu.memory_space<vmem>> -> memref<256x32xf32, #tpu.memory_space<vmem>>
      %dma_start3A_329 = arith.constant 0 : i32
      %dma_start3A_330 = tpu.memref_slice %arg7[%dma_start3A_325, %dma_start3A_329] : memref<8x256xi32, #tpu.memory_space<vmem>> -> memref<1x256xi32, #tpu.memory_space<vmem>>
      %dma_start3A_331 = tpu.memref_squeeze %dma_start3A_330 : memref<1x256xi32, #tpu.memory_space<vmem>> -> memref<256xi32, #tpu.memory_space<vmem>>
      %dma_start3A_332 = arith.constant 0 : i32
      %dma_start3A_333 = arith.constant 0 : i32
      %dma_start3A_334 = tpu.memref_slice %arg9[%dma_start3A_332, %dma_start3A_333] : memref<50176x32xf32, #tpu.memory_space<vmem_shared>> -> memref<50176x32xf32, #tpu.memory_space<vmem_shared>>
      tpu.enqueue_indirect_dma source(%dma_start3A_328 : memref<256x32xf32, #tpu.memory_space<vmem>>) target(%dma_start3A_334 : memref<50176x32xf32, #tpu.memory_space<vmem_shared>>) offsets(%dma_start3A_331 : memref<256xi32, #tpu.memory_space<vmem>>) semaphore(%arg13 : memref<!tpu.dma_semaphore, #tpu.memory_space<semaphore_mem>>) {add = true}
      %dma_wait3A_335 = arith.constant 0 : i32
      %dma_wait3A_336 = arith.constant 0 : i32
      %dma_wait3A_337 = arith.constant 0 : i32
      %dma_wait3A_338 = tpu.memref_slice %arg8[%dma_wait3A_336, %dma_wait3A_337] : memref<768x32xf32, #tpu.memory_space<vmem>> -> memref<256x32xf32, #tpu.memory_space<vmem>>
      %dma_wait3A_339 = arith.constant 0 : i32
      %dma_wait3A_340 = tpu.memref_slice %arg7[%dma_wait3A_335, %dma_wait3A_339] : memref<8x256xi32, #tpu.memory_space<vmem>> -> memref<1x256xi32, #tpu.memory_space<vmem>>
      %dma_wait3A_341 = tpu.memref_squeeze %dma_wait3A_340 : memref<1x256xi32, #tpu.memory_space<vmem>> -> memref<256xi32, #tpu.memory_space<vmem>>
      %dma_wait3A_342 = arith.constant 0 : i32
      %dma_wait3A_343 = arith.constant 0 : i32
      %dma_wait3A_344 = tpu.memref_slice %arg9[%dma_wait3A_342, %dma_wait3A_343] : memref<50176x32xf32, #tpu.memory_space<vmem_shared>> -> memref<50176x32xf32, #tpu.memory_space<vmem_shared>>
      tpu.wait_indirect_dma semaphore(%arg12 : memref<!tpu.dma_semaphore, #tpu.memory_space<semaphore_mem>>) src(%dma_wait3A_338 : memref<256x32xf32, #tpu.memory_space<vmem>>) dst(%dma_wait3A_344 : memref<50176x32xf32, #tpu.memory_space<vmem_shared>>)
      %dma_start3A_345 = arith.constant 7 : i32
      %dma_start3A_346 = arith.constant 256 : i32
      %dma_start3A_347 = arith.constant 0 : i32
      %dma_start3A_348 = tpu.memref_slice %arg8[%dma_start3A_346, %dma_start3A_347] : memref<768x32xf32, #tpu.memory_space<vmem>> -> memref<256x32xf32, #tpu.memory_space<vmem>>
      %dma_start3A_349 = arith.constant 0 : i32
      %dma_start3A_350 = tpu.memref_slice %arg6[%dma_start3A_345, %dma_start3A_349] : memref<8x256xi32, #tpu.memory_space<vmem>> -> memref<1x256xi32, #tpu.memory_space<vmem>>
      %dma_start3A_351 = tpu.memref_squeeze %dma_start3A_350 : memref<1x256xi32, #tpu.memory_space<vmem>> -> memref<256xi32, #tpu.memory_space<vmem>>
      %dma_start3A_352 = arith.constant 0 : i32
      %dma_start3A_353 = arith.constant 0 : i32
      %dma_start3A_354 = tpu.memref_slice %arg4[%arg0, %dma_start3A_352, %dma_start3A_353] : memref<2x50176x32xf32, #tpu.memory_space<hbm>> -> memref<1x50176x32xf32, #tpu.memory_space<hbm>>
      %dma_start3A_355 = tpu.memref_squeeze %dma_start3A_354 : memref<1x50176x32xf32, #tpu.memory_space<hbm>> -> memref<50176x32xf32, #tpu.memory_space<hbm>>
      %dma_start3A_356 = arith.constant 0 : i32
      %dma_start3A_357 = arith.constant 0 : i32
      %dma_start3A_358 = tpu.memref_slice %dma_start3A_355[%dma_start3A_356, %dma_start3A_357] : memref<50176x32xf32, #tpu.memory_space<hbm>> -> memref<50176x32xf32, #tpu.memory_space<hbm>>
      tpu.enqueue_indirect_dma source(%dma_start3A_358 : memref<50176x32xf32, #tpu.memory_space<hbm>>) target(%dma_start3A_348 : memref<256x32xf32, #tpu.memory_space<vmem>>) offsets(%dma_start3A_351 : memref<256xi32, #tpu.memory_space<vmem>>) semaphore(%arg11 : memref<!tpu.dma_semaphore, #tpu.memory_space<semaphore_mem>>)
      %dma_wait3A_359 = arith.constant 0 : i32
      %dma_wait3A_360 = arith.constant 0 : i32
      %dma_wait3A_361 = arith.constant 0 : i32
      %dma_wait3A_362 = tpu.memref_slice %arg8[%dma_wait3A_360, %dma_wait3A_361] : memref<768x32xf32, #tpu.memory_space<vmem>> -> memref<256x32xf32, #tpu.memory_space<vmem>>
      %dma_wait3A_363 = arith.constant 0 : i32
      %dma_wait3A_364 = tpu.memref_slice %arg6[%dma_wait3A_359, %dma_wait3A_363] : memref<8x256xi32, #tpu.memory_space<vmem>> -> memref<1x256xi32, #tpu.memory_space<vmem>>
      %dma_wait3A_365 = tpu.memref_squeeze %dma_wait3A_364 : memref<1x256xi32, #tpu.memory_space<vmem>> -> memref<256xi32, #tpu.memory_space<vmem>>
      %dma_wait3A_366 = arith.constant 0 : i32
      %dma_wait3A_367 = arith.constant 0 : i32
      %dma_wait3A_368 = tpu.memref_slice %arg4[%arg0, %dma_wait3A_366, %dma_wait3A_367] : memref<2x50176x32xf32, #tpu.memory_space<hbm>> -> memref<1x50176x32xf32, #tpu.memory_space<hbm>>
      %dma_wait3A_369 = tpu.memref_squeeze %dma_wait3A_368 : memref<1x50176x32xf32, #tpu.memory_space<hbm>> -> memref<50176x32xf32, #tpu.memory_space<hbm>>
      %dma_wait3A_370 = arith.constant 0 : i32
      %dma_wait3A_371 = arith.constant 0 : i32
      %dma_wait3A_372 = tpu.memref_slice %dma_wait3A_369[%dma_wait3A_370, %dma_wait3A_371] : memref<50176x32xf32, #tpu.memory_space<hbm>> -> memref<50176x32xf32, #tpu.memory_space<hbm>>
      tpu.wait_indirect_dma semaphore(%arg10 : memref<!tpu.dma_semaphore, #tpu.memory_space<semaphore_mem>>) src(%dma_wait3A_372 : memref<50176x32xf32, #tpu.memory_space<hbm>>) dst(%dma_wait3A_362 : memref<256x32xf32, #tpu.memory_space<vmem>>)
      %dma_start3A_373 = arith.constant 6 : i32
      %dma_start3A_374 = arith.constant 0 : i32
      %dma_start3A_375 = arith.constant 0 : i32
      %dma_start3A_376 = tpu.memref_slice %arg8[%dma_start3A_374, %dma_start3A_375] : memref<768x32xf32, #tpu.memory_space<vmem>> -> memref<256x32xf32, #tpu.memory_space<vmem>>
      %dma_start3A_377 = arith.constant 0 : i32
      %dma_start3A_378 = tpu.memref_slice %arg7[%dma_start3A_373, %dma_start3A_377] : memref<8x256xi32, #tpu.memory_space<vmem>> -> memref<1x256xi32, #tpu.memory_space<vmem>>
      %dma_start3A_379 = tpu.memref_squeeze %dma_start3A_378 : memref<1x256xi32, #tpu.memory_space<vmem>> -> memref<256xi32, #tpu.memory_space<vmem>>
      %dma_start3A_380 = arith.constant 0 : i32
      %dma_start3A_381 = arith.constant 0 : i32
      %dma_start3A_382 = tpu.memref_slice %arg9[%dma_start3A_380, %dma_start3A_381] : memref<50176x32xf32, #tpu.memory_space<vmem_shared>> -> memref<50176x32xf32, #tpu.memory_space<vmem_shared>>
      tpu.enqueue_indirect_dma source(%dma_start3A_376 : memref<256x32xf32, #tpu.memory_space<vmem>>) target(%dma_start3A_382 : memref<50176x32xf32, #tpu.memory_space<vmem_shared>>) offsets(%dma_start3A_379 : memref<256xi32, #tpu.memory_space<vmem>>) semaphore(%arg12 : memref<!tpu.dma_semaphore, #tpu.memory_space<semaphore_mem>>) {add = true}
      %dma_wait3A_383 = arith.constant 0 : i32
      %dma_wait3A_384 = arith.constant 0 : i32
      %dma_wait3A_385 = arith.constant 0 : i32
      %dma_wait3A_386 = tpu.memref_slice %arg8[%dma_wait3A_384, %dma_wait3A_385] : memref<768x32xf32, #tpu.memory_space<vmem>> -> memref<256x32xf32, #tpu.memory_space<vmem>>
      %dma_wait3A_387 = arith.constant 0 : i32
      %dma_wait3A_388 = tpu.memref_slice %arg7[%dma_wait3A_383, %dma_wait3A_387] : memref<8x256xi32, #tpu.memory_space<vmem>> -> memref<1x256xi32, #tpu.memory_space<vmem>>
      %dma_wait3A_389 = tpu.memref_squeeze %dma_wait3A_388 : memref<1x256xi32, #tpu.memory_space<vmem>> -> memref<256xi32, #tpu.memory_space<vmem>>
      %dma_wait3A_390 = arith.constant 0 : i32
      %dma_wait3A_391 = arith.constant 0 : i32
      %dma_wait3A_392 = tpu.memref_slice %arg9[%dma_wait3A_390, %dma_wait3A_391] : memref<50176x32xf32, #tpu.memory_space<vmem_shared>> -> memref<50176x32xf32, #tpu.memory_space<vmem_shared>>
      tpu.wait_indirect_dma semaphore(%arg13 : memref<!tpu.dma_semaphore, #tpu.memory_space<semaphore_mem>>) src(%dma_wait3A_386 : memref<256x32xf32, #tpu.memory_space<vmem>>) dst(%dma_wait3A_392 : memref<50176x32xf32, #tpu.memory_space<vmem_shared>>)
      %dma_wait3A_393 = arith.constant 0 : i32
      %dma_wait3A_394 = arith.constant 0 : i32
      %dma_wait3A_395 = arith.constant 0 : i32
      %dma_wait3A_396 = tpu.memref_slice %arg8[%dma_wait3A_394, %dma_wait3A_395] : memref<768x32xf32, #tpu.memory_space<vmem>> -> memref<256x32xf32, #tpu.memory_space<vmem>>
      %dma_wait3A_397 = arith.constant 0 : i32
      %dma_wait3A_398 = tpu.memref_slice %arg6[%dma_wait3A_393, %dma_wait3A_397] : memref<8x256xi32, #tpu.memory_space<vmem>> -> memref<1x256xi32, #tpu.memory_space<vmem>>
      %dma_wait3A_399 = tpu.memref_squeeze %dma_wait3A_398 : memref<1x256xi32, #tpu.memory_space<vmem>> -> memref<256xi32, #tpu.memory_space<vmem>>
      %dma_wait3A_400 = arith.constant 0 : i32
      %dma_wait3A_401 = arith.constant 0 : i32
      %dma_wait3A_402 = tpu.memref_slice %arg4[%arg0, %dma_wait3A_400, %dma_wait3A_401] : memref<2x50176x32xf32, #tpu.memory_space<hbm>> -> memref<1x50176x32xf32, #tpu.memory_space<hbm>>
      %dma_wait3A_403 = tpu.memref_squeeze %dma_wait3A_402 : memref<1x50176x32xf32, #tpu.memory_space<hbm>> -> memref<50176x32xf32, #tpu.memory_space<hbm>>
      %dma_wait3A_404 = arith.constant 0 : i32
      %dma_wait3A_405 = arith.constant 0 : i32
      %dma_wait3A_406 = tpu.memref_slice %dma_wait3A_403[%dma_wait3A_404, %dma_wait3A_405] : memref<50176x32xf32, #tpu.memory_space<hbm>> -> memref<50176x32xf32, #tpu.memory_space<hbm>>
      tpu.wait_indirect_dma semaphore(%arg11 : memref<!tpu.dma_semaphore, #tpu.memory_space<semaphore_mem>>) src(%dma_wait3A_406 : memref<50176x32xf32, #tpu.memory_space<hbm>>) dst(%dma_wait3A_396 : memref<256x32xf32, #tpu.memory_space<vmem>>)
      %dma_start3A_407 = arith.constant 7 : i32
      %dma_start3A_408 = arith.constant 256 : i32
      %dma_start3A_409 = arith.constant 0 : i32
      %dma_start3A_410 = tpu.memref_slice %arg8[%dma_start3A_408, %dma_start3A_409] : memref<768x32xf32, #tpu.memory_space<vmem>> -> memref<256x32xf32, #tpu.memory_space<vmem>>
      %dma_start3A_411 = arith.constant 0 : i32
      %dma_start3A_412 = tpu.memref_slice %arg7[%dma_start3A_407, %dma_start3A_411] : memref<8x256xi32, #tpu.memory_space<vmem>> -> memref<1x256xi32, #tpu.memory_space<vmem>>
      %dma_start3A_413 = tpu.memref_squeeze %dma_start3A_412 : memref<1x256xi32, #tpu.memory_space<vmem>> -> memref<256xi32, #tpu.memory_space<vmem>>
      %dma_start3A_414 = arith.constant 0 : i32
      %dma_start3A_415 = arith.constant 0 : i32
      %dma_start3A_416 = tpu.memref_slice %arg9[%dma_start3A_414, %dma_start3A_415] : memref<50176x32xf32, #tpu.memory_space<vmem_shared>> -> memref<50176x32xf32, #tpu.memory_space<vmem_shared>>
      tpu.enqueue_indirect_dma source(%dma_start3A_410 : memref<256x32xf32, #tpu.memory_space<vmem>>) target(%dma_start3A_416 : memref<50176x32xf32, #tpu.memory_space<vmem_shared>>) offsets(%dma_start3A_413 : memref<256xi32, #tpu.memory_space<vmem>>) semaphore(%arg13 : memref<!tpu.dma_semaphore, #tpu.memory_space<semaphore_mem>>) {add = true}
      %dma_wait3A_417 = arith.constant 0 : i32
      %dma_wait3A_418 = arith.constant 0 : i32
      %dma_wait3A_419 = arith.constant 0 : i32
      %dma_wait3A_420 = tpu.memref_slice %arg8[%dma_wait3A_418, %dma_wait3A_419] : memref<768x32xf32, #tpu.memory_space<vmem>> -> memref<256x32xf32, #tpu.memory_space<vmem>>
      %dma_wait3A_421 = arith.constant 0 : i32
      %dma_wait3A_422 = tpu.memref_slice %arg7[%dma_wait3A_417, %dma_wait3A_421] : memref<8x256xi32, #tpu.memory_space<vmem>> -> memref<1x256xi32, #tpu.memory_space<vmem>>
      %dma_wait3A_423 = tpu.memref_squeeze %dma_wait3A_422 : memref<1x256xi32, #tpu.memory_space<vmem>> -> memref<256xi32, #tpu.memory_space<vmem>>
      %dma_wait3A_424 = arith.constant 0 : i32
      %dma_wait3A_425 = arith.constant 0 : i32
      %dma_wait3A_426 = tpu.memref_slice %arg9[%dma_wait3A_424, %dma_wait3A_425] : memref<50176x32xf32, #tpu.memory_space<vmem_shared>> -> memref<50176x32xf32, #tpu.memory_space<vmem_shared>>
      tpu.wait_indirect_dma semaphore(%arg12 : memref<!tpu.dma_semaphore, #tpu.memory_space<semaphore_mem>>) src(%dma_wait3A_420 : memref<256x32xf32, #tpu.memory_space<vmem>>) dst(%dma_wait3A_426 : memref<50176x32xf32, #tpu.memory_space<vmem_shared>>)
      %dma_wait3A_427 = arith.constant 0 : i32
      %dma_wait3A_428 = arith.constant 0 : i32
      %dma_wait3A_429 = arith.constant 0 : i32
      %dma_wait3A_430 = tpu.memref_slice %arg8[%dma_wait3A_428, %dma_wait3A_429] : memref<768x32xf32, #tpu.memory_space<vmem>> -> memref<256x32xf32, #tpu.memory_space<vmem>>
      %dma_wait3A_431 = arith.constant 0 : i32
      %dma_wait3A_432 = tpu.memref_slice %arg7[%dma_wait3A_427, %dma_wait3A_431] : memref<8x256xi32, #tpu.memory_space<vmem>> -> memref<1x256xi32, #tpu.memory_space<vmem>>
      %dma_wait3A_433 = tpu.memref_squeeze %dma_wait3A_432 : memref<1x256xi32, #tpu.memory_space<vmem>> -> memref<256xi32, #tpu.memory_space<vmem>>
      %dma_wait3A_434 = arith.constant 0 : i32
      %dma_wait3A_435 = arith.constant 0 : i32
      %dma_wait3A_436 = tpu.memref_slice %arg9[%dma_wait3A_434, %dma_wait3A_435] : memref<50176x32xf32, #tpu.memory_space<vmem_shared>> -> memref<50176x32xf32, #tpu.memory_space<vmem_shared>>
      tpu.wait_indirect_dma semaphore(%arg13 : memref<!tpu.dma_semaphore, #tpu.memory_space<semaphore_mem>>) src(%dma_wait3A_430 : memref<256x32xf32, #tpu.memory_space<vmem>>) dst(%dma_wait3A_436 : memref<50176x32xf32, #tpu.memory_space<vmem_shared>>)
    }
    %scan3A_33 = arith.constant 25 : i32
    %barrier3A_34 = arith.constant 0 : index
    tpu.barrier barrier_id(%barrier3A_34)
    %scan3A_35 = arith.constant 0 : i32
    %scan3A_36 = arith.constant 12 : i32
    %scan3A_37 = arith.addi %scan3A_35, %scan3A_36 : i32
    %scan3A_38 = arith.constant 1 : i32
    scf.for %scan3A_44 = %scan3A_35 to %scan3A_37 step %scan3A_38  : i32 {
      %mul3A_45 = arith.constant 1 : i32
      %mul3A_46 = arith.muli %scan3A_44, %mul3A_45 : i32
      %add3A_47 = arith.constant 0 : i32
      %add3A_48 = arith.addi %add3A_47, %mul3A_46 : i32
      %mul3A_49 = arith.constant 256 : i32
      %mul3A_50 = arith.muli %add3A_48, %mul3A_49 : i32
      %add3A_51 = arith.addi %mul3A_0, %mul3A_50 : i32
      "tpu.region"() ({
        %run_scoped3A = tpu.sem_alloc : memref<!tpu.dma_semaphore, #tpu.memory_space<semaphore_mem>>
        %dma_start3A = arith.constant 0 : i32
        %dma_start3A_55 = arith.constant 0 : i32
        %dma_start3A_56 = tpu.memref_slice %arg8[%dma_start3A, %dma_start3A_55] : memref<768x32xf32, #tpu.memory_space<vmem>> -> memref<256x32xf32, #tpu.memory_space<vmem>>
        %dma_start3A_57 = arith.constant 0 : i32
        %dma_start3A_58 = arith.constant 0 : i32
        %dma_start3A_59 = tpu.memref_slice %dma_start3A_56[%dma_start3A_57, %dma_start3A_58] : memref<256x32xf32, #tpu.memory_space<vmem>> -> memref<256x32xf32, #tpu.memory_space<vmem>>
        %dma_start3A_60 = arith.constant 0 : i32
        %dma_start3A_61 = tpu.memref_slice %arg9[%add3A_51, %dma_start3A_60] : memref<50176x32xf32, #tpu.memory_space<vmem_shared>> -> memref<256x32xf32, #tpu.memory_space<vmem_shared>>
        %dma_start3A_62 = arith.constant 0 : i32
        %dma_start3A_63 = arith.constant 0 : i32
        %dma_start3A_64 = tpu.memref_slice %arg8[%dma_start3A_62, %dma_start3A_63] : memref<768x32xf32, #tpu.memory_space<vmem>> -> memref<256x32xf32, #tpu.memory_space<vmem>>
        %dma_start3A_65 = arith.constant 0 : i32
        %dma_start3A_66 = arith.constant 0 : i32
        %dma_start3A_67 = tpu.memref_slice %dma_start3A_64[%dma_start3A_65, %dma_start3A_66] : memref<256x32xf32, #tpu.memory_space<vmem>> -> memref<256x32xf32, #tpu.memory_space<vmem>>
        %dma_start3A_68 = arith.constant 0 : i32
        %dma_start3A_69 = tpu.memref_slice %arg9[%add3A_51, %dma_start3A_68] : memref<50176x32xf32, #tpu.memory_space<vmem_shared>> -> memref<256x32xf32, #tpu.memory_space<vmem_shared>>
        tpu.enqueue_dma source(%dma_start3A_69 : memref<256x32xf32, #tpu.memory_space<vmem_shared>>) target(%dma_start3A_67 : memref<256x32xf32, #tpu.memory_space<vmem>>) target_semaphore(%run_scoped3A : memref<!tpu.dma_semaphore, #tpu.memory_space<semaphore_mem>>)
        %dma_wait3A = arith.constant 0 : i32
        %dma_wait3A_70 = arith.constant 0 : i32
        %dma_wait3A_71 = tpu.memref_slice %arg8[%dma_wait3A, %dma_wait3A_70] : memref<768x32xf32, #tpu.memory_space<vmem>> -> memref<256x32xf32, #tpu.memory_space<vmem>>
        %dma_wait3A_72 = arith.constant 0 : i32
        %dma_wait3A_73 = arith.constant 0 : i32
        %dma_wait3A_74 = tpu.memref_slice %dma_wait3A_71[%dma_wait3A_72, %dma_wait3A_73] : memref<256x32xf32, #tpu.memory_space<vmem>> -> memref<256x32xf32, #tpu.memory_space<vmem>>
        %dma_wait3A_75 = arith.constant 0 : i32
        %dma_wait3A_76 = tpu.memref_slice %arg9[%add3A_51, %dma_wait3A_75] : memref<50176x32xf32, #tpu.memory_space<vmem_shared>> -> memref<256x32xf32, #tpu.memory_space<vmem_shared>>
        %dma_wait3A_77 = arith.constant 0 : i32
        %dma_wait3A_78 = arith.constant 0 : i32
        %dma_wait3A_79 = tpu.memref_slice %arg8[%dma_wait3A_77, %dma_wait3A_78] : memref<768x32xf32, #tpu.memory_space<vmem>> -> memref<256x32xf32, #tpu.memory_space<vmem>>
        %dma_wait3A_80 = arith.constant 0 : i32
        %dma_wait3A_81 = arith.constant 0 : i32
        %dma_wait3A_82 = tpu.memref_slice %dma_wait3A_79[%dma_wait3A_80, %dma_wait3A_81] : memref<256x32xf32, #tpu.memory_space<vmem>> -> memref<256x32xf32, #tpu.memory_space<vmem>>
        %dma_wait3A_83 = arith.constant 0 : i32
        %dma_wait3A_84 = tpu.memref_slice %arg9[%add3A_51, %dma_wait3A_83] : memref<50176x32xf32, #tpu.memory_space<vmem_shared>> -> memref<256x32xf32, #tpu.memory_space<vmem_shared>>
        tpu.wait_dma2 semaphore(%run_scoped3A : memref<!tpu.dma_semaphore, #tpu.memory_space<semaphore_mem>>) src(%dma_wait3A_84 : memref<256x32xf32, #tpu.memory_space<vmem_shared>>) dst(%dma_wait3A_82 : memref<256x32xf32, #tpu.memory_space<vmem>>)
        tpu.yield
      }) : () -> ()
      %mul3A_52 = arith.constant 256 : i32
      %mul3A_53 = arith.muli %add3A_48, %mul3A_52 : i32
      %add3A_54 = arith.addi %mul3A_0, %mul3A_53 : i32
      "tpu.region"() ({
        %run_scoped3A = tpu.sem_alloc : memref<!tpu.dma_semaphore, #tpu.memory_space<semaphore_mem>>
        %dma_start3A = arith.constant 0 : i32
        %dma_start3A_55 = arith.constant 0 : i32
        %dma_start3A_56 = tpu.memref_slice %arg8[%dma_start3A, %dma_start3A_55] : memref<768x32xf32, #tpu.memory_space<vmem>> -> memref<256x32xf32, #tpu.memory_space<vmem>>
        %dma_start3A_57 = arith.constant 0 : i32
        %dma_start3A_58 = arith.constant 0 : i32
        %dma_start3A_59 = tpu.memref_slice %dma_start3A_56[%dma_start3A_57, %dma_start3A_58] : memref<256x32xf32, #tpu.memory_space<vmem>> -> memref<256x32xf32, #tpu.memory_space<vmem>>
        %dma_start3A_60 = arith.constant 0 : i32
        %dma_start3A_61 = arith.constant 0 : i32
        %dma_start3A_62 = tpu.memref_slice %arg5[%arg0, %dma_start3A_60, %dma_start3A_61] : memref<2x50176x32xf32, #tpu.memory_space<hbm>> -> memref<1x50176x32xf32, #tpu.memory_space<hbm>>
        %dma_start3A_63 = tpu.memref_squeeze %dma_start3A_62 : memref<1x50176x32xf32, #tpu.memory_space<hbm>> -> memref<50176x32xf32, #tpu.memory_space<hbm>>
        %dma_start3A_64 = arith.constant 0 : i32
        %dma_start3A_65 = tpu.memref_slice %dma_start3A_63[%add3A_54, %dma_start3A_64] : memref<50176x32xf32, #tpu.memory_space<hbm>> -> memref<256x32xf32, #tpu.memory_space<hbm>>
        %dma_start3A_66 = arith.constant 0 : i32
        %dma_start3A_67 = arith.constant 0 : i32
        %dma_start3A_68 = tpu.memref_slice %arg5[%arg0, %dma_start3A_66, %dma_start3A_67] : memref<2x50176x32xf32, #tpu.memory_space<hbm>> -> memref<1x50176x32xf32, #tpu.memory_space<hbm>>
        %dma_start3A_69 = tpu.memref_squeeze %dma_start3A_68 : memref<1x50176x32xf32, #tpu.memory_space<hbm>> -> memref<50176x32xf32, #tpu.memory_space<hbm>>
        %dma_start3A_70 = arith.constant 0 : i32
        %dma_start3A_71 = tpu.memref_slice %dma_start3A_69[%add3A_54, %dma_start3A_70] : memref<50176x32xf32, #tpu.memory_space<hbm>> -> memref<256x32xf32, #tpu.memory_space<hbm>>
        %dma_start3A_72 = arith.constant 0 : i32
        %dma_start3A_73 = arith.constant 0 : i32
        %dma_start3A_74 = tpu.memref_slice %arg8[%dma_start3A_72, %dma_start3A_73] : memref<768x32xf32, #tpu.memory_space<vmem>> -> memref<256x32xf32, #tpu.memory_space<vmem>>
        %dma_start3A_75 = arith.constant 0 : i32
        %dma_start3A_76 = arith.constant 0 : i32
        %dma_start3A_77 = tpu.memref_slice %dma_start3A_74[%dma_start3A_75, %dma_start3A_76] : memref<256x32xf32, #tpu.memory_space<vmem>> -> memref<256x32xf32, #tpu.memory_space<vmem>>
        tpu.enqueue_dma source(%dma_start3A_77 : memref<256x32xf32, #tpu.memory_space<vmem>>) target(%dma_start3A_71 : memref<256x32xf32, #tpu.memory_space<hbm>>) target_semaphore(%run_scoped3A : memref<!tpu.dma_semaphore, #tpu.memory_space<semaphore_mem>>)
        %dma_wait3A = arith.constant 0 : i32
        %dma_wait3A_78 = arith.constant 0 : i32
        %dma_wait3A_79 = tpu.memref_slice %arg8[%dma_wait3A, %dma_wait3A_78] : memref<768x32xf32, #tpu.memory_space<vmem>> -> memref<256x32xf32, #tpu.memory_space<vmem>>
        %dma_wait3A_80 = arith.constant 0 : i32
        %dma_wait3A_81 = arith.constant 0 : i32
        %dma_wait3A_82 = tpu.memref_slice %dma_wait3A_79[%dma_wait3A_80, %dma_wait3A_81] : memref<256x32xf32, #tpu.memory_space<vmem>> -> memref<256x32xf32, #tpu.memory_space<vmem>>
        %dma_wait3A_83 = arith.constant 0 : i32
        %dma_wait3A_84 = arith.constant 0 : i32
        %dma_wait3A_85 = tpu.memref_slice %arg5[%arg0, %dma_wait3A_83, %dma_wait3A_84] : memref<2x50176x32xf32, #tpu.memory_space<hbm>> -> memref<1x50176x32xf32, #tpu.memory_space<hbm>>
        %dma_wait3A_86 = tpu.memref_squeeze %dma_wait3A_85 : memref<1x50176x32xf32, #tpu.memory_space<hbm>> -> memref<50176x32xf32, #tpu.memory_space<hbm>>
        %dma_wait3A_87 = arith.constant 0 : i32
        %dma_wait3A_88 = tpu.memref_slice %dma_wait3A_86[%add3A_54, %dma_wait3A_87] : memref<50176x32xf32, #tpu.memory_space<hbm>> -> memref<256x32xf32, #tpu.memory_space<hbm>>
        %dma_wait3A_89 = arith.constant 0 : i32
        %dma_wait3A_90 = arith.constant 0 : i32
        %dma_wait3A_91 = tpu.memref_slice %arg5[%arg0, %dma_wait3A_89, %dma_wait3A_90] : memref<2x50176x32xf32, #tpu.memory_space<hbm>> -> memref<1x50176x32xf32, #tpu.memory_space<hbm>>
        %dma_wait3A_92 = tpu.memref_squeeze %dma_wait3A_91 : memref<1x50176x32xf32, #tpu.memory_space<hbm>> -> memref<50176x32xf32, #tpu.memory_space<hbm>>
        %dma_wait3A_93 = arith.constant 0 : i32
        %dma_wait3A_94 = tpu.memref_slice %dma_wait3A_92[%add3A_54, %dma_wait3A_93] : memref<50176x32xf32, #tpu.memory_space<hbm>> -> memref<256x32xf32, #tpu.memory_space<hbm>>
        %dma_wait3A_95 = arith.constant 0 : i32
        %dma_wait3A_96 = arith.constant 0 : i32
        %dma_wait3A_97 = tpu.memref_slice %arg8[%dma_wait3A_95, %dma_wait3A_96] : memref<768x32xf32, #tpu.memory_space<vmem>> -> memref<256x32xf32, #tpu.memory_space<vmem>>
        %dma_wait3A_98 = arith.constant 0 : i32
        %dma_wait3A_99 = arith.constant 0 : i32
        %dma_wait3A_100 = tpu.memref_slice %dma_wait3A_97[%dma_wait3A_98, %dma_wait3A_99] : memref<256x32xf32, #tpu.memory_space<vmem>> -> memref<256x32xf32, #tpu.memory_space<vmem>>
        tpu.wait_dma2 semaphore(%run_scoped3A : memref<!tpu.dma_semaphore, #tpu.memory_space<semaphore_mem>>) src(%dma_wait3A_100 : memref<256x32xf32, #tpu.memory_space<vmem>>) dst(%dma_wait3A_94 : memref<256x32xf32, #tpu.memory_space<hbm>>)
        tpu.yield
      }) : () -> ()
    }
    %scan3A_39 = arith.constant 12 : i32
    %add3A_40 = arith.constant 3072 : i32
    %add3A_41 = arith.addi %mul3A_0, %add3A_40 : i32
    "tpu.region"() ({
      %run_scoped3A = tpu.sem_alloc : memref<!tpu.dma_semaphore, #tpu.memory_space<semaphore_mem>>
      %dma_start3A = arith.constant 0 : i32
      %dma_start3A_44 = arith.constant 0 : i32
      %dma_start3A_45 = tpu.memref_slice %arg8[%dma_start3A, %dma_start3A_44] : memref<768x32xf32, #tpu.memory_space<vmem>> -> memref<256x32xf32, #tpu.memory_space<vmem>>
      %dma_start3A_46 = arith.constant 0 : i32
      %dma_start3A_47 = arith.constant 0 : i32
      %dma_start3A_48 = tpu.memref_slice %dma_start3A_45[%dma_start3A_46, %dma_start3A_47] : memref<256x32xf32, #tpu.memory_space<vmem>> -> memref<64x32xf32, #tpu.memory_space<vmem>>
      %dma_start3A_49 = arith.constant 0 : i32
      %dma_start3A_50 = tpu.memref_slice %arg9[%add3A_41, %dma_start3A_49] : memref<50176x32xf32, #tpu.memory_space<vmem_shared>> -> memref<64x32xf32, #tpu.memory_space<vmem_shared>>
      %dma_start3A_51 = arith.constant 0 : i32
      %dma_start3A_52 = arith.constant 0 : i32
      %dma_start3A_53 = tpu.memref_slice %arg8[%dma_start3A_51, %dma_start3A_52] : memref<768x32xf32, #tpu.memory_space<vmem>> -> memref<256x32xf32, #tpu.memory_space<vmem>>
      %dma_start3A_54 = arith.constant 0 : i32
      %dma_start3A_55 = arith.constant 0 : i32
      %dma_start3A_56 = tpu.memref_slice %dma_start3A_53[%dma_start3A_54, %dma_start3A_55] : memref<256x32xf32, #tpu.memory_space<vmem>> -> memref<64x32xf32, #tpu.memory_space<vmem>>
      %dma_start3A_57 = arith.constant 0 : i32
      %dma_start3A_58 = tpu.memref_slice %arg9[%add3A_41, %dma_start3A_57] : memref<50176x32xf32, #tpu.memory_space<vmem_shared>> -> memref<64x32xf32, #tpu.memory_space<vmem_shared>>
      tpu.enqueue_dma source(%dma_start3A_58 : memref<64x32xf32, #tpu.memory_space<vmem_shared>>) target(%dma_start3A_56 : memref<64x32xf32, #tpu.memory_space<vmem>>) target_semaphore(%run_scoped3A : memref<!tpu.dma_semaphore, #tpu.memory_space<semaphore_mem>>)
      %dma_wait3A = arith.constant 0 : i32
      %dma_wait3A_59 = arith.constant 0 : i32
      %dma_wait3A_60 = tpu.memref_slice %arg8[%dma_wait3A, %dma_wait3A_59] : memref<768x32xf32, #tpu.memory_space<vmem>> -> memref<256x32xf32, #tpu.memory_space<vmem>>
      %dma_wait3A_61 = arith.constant 0 : i32
      %dma_wait3A_62 = arith.constant 0 : i32
      %dma_wait3A_63 = tpu.memref_slice %dma_wait3A_60[%dma_wait3A_61, %dma_wait3A_62] : memref<256x32xf32, #tpu.memory_space<vmem>> -> memref<64x32xf32, #tpu.memory_space<vmem>>
      %dma_wait3A_64 = arith.constant 0 : i32
      %dma_wait3A_65 = tpu.memref_slice %arg9[%add3A_41, %dma_wait3A_64] : memref<50176x32xf32, #tpu.memory_space<vmem_shared>> -> memref<64x32xf32, #tpu.memory_space<vmem_shared>>
      %dma_wait3A_66 = arith.constant 0 : i32
      %dma_wait3A_67 = arith.constant 0 : i32
      %dma_wait3A_68 = tpu.memref_slice %arg8[%dma_wait3A_66, %dma_wait3A_67] : memref<768x32xf32, #tpu.memory_space<vmem>> -> memref<256x32xf32, #tpu.memory_space<vmem>>
      %dma_wait3A_69 = arith.constant 0 : i32
      %dma_wait3A_70 = arith.constant 0 : i32
      %dma_wait3A_71 = tpu.memref_slice %dma_wait3A_68[%dma_wait3A_69, %dma_wait3A_70] : memref<256x32xf32, #tpu.memory_space<vmem>> -> memref<64x32xf32, #tpu.memory_space<vmem>>
      %dma_wait3A_72 = arith.constant 0 : i32
      %dma_wait3A_73 = tpu.memref_slice %arg9[%add3A_41, %dma_wait3A_72] : memref<50176x32xf32, #tpu.memory_space<vmem_shared>> -> memref<64x32xf32, #tpu.memory_space<vmem_shared>>
      tpu.wait_dma2 semaphore(%run_scoped3A : memref<!tpu.dma_semaphore, #tpu.memory_space<semaphore_mem>>) src(%dma_wait3A_73 : memref<64x32xf32, #tpu.memory_space<vmem_shared>>) dst(%dma_wait3A_71 : memref<64x32xf32, #tpu.memory_space<vmem>>)
      tpu.yield
    }) : () -> ()
    %add3A_42 = arith.constant 3072 : i32
    %add3A_43 = arith.addi %mul3A_0, %add3A_42 : i32
    "tpu.region"() ({
      %run_scoped3A = tpu.sem_alloc : memref<!tpu.dma_semaphore, #tpu.memory_space<semaphore_mem>>
      %dma_start3A = arith.constant 0 : i32
      %dma_start3A_44 = arith.constant 0 : i32
      %dma_start3A_45 = tpu.memref_slice %arg8[%dma_start3A, %dma_start3A_44] : memref<768x32xf32, #tpu.memory_space<vmem>> -> memref<256x32xf32, #tpu.memory_space<vmem>>
      %dma_start3A_46 = arith.constant 0 : i32
      %dma_start3A_47 = arith.constant 0 : i32
      %dma_start3A_48 = tpu.memref_slice %dma_start3A_45[%dma_start3A_46, %dma_start3A_47] : memref<256x32xf32, #tpu.memory_space<vmem>> -> memref<64x32xf32, #tpu.memory_space<vmem>>
      %dma_start3A_49 = arith.constant 0 : i32
      %dma_start3A_50 = arith.constant 0 : i32
      %dma_start3A_51 = tpu.memref_slice %arg5[%arg0, %dma_start3A_49, %dma_start3A_50] : memref<2x50176x32xf32, #tpu.memory_space<hbm>> -> memref<1x50176x32xf32, #tpu.memory_space<hbm>>
      %dma_start3A_52 = tpu.memref_squeeze %dma_start3A_51 : memref<1x50176x32xf32, #tpu.memory_space<hbm>> -> memref<50176x32xf32, #tpu.memory_space<hbm>>
      %dma_start3A_53 = arith.constant 0 : i32
      %dma_start3A_54 = tpu.memref_slice %dma_start3A_52[%add3A_43, %dma_start3A_53] : memref<50176x32xf32, #tpu.memory_space<hbm>> -> memref<64x32xf32, #tpu.memory_space<hbm>>
      %dma_start3A_55 = arith.constant 0 : i32
      %dma_start3A_56 = arith.constant 0 : i32
      %dma_start3A_57 = tpu.memref_slice %arg5[%arg0, %dma_start3A_55, %dma_start3A_56] : memref<2x50176x32xf32, #tpu.memory_space<hbm>> -> memref<1x50176x32xf32, #tpu.memory_space<hbm>>
      %dma_start3A_58 = tpu.memref_squeeze %dma_start3A_57 : memref<1x50176x32xf32, #tpu.memory_space<hbm>> -> memref<50176x32xf32, #tpu.memory_space<hbm>>
      %dma_start3A_59 = arith.constant 0 : i32
      %dma_start3A_60 = tpu.memref_slice %dma_start3A_58[%add3A_43, %dma_start3A_59] : memref<50176x32xf32, #tpu.memory_space<hbm>> -> memref<64x32xf32, #tpu.memory_space<hbm>>
      %dma_start3A_61 = arith.constant 0 : i32
      %dma_start3A_62 = arith.constant 0 : i32
      %dma_start3A_63 = tpu.memref_slice %arg8[%dma_start3A_61, %dma_start3A_62] : memref<768x32xf32, #tpu.memory_space<vmem>> -> memref<256x32xf32, #tpu.memory_space<vmem>>
      %dma_start3A_64 = arith.constant 0 : i32
      %dma_start3A_65 = arith.constant 0 : i32
      %dma_start3A_66 = tpu.memref_slice %dma_start3A_63[%dma_start3A_64, %dma_start3A_65] : memref<256x32xf32, #tpu.memory_space<vmem>> -> memref<64x32xf32, #tpu.memory_space<vmem>>
      tpu.enqueue_dma source(%dma_start3A_66 : memref<64x32xf32, #tpu.memory_space<vmem>>) target(%dma_start3A_60 : memref<64x32xf32, #tpu.memory_space<hbm>>) target_semaphore(%run_scoped3A : memref<!tpu.dma_semaphore, #tpu.memory_space<semaphore_mem>>)
      %dma_wait3A = arith.constant 0 : i32
      %dma_wait3A_67 = arith.constant 0 : i32
      %dma_wait3A_68 = tpu.memref_slice %arg8[%dma_wait3A, %dma_wait3A_67] : memref<768x32xf32, #tpu.memory_space<vmem>> -> memref<256x32xf32, #tpu.memory_space<vmem>>
      %dma_wait3A_69 = arith.constant 0 : i32
      %dma_wait3A_70 = arith.constant 0 : i32
      %dma_wait3A_71 = tpu.memref_slice %dma_wait3A_68[%dma_wait3A_69, %dma_wait3A_70] : memref<256x32xf32, #tpu.memory_space<vmem>> -> memref<64x32xf32, #tpu.memory_space<vmem>>
      %dma_wait3A_72 = arith.constant 0 : i32
      %dma_wait3A_73 = arith.constant 0 : i32
      %dma_wait3A_74 = tpu.memref_slice %arg5[%arg0, %dma_wait3A_72, %dma_wait3A_73] : memref<2x50176x32xf32, #tpu.memory_space<hbm>> -> memref<1x50176x32xf32, #tpu.memory_space<hbm>>
      %dma_wait3A_75 = tpu.memref_squeeze %dma_wait3A_74 : memref<1x50176x32xf32, #tpu.memory_space<hbm>> -> memref<50176x32xf32, #tpu.memory_space<hbm>>
      %dma_wait3A_76 = arith.constant 0 : i32
      %dma_wait3A_77 = tpu.memref_slice %dma_wait3A_75[%add3A_43, %dma_wait3A_76] : memref<50176x32xf32, #tpu.memory_space<hbm>> -> memref<64x32xf32, #tpu.memory_space<hbm>>
      %dma_wait3A_78 = arith.constant 0 : i32
      %dma_wait3A_79 = arith.constant 0 : i32
      %dma_wait3A_80 = tpu.memref_slice %arg5[%arg0, %dma_wait3A_78, %dma_wait3A_79] : memref<2x50176x32xf32, #tpu.memory_space<hbm>> -> memref<1x50176x32xf32, #tpu.memory_space<hbm>>
      %dma_wait3A_81 = tpu.memref_squeeze %dma_wait3A_80 : memref<1x50176x32xf32, #tpu.memory_space<hbm>> -> memref<50176x32xf32, #tpu.memory_space<hbm>>
      %dma_wait3A_82 = arith.constant 0 : i32
      %dma_wait3A_83 = tpu.memref_slice %dma_wait3A_81[%add3A_43, %dma_wait3A_82] : memref<50176x32xf32, #tpu.memory_space<hbm>> -> memref<64x32xf32, #tpu.memory_space<hbm>>
      %dma_wait3A_84 = arith.constant 0 : i32
      %dma_wait3A_85 = arith.constant 0 : i32
      %dma_wait3A_86 = tpu.memref_slice %arg8[%dma_wait3A_84, %dma_wait3A_85] : memref<768x32xf32, #tpu.memory_space<vmem>> -> memref<256x32xf32, #tpu.memory_space<vmem>>
      %dma_wait3A_87 = arith.constant 0 : i32
      %dma_wait3A_88 = arith.constant 0 : i32
      %dma_wait3A_89 = tpu.memref_slice %dma_wait3A_86[%dma_wait3A_87, %dma_wait3A_88] : memref<256x32xf32, #tpu.memory_space<vmem>> -> memref<64x32xf32, #tpu.memory_space<vmem>>
      tpu.wait_dma2 semaphore(%run_scoped3A : memref<!tpu.dma_semaphore, #tpu.memory_space<semaphore_mem>>) src(%dma_wait3A_89 : memref<64x32xf32, #tpu.memory_space<vmem>>) dst(%dma_wait3A_83 : memref<64x32xf32, #tpu.memory_space<hbm>>)
      tpu.yield
    }) : () -> ()
    return
  }
}

#map = affine_map<(d0, d1) -> (0, 0)>
#map1 = affine_map<(d0, d1) -> (0)>
module attributes {stable_mosaic.version = 14 : i64} {
  func.func @_hist_body(%arg0: i32, %arg1: i32, %arg2: memref<6400x128xi32, #tpu.memory_space<hbm>>, %arg3: memref<100352xf32, #tpu.memory_space<hbm>>, %arg4: memref<40x128xi32, #tpu.memory_space<vmem>>, %arg5: memref<128xf32, #tpu.memory_space<vmem>>, %arg6: memref<3136xf32, #tpu.memory_space<vmem>>, %arg7: memref<50176xf32, #tpu.memory_space<vmem_shared>>) attributes {dimension_semantics = [#tpu.dimension_semantics<core_parallel>, #tpu.dimension_semantics<subcore_parallel>], iteration_bounds = array<i64: 2, 16>, scalar_prefetch = 0 : i64, scratch_operands = 4 : i64, tpu.core_type = #tpu.core_type<sc_vector_subcore>, window_params = [{transform_indices = #map}, {transform_indices = #map1}]} {
    %mul3A = arith.constant 3136 : i32
    %mul3A_0 = arith.muli %arg1, %mul3A : i32
    %scan3A = arith.constant 0 : i32
    %scan3A_1 = arith.constant 8 : i32
    %scan3A_2 = arith.addi %scan3A, %scan3A_1 : i32
    %scan3A_3 = arith.constant 1 : i32
    scf.for %scan3A_23 = %scan3A to %scan3A_2 step %scan3A_3  : i32 {
      %mul3A_24 = arith.constant 16 : i32
      %mul3A_25 = arith.muli %scan3A_23, %mul3A_24 : i32
      %add3A_26 = arith.constant 0 : i32
      %add3A_27 = arith.addi %add3A_26, %mul3A_25 : i32
      %broadcast_in_dim3A = arith.constant 1.000000e+00 : f32
      %broadcast_in_dim3A_28 = vector.broadcast %broadcast_in_dim3A : f32 to vector<16xf32>
      %swap3A = arith.index_cast %add3A_27 : i32 to index
      %swap3A_29 = tpu.vector_load %arg5[%swap3A] {strides = array<i32>} : memref<128xf32, #tpu.memory_space<vmem>>, vector<16xf32>,
      %swap3A_30 = vector.shape_cast %swap3A_29 : vector<16xf32> to vector<16xf32>
      %swap3A_31 = vector.shape_cast %broadcast_in_dim3A_28 : vector<16xf32> to vector<16xf32>
      tpu.vector_store %arg5[%swap3A], %swap3A_31 {strides = array<i32>} : memref<128xf32, #tpu.memory_space<vmem>>, vector<16xf32>,
    }
    %scan3A_4 = arith.constant 8 : i32
    %scan3A_5 = arith.constant 0 : i32
    %scan3A_6 = arith.constant 196 : i32
    %scan3A_7 = arith.addi %scan3A_5, %scan3A_6 : i32
    %scan3A_8 = arith.constant 1 : i32
    scf.for %scan3A_23 = %scan3A_5 to %scan3A_7 step %scan3A_8  : i32 {
      %mul3A_24 = arith.constant 16 : i32
      %mul3A_25 = arith.muli %scan3A_23, %mul3A_24 : i32
      %add3A_26 = arith.constant 0 : i32
      %add3A_27 = arith.addi %add3A_26, %mul3A_25 : i32
      %broadcast_in_dim3A = arith.constant 0.000000e+00 : f32
      %broadcast_in_dim3A_28 = vector.broadcast %broadcast_in_dim3A : f32 to vector<16xf32>
      %swap3A = arith.index_cast %add3A_27 : i32 to index
      %swap3A_29 = tpu.vector_load %arg6[%swap3A] {strides = array<i32>} : memref<3136xf32, #tpu.memory_space<vmem>>, vector<16xf32>,
      %swap3A_30 = vector.shape_cast %swap3A_29 : vector<16xf32> to vector<16xf32>
      %swap3A_31 = vector.shape_cast %broadcast_in_dim3A_28 : vector<16xf32> to vector<16xf32>
      tpu.vector_store %arg6[%swap3A], %swap3A_31 {strides = array<i32>} : memref<3136xf32, #tpu.memory_space<vmem>>, vector<16xf32>,
    }
    %scan3A_9 = arith.constant 196 : i32
    "tpu.region"() ({
      %run_scoped3A = tpu.sem_alloc : memref<!tpu.dma_semaphore, #tpu.memory_space<semaphore_mem>>
      %dma_start3A = tpu.memref_slice %arg7[%mul3A_0] : memref<50176xf32, #tpu.memory_space<vmem_shared>> -> memref<3136xf32, #tpu.memory_space<vmem_shared>>
      %dma_start3A_23 = tpu.memref_slice %arg7[%mul3A_0] : memref<50176xf32, #tpu.memory_space<vmem_shared>> -> memref<3136xf32, #tpu.memory_space<vmem_shared>>
      tpu.enqueue_dma source(%arg6 : memref<3136xf32, #tpu.memory_space<vmem>>) target(%dma_start3A_23 : memref<3136xf32, #tpu.memory_space<vmem_shared>>) target_semaphore(%run_scoped3A : memref<!tpu.dma_semaphore, #tpu.memory_space<semaphore_mem>>)
      %dma_wait3A = tpu.memref_slice %arg7[%mul3A_0] : memref<50176xf32, #tpu.memory_space<vmem_shared>> -> memref<3136xf32, #tpu.memory_space<vmem_shared>>
      %dma_wait3A_24 = tpu.memref_slice %arg7[%mul3A_0] : memref<50176xf32, #tpu.memory_space<vmem_shared>> -> memref<3136xf32, #tpu.memory_space<vmem_shared>>
      tpu.wait_dma2 semaphore(%run_scoped3A : memref<!tpu.dma_semaphore, #tpu.memory_space<semaphore_mem>>) src(%arg6 : memref<3136xf32, #tpu.memory_space<vmem>>) dst(%dma_wait3A_24 : memref<3136xf32, #tpu.memory_space<vmem_shared>>)
      tpu.yield
    }) : () -> ()
    %barrier3A = arith.constant 0 : index
    tpu.barrier barrier_id(%barrier3A)
    %mul3A_10 = arith.constant 16 : i32
    %mul3A_11 = arith.muli %arg0, %mul3A_10 : i32
    %add3A = arith.addi %mul3A_11, %arg1 : i32
    %mul3A_12 = arith.constant 200 : i32
    %mul3A_13 = arith.muli %add3A, %mul3A_12 : i32
    %scan3A_14 = arith.constant 0 : i32
    %scan3A_15 = arith.constant 5 : i32
    %scan3A_16 = arith.addi %scan3A_14, %scan3A_15 : i32
    %scan3A_17 = arith.constant 1 : i32
    scf.for %scan3A_23 = %scan3A_14 to %scan3A_16 step %scan3A_17  : i32 {
      %mul3A_24 = arith.constant 40 : i32
      %mul3A_25 = arith.muli %scan3A_23, %mul3A_24 : i32
      %add3A_26 = arith.constant 0 : i32
      %add3A_27 = arith.addi %add3A_26, %mul3A_25 : i32
      %add3A_28 = arith.addi %mul3A_13, %add3A_27 : i32
      "tpu.region"() ({
        %run_scoped3A = tpu.sem_alloc : memref<!tpu.dma_semaphore, #tpu.memory_space<semaphore_mem>>
        %dma_start3A = arith.constant 0 : i32
        %dma_start3A_34 = tpu.memref_slice %arg2[%add3A_28, %dma_start3A] : memref<6400x128xi32, #tpu.memory_space<hbm>> -> memref<40x128xi32, #tpu.memory_space<hbm>>
        %dma_start3A_35 = arith.constant 0 : i32
        %dma_start3A_36 = tpu.memref_slice %arg2[%add3A_28, %dma_start3A_35] : memref<6400x128xi32, #tpu.memory_space<hbm>> -> memref<40x128xi32, #tpu.memory_space<hbm>>
        tpu.enqueue_dma source(%dma_start3A_36 : memref<40x128xi32, #tpu.memory_space<hbm>>) target(%arg4 : memref<40x128xi32, #tpu.memory_space<vmem>>) target_semaphore(%run_scoped3A : memref<!tpu.dma_semaphore, #tpu.memory_space<semaphore_mem>>)
        %dma_wait3A = arith.constant 0 : i32
        %dma_wait3A_37 = tpu.memref_slice %arg2[%add3A_28, %dma_wait3A] : memref<6400x128xi32, #tpu.memory_space<hbm>> -> memref<40x128xi32, #tpu.memory_space<hbm>>
        %dma_wait3A_38 = arith.constant 0 : i32
        %dma_wait3A_39 = tpu.memref_slice %arg2[%add3A_28, %dma_wait3A_38] : memref<6400x128xi32, #tpu.memory_space<hbm>> -> memref<40x128xi32, #tpu.memory_space<hbm>>
        tpu.wait_dma2 semaphore(%run_scoped3A : memref<!tpu.dma_semaphore, #tpu.memory_space<semaphore_mem>>) src(%dma_wait3A_39 : memref<40x128xi32, #tpu.memory_space<hbm>>) dst(%arg4 : memref<40x128xi32, #tpu.memory_space<vmem>>)
        tpu.yield
      }) : () -> ()
      %scan3A_29 = arith.constant 0 : i32
      %scan3A_30 = arith.constant 40 : i32
      %scan3A_31 = arith.addi %scan3A_29, %scan3A_30 : i32
      %scan3A_32 = arith.constant 1 : i32
      scf.for %scan3A_34 = %scan3A_29 to %scan3A_31 step %scan3A_32  : i32 {
        %mul3A_35 = arith.constant 1 : i32
        %mul3A_36 = arith.muli %scan3A_34, %mul3A_35 : i32
        %add3A_37 = arith.constant 0 : i32
        %add3A_38 = arith.addi %add3A_37, %mul3A_36 : i32
        "tpu.region"() ({
          %run_scoped3A = tpu.sem_alloc : memref<!tpu.dma_semaphore, #tpu.memory_space<semaphore_mem>>
          %dma_start3A = arith.constant 0 : i32
          %dma_start3A_39 = tpu.memref_slice %arg4[%add3A_38, %dma_start3A] : memref<40x128xi32, #tpu.memory_space<vmem>> -> memref<1x128xi32, #tpu.memory_space<vmem>>
          %dma_start3A_40 = tpu.memref_squeeze %dma_start3A_39 : memref<1x128xi32, #tpu.memory_space<vmem>> -> memref<128xi32, #tpu.memory_space<vmem>>
          %dma_start3A_41 = arith.constant 0 : i32
          %dma_start3A_42 = tpu.memref_slice %arg7[%dma_start3A_41] : memref<50176xf32, #tpu.memory_space<vmem_shared>> -> memref<50176xf32, #tpu.memory_space<vmem_shared>>
          tpu.enqueue_indirect_dma source(%arg5 : memref<128xf32, #tpu.memory_space<vmem>>) target(%dma_start3A_42 : memref<50176xf32, #tpu.memory_space<vmem_shared>>) offsets(%dma_start3A_40 : memref<128xi32, #tpu.memory_space<vmem>>) semaphore(%run_scoped3A : memref<!tpu.dma_semaphore, #tpu.memory_space<semaphore_mem>>) {add = true}
          %dma_wait3A = arith.constant 0 : i32
          %dma_wait3A_43 = tpu.memref_slice %arg4[%add3A_38, %dma_wait3A] : memref<40x128xi32, #tpu.memory_space<vmem>> -> memref<1x128xi32, #tpu.memory_space<vmem>>
          %dma_wait3A_44 = tpu.memref_squeeze %dma_wait3A_43 : memref<1x128xi32, #tpu.memory_space<vmem>> -> memref<128xi32, #tpu.memory_space<vmem>>
          %dma_wait3A_45 = arith.constant 0 : i32
          %dma_wait3A_46 = tpu.memref_slice %arg7[%dma_wait3A_45] : memref<50176xf32, #tpu.memory_space<vmem_shared>> -> memref<50176xf32, #tpu.memory_space<vmem_shared>>
          tpu.wait_indirect_dma semaphore(%run_scoped3A : memref<!tpu.dma_semaphore, #tpu.memory_space<semaphore_mem>>) src(%arg5 : memref<128xf32, #tpu.memory_space<vmem>>) dst(%dma_wait3A_46 : memref<50176xf32, #tpu.memory_space<vmem_shared>>)
          tpu.yield
        }) : () -> ()
      }
      %scan3A_33 = arith.constant 40 : i32
    }
    %scan3A_18 = arith.constant 5 : i32
    %barrier3A_19 = arith.constant 0 : index
    tpu.barrier barrier_id(%barrier3A_19)
    "tpu.region"() ({
      %run_scoped3A = tpu.sem_alloc : memref<!tpu.dma_semaphore, #tpu.memory_space<semaphore_mem>>
      %dma_start3A = tpu.memref_slice %arg7[%mul3A_0] : memref<50176xf32, #tpu.memory_space<vmem_shared>> -> memref<3136xf32, #tpu.memory_space<vmem_shared>>
      %dma_start3A_23 = tpu.memref_slice %arg7[%mul3A_0] : memref<50176xf32, #tpu.memory_space<vmem_shared>> -> memref<3136xf32, #tpu.memory_space<vmem_shared>>
      tpu.enqueue_dma source(%dma_start3A_23 : memref<3136xf32, #tpu.memory_space<vmem_shared>>) target(%arg6 : memref<3136xf32, #tpu.memory_space<vmem>>) target_semaphore(%run_scoped3A : memref<!tpu.dma_semaphore, #tpu.memory_space<semaphore_mem>>)
      %dma_wait3A = tpu.memref_slice %arg7[%mul3A_0] : memref<50176xf32, #tpu.memory_space<vmem_shared>> -> memref<3136xf32, #tpu.memory_space<vmem_shared>>
      %dma_wait3A_24 = tpu.memref_slice %arg7[%mul3A_0] : memref<50176xf32, #tpu.memory_space<vmem_shared>> -> memref<3136xf32, #tpu.memory_space<vmem_shared>>
      tpu.wait_dma2 semaphore(%run_scoped3A : memref<!tpu.dma_semaphore, #tpu.memory_space<semaphore_mem>>) src(%dma_wait3A_24 : memref<3136xf32, #tpu.memory_space<vmem_shared>>) dst(%arg6 : memref<3136xf32, #tpu.memory_space<vmem>>)
      tpu.yield
    }) : () -> ()
    %mul3A_20 = arith.constant 50176 : i32
    %mul3A_21 = arith.muli %arg0, %mul3A_20 : i32
    %add3A_22 = arith.addi %mul3A_21, %mul3A_0 : i32
    "tpu.region"() ({
      %run_scoped3A = tpu.sem_alloc : memref<!tpu.dma_semaphore, #tpu.memory_space<semaphore_mem>>
      %dma_start3A = tpu.memref_slice %arg3[%add3A_22] : memref<100352xf32, #tpu.memory_space<hbm>> -> memref<3136xf32, #tpu.memory_space<hbm>>
      %dma_start3A_23 = tpu.memref_slice %arg3[%add3A_22] : memref<100352xf32, #tpu.memory_space<hbm>> -> memref<3136xf32, #tpu.memory_space<hbm>>
      tpu.enqueue_dma source(%arg6 : memref<3136xf32, #tpu.memory_space<vmem>>) target(%dma_start3A_23 : memref<3136xf32, #tpu.memory_space<hbm>>) target_semaphore(%run_scoped3A : memref<!tpu.dma_semaphore, #tpu.memory_space<semaphore_mem>>)
      %dma_wait3A = tpu.memref_slice %arg3[%add3A_22] : memref<100352xf32, #tpu.memory_space<hbm>> -> memref<3136xf32, #tpu.memory_space<hbm>>
      %dma_wait3A_24 = tpu.memref_slice %arg3[%add3A_22] : memref<100352xf32, #tpu.memory_space<hbm>> -> memref<3136xf32, #tpu.memory_space<hbm>>
      tpu.wait_dma2 semaphore(%run_scoped3A : memref<!tpu.dma_semaphore, #tpu.memory_space<semaphore_mem>>) src(%arg6 : memref<3136xf32, #tpu.memory_space<vmem>>) dst(%dma_wait3A_24 : memref<3136xf32, #tpu.memory_space<hbm>>)
      tpu.yield
    }) : () -> ()
    return
  }
}

#map = affine_map<(d0, d1) -> (0, 0)>
#map1 = affine_map<(d0, d1) -> (0, 0, 0)>
module attributes {stable_mosaic.version = 14 : i64} {
  func.func @_gcn_body(%arg0: i32, %arg1: i32, %arg2: memref<3200x256xi32, #tpu.memory_space<hbm>>, %arg3: memref<3200x256xi32, #tpu.memory_space<hbm>>, %arg4: memref<2x50176x32xf32, #tpu.memory_space<hbm>>, %arg5: memref<2x50176x32xf32, #tpu.memory_space<hbm>>, %arg6: memref<8x256xi32, #tpu.memory_space<vmem>>, %arg7: memref<8x256xi32, #tpu.memory_space<vmem>>, %arg8: memref<768x32xf32, #tpu.memory_space<vmem>>, %arg9: memref<50176x32xf32, #tpu.memory_space<vmem_shared>>, %arg10: memref<!tpu.dma_semaphore, #tpu.memory_space<semaphore_mem>>, %arg11: memref<!tpu.dma_semaphore, #tpu.memory_space<semaphore_mem>>, %arg12: memref<!tpu.dma_semaphore, #tpu.memory_space<semaphore_mem>>, %arg13: memref<!tpu.dma_semaphore, #tpu.memory_space<semaphore_mem>>) attributes {dimension_semantics = [#tpu.dimension_semantics<core_parallel>, #tpu.dimension_semantics<subcore_parallel>], iteration_bounds = array<i64: 2, 16>, scalar_prefetch = 0 : i64, scratch_operands = 8 : i64, tpu.core_type = #tpu.core_type<sc_vector_subcore>, window_params = [{transform_indices = #map}, {transform_indices = #map}, {transform_indices = #map1}, {transform_indices = #map1}]} {
    %mul3A = arith.constant 3136 : i32
    %mul3A_0 = arith.muli %arg1, %mul3A : i32
    %scan3A = arith.constant 0 : i32
    %scan3A_1 = arith.constant 256 : i32
    %scan3A_2 = arith.addi %scan3A, %scan3A_1 : i32
    %scan3A_3 = arith.constant 1 : i32
    scf.for %scan3A_44 = %scan3A to %scan3A_2 step %scan3A_3  : i32 {
      %mul3A_45 = arith.constant 1 : i32
      %mul3A_46 = arith.muli %scan3A_44, %mul3A_45 : i32
      %add3A_47 = arith.constant 0 : i32
      %add3A_48 = arith.addi %add3A_47, %mul3A_46 : i32
      %broadcast_in_dim3A = arith.constant 0.000000e+00 : f32
      %broadcast_in_dim3A_49 = vector.broadcast %broadcast_in_dim3A : f32 to vector<16xf32>
      %swap3A = arith.constant 0 : i32
      %swap3A_50 = arith.constant 0 : i32
      %swap3A_51 = tpu.memref_slice %arg8[%swap3A, %swap3A_50] : memref<768x32xf32, #tpu.memory_space<vmem>> -> memref<256x32xf32, #tpu.memory_space<vmem>>
      %swap3A_52 = arith.index_cast %add3A_48 : i32 to index
      %swap3A_53 = arith.constant 0 : index
      %swap3A_54 = tpu.vector_load %swap3A_51[%swap3A_52, %swap3A_53] {strides = array<i32>} : memref<256x32xf32, #tpu.memory_space<vmem>>, vector<1x16xf32>,
      %swap3A_55 = vector.shape_cast %swap3A_54 : vector<1x16xf32> to vector<16xf32>
      %swap3A_56 = vector.shape_cast %broadcast_in_dim3A_49 : vector<16xf32> to vector<1x16xf32>
      tpu.vector_store %swap3A_51[%swap3A_52, %swap3A_53], %swap3A_56 {strides = array<i32>} : memref<256x32xf32, #tpu.memory_space<vmem>>, vector<1x16xf32>,
      %broadcast_in_dim3A_57 = arith.constant 0.000000e+00 : f32
      %broadcast_in_dim3A_58 = vector.broadcast %broadcast_in_dim3A_57 : f32 to vector<16xf32>
      %swap3A_59 = arith.constant 0 : i32
      %swap3A_60 = arith.constant 0 : i32
      %swap3A_61 = tpu.memref_slice %arg8[%swap3A_59, %swap3A_60] : memref<768x32xf32, #tpu.memory_space<vmem>> -> memref<256x32xf32, #tpu.memory_space<vmem>>
      %swap3A_62 = arith.index_cast %add3A_48 : i32 to index
      %swap3A_63 = arith.constant 16 : index
      %swap3A_64 = tpu.vector_load %swap3A_61[%swap3A_62, %swap3A_63] {strides = array<i32>} : memref<256x32xf32, #tpu.memory_space<vmem>>, vector<1x16xf32>,
      %swap3A_65 = vector.shape_cast %swap3A_64 : vector<1x16xf32> to vector<16xf32>
      %swap3A_66 = vector.shape_cast %broadcast_in_dim3A_58 : vector<16xf32> to vector<1x16xf32>
      tpu.vector_store %swap3A_61[%swap3A_62, %swap3A_63], %swap3A_66 {strides = array<i32>} : memref<256x32xf32, #tpu.memory_space<vmem>>, vector<1x16xf32>,
    }
    %scan3A_4 = arith.constant 256 : i32
    %scan3A_5 = arith.constant 0 : i32
    %scan3A_6 = arith.constant 12 : i32
    %scan3A_7 = arith.addi %scan3A_5, %scan3A_6 : i32
    %scan3A_8 = arith.constant 1 : i32
    scf.for %scan3A_44 = %scan3A_5 to %scan3A_7 step %scan3A_8  : i32 {
      %mul3A_45 = arith.constant 1 : i32
      %mul3A_46 = arith.muli %scan3A_44, %mul3A_45 : i32
      %add3A_47 = arith.constant 0 : i32
      %add3A_48 = arith.addi %add3A_47, %mul3A_46 : i32
      %mul3A_49 = arith.constant 256 : i32
      %mul3A_50 = arith.muli %add3A_48, %mul3A_49 : i32
      %add3A_51 = arith.addi %mul3A_0, %mul3A_50 : i32
      "tpu.region"() ({
        %run_scoped3A = tpu.sem_alloc : memref<!tpu.dma_semaphore, #tpu.memory_space<semaphore_mem>>
        %dma_start3A = arith.constant 0 : i32
        %dma_start3A_52 = arith.constant 0 : i32
        %dma_start3A_53 = tpu.memref_slice %arg8[%dma_start3A, %dma_start3A_52] : memref<768x32xf32, #tpu.memory_space<vmem>> -> memref<256x32xf32, #tpu.memory_space<vmem>>
        %dma_start3A_54 = arith.constant 0 : i32
        %dma_start3A_55 = tpu.memref_slice %arg9[%add3A_51, %dma_start3A_54] : memref<50176x32xf32, #tpu.memory_space<vmem_shared>> -> memref<256x32xf32, #tpu.memory_space<vmem_shared>>
        %dma_start3A_56 = arith.constant 0 : i32
        %dma_start3A_57 = tpu.memref_slice %arg9[%add3A_51, %dma_start3A_56] : memref<50176x32xf32, #tpu.memory_space<vmem_shared>> -> memref<256x32xf32, #tpu.memory_space<vmem_shared>>
        %dma_start3A_58 = arith.constant 0 : i32
        %dma_start3A_59 = arith.constant 0 : i32
        %dma_start3A_60 = tpu.memref_slice %arg8[%dma_start3A_58, %dma_start3A_59] : memref<768x32xf32, #tpu.memory_space<vmem>> -> memref<256x32xf32, #tpu.memory_space<vmem>>
        tpu.enqueue_dma source(%dma_start3A_60 : memref<256x32xf32, #tpu.memory_space<vmem>>) target(%dma_start3A_57 : memref<256x32xf32, #tpu.memory_space<vmem_shared>>) target_semaphore(%run_scoped3A : memref<!tpu.dma_semaphore, #tpu.memory_space<semaphore_mem>>)
        %dma_wait3A = arith.constant 0 : i32
        %dma_wait3A_61 = arith.constant 0 : i32
        %dma_wait3A_62 = tpu.memref_slice %arg8[%dma_wait3A, %dma_wait3A_61] : memref<768x32xf32, #tpu.memory_space<vmem>> -> memref<256x32xf32, #tpu.memory_space<vmem>>
        %dma_wait3A_63 = arith.constant 0 : i32
        %dma_wait3A_64 = tpu.memref_slice %arg9[%add3A_51, %dma_wait3A_63] : memref<50176x32xf32, #tpu.memory_space<vmem_shared>> -> memref<256x32xf32, #tpu.memory_space<vmem_shared>>
        %dma_wait3A_65 = arith.constant 0 : i32
        %dma_wait3A_66 = tpu.memref_slice %arg9[%add3A_51, %dma_wait3A_65] : memref<50176x32xf32, #tpu.memory_space<vmem_shared>> -> memref<256x32xf32, #tpu.memory_space<vmem_shared>>
        %dma_wait3A_67 = arith.constant 0 : i32
        %dma_wait3A_68 = arith.constant 0 : i32
        %dma_wait3A_69 = tpu.memref_slice %arg8[%dma_wait3A_67, %dma_wait3A_68] : memref<768x32xf32, #tpu.memory_space<vmem>> -> memref<256x32xf32, #tpu.memory_space<vmem>>
        tpu.wait_dma2 semaphore(%run_scoped3A : memref<!tpu.dma_semaphore, #tpu.memory_space<semaphore_mem>>) src(%dma_wait3A_69 : memref<256x32xf32, #tpu.memory_space<vmem>>) dst(%dma_wait3A_66 : memref<256x32xf32, #tpu.memory_space<vmem_shared>>)
        tpu.yield
      }) : () -> ()
    }
    %scan3A_9 = arith.constant 12 : i32
    %add3A = arith.constant 3072 : i32
    %add3A_10 = arith.addi %mul3A_0, %add3A : i32
    "tpu.region"() ({
      %run_scoped3A = tpu.sem_alloc : memref<!tpu.dma_semaphore, #tpu.memory_space<semaphore_mem>>
      %dma_start3A = arith.constant 0 : i32
      %dma_start3A_44 = arith.constant 0 : i32
      %dma_start3A_45 = tpu.memref_slice %arg8[%dma_start3A, %dma_start3A_44] : memref<768x32xf32, #tpu.memory_space<vmem>> -> memref<256x32xf32, #tpu.memory_space<vmem>>
      %dma_start3A_46 = arith.constant 0 : i32
      %dma_start3A_47 = arith.constant 0 : i32
      %dma_start3A_48 = tpu.memref_slice %dma_start3A_45[%dma_start3A_46, %dma_start3A_47] : memref<256x32xf32, #tpu.memory_space<vmem>> -> memref<64x32xf32, #tpu.memory_space<vmem>>
      %dma_start3A_49 = arith.constant 0 : i32
      %dma_start3A_50 = tpu.memref_slice %arg9[%add3A_10, %dma_start3A_49] : memref<50176x32xf32, #tpu.memory_space<vmem_shared>> -> memref<64x32xf32, #tpu.memory_space<vmem_shared>>
      %dma_start3A_51 = arith.constant 0 : i32
      %dma_start3A_52 = tpu.memref_slice %arg9[%add3A_10, %dma_start3A_51] : memref<50176x32xf32, #tpu.memory_space<vmem_shared>> -> memref<64x32xf32, #tpu.memory_space<vmem_shared>>
      %dma_start3A_53 = arith.constant 0 : i32
      %dma_start3A_54 = arith.constant 0 : i32
      %dma_start3A_55 = tpu.memref_slice %arg8[%dma_start3A_53, %dma_start3A_54] : memref<768x32xf32, #tpu.memory_space<vmem>> -> memref<256x32xf32, #tpu.memory_space<vmem>>
      %dma_start3A_56 = arith.constant 0 : i32
      %dma_start3A_57 = arith.constant 0 : i32
      %dma_start3A_58 = tpu.memref_slice %dma_start3A_55[%dma_start3A_56, %dma_start3A_57] : memref<256x32xf32, #tpu.memory_space<vmem>> -> memref<64x32xf32, #tpu.memory_space<vmem>>
      tpu.enqueue_dma source(%dma_start3A_58 : memref<64x32xf32, #tpu.memory_space<vmem>>) target(%dma_start3A_52 : memref<64x32xf32, #tpu.memory_space<vmem_shared>>) target_semaphore(%run_scoped3A : memref<!tpu.dma_semaphore, #tpu.memory_space<semaphore_mem>>)
      %dma_wait3A = arith.constant 0 : i32
      %dma_wait3A_59 = arith.constant 0 : i32
      %dma_wait3A_60 = tpu.memref_slice %arg8[%dma_wait3A, %dma_wait3A_59] : memref<768x32xf32, #tpu.memory_space<vmem>> -> memref<256x32xf32, #tpu.memory_space<vmem>>
      %dma_wait3A_61 = arith.constant 0 : i32
      %dma_wait3A_62 = arith.constant 0 : i32
      %dma_wait3A_63 = tpu.memref_slice %dma_wait3A_60[%dma_wait3A_61, %dma_wait3A_62] : memref<256x32xf32, #tpu.memory_space<vmem>> -> memref<64x32xf32, #tpu.memory_space<vmem>>
      %dma_wait3A_64 = arith.constant 0 : i32
      %dma_wait3A_65 = tpu.memref_slice %arg9[%add3A_10, %dma_wait3A_64] : memref<50176x32xf32, #tpu.memory_space<vmem_shared>> -> memref<64x32xf32, #tpu.memory_space<vmem_shared>>
      %dma_wait3A_66 = arith.constant 0 : i32
      %dma_wait3A_67 = tpu.memref_slice %arg9[%add3A_10, %dma_wait3A_66] : memref<50176x32xf32, #tpu.memory_space<vmem_shared>> -> memref<64x32xf32, #tpu.memory_space<vmem_shared>>
      %dma_wait3A_68 = arith.constant 0 : i32
      %dma_wait3A_69 = arith.constant 0 : i32
      %dma_wait3A_70 = tpu.memref_slice %arg8[%dma_wait3A_68, %dma_wait3A_69] : memref<768x32xf32, #tpu.memory_space<vmem>> -> memref<256x32xf32, #tpu.memory_space<vmem>>
      %dma_wait3A_71 = arith.constant 0 : i32
      %dma_wait3A_72 = arith.constant 0 : i32
      %dma_wait3A_73 = tpu.memref_slice %dma_wait3A_70[%dma_wait3A_71, %dma_wait3A_72] : memref<256x32xf32, #tpu.memory_space<vmem>> -> memref<64x32xf32, #tpu.memory_space<vmem>>
      tpu.wait_dma2 semaphore(%run_scoped3A : memref<!tpu.dma_semaphore, #tpu.memory_space<semaphore_mem>>) src(%dma_wait3A_73 : memref<64x32xf32, #tpu.memory_space<vmem>>) dst(%dma_wait3A_67 : memref<64x32xf32, #tpu.memory_space<vmem_shared>>)
      tpu.yield
    }) : () -> ()
    %barrier3A = arith.constant 0 : index
    tpu.barrier barrier_id(%barrier3A)
    %mul3A_11 = arith.constant 400 : i32
    %mul3A_12 = arith.muli %arg1, %mul3A_11 : i32
    %jit3A = arith.constant 2 : i32
    %div3A = arith.divsi %mul3A_12, %jit3A : i32
    %sign3A = arith.constant 0 : i32
    %sign3A_13 = arith.cmpi sgt, %mul3A_12, %sign3A : i32
    %sign3A_14 = arith.extui %sign3A_13 : i1 to i32
    %sign3A_15 = arith.constant 0 : i32
    %sign3A_16 = arith.cmpi slt, %mul3A_12, %sign3A_15 : i32
    %sign3A_17 = arith.extui %sign3A_16 : i1 to i32
    %sign3A_18 = arith.subi %sign3A_14, %sign3A_17 : i32
    %sign3A_19 = arith.constant 0 : i32
    %sign3A_20 = arith.cmpi sgt, %jit3A, %sign3A_19 : i32
    %sign3A_21 = arith.extui %sign3A_20 : i1 to i32
    %sign3A_22 = arith.constant 0 : i32
    %sign3A_23 = arith.cmpi slt, %jit3A, %sign3A_22 : i32
    %sign3A_24 = arith.extui %sign3A_23 : i1 to i32
    %sign3A_25 = arith.subi %sign3A_21, %sign3A_24 : i32
    %ne3A = arith.cmpi ne, %sign3A_18, %sign3A_25 : i32
    %rem3A = arith.remsi %mul3A_12, %jit3A : i32
    %ne3A_26 = arith.constant 0 : i32
    %ne3A_27 = arith.cmpi ne, %rem3A, %ne3A_26 : i32
    %and3A = arith.andi %ne3A, %ne3A_27 : i1
    %sub3A = arith.constant 1 : i32
    %sub3A_28 = arith.subi %div3A, %sub3A : i32
    %select_n3A = arith.select %and3A, %sub3A_28, %div3A : i32
    %scan3A_29 = arith.constant 0 : i32
    %scan3A_30 = arith.constant 25 : i32
    %scan3A_31 = arith.addi %scan3A_29, %scan3A_30 : i32
    %scan3A_32 = arith.constant 1 : i32
    scf.for %scan3A_44 = %scan3A_29 to %scan3A_31 step %scan3A_32  : i32 {
      %mul3A_45 = arith.constant 1 : i32
      %mul3A_46 = arith.muli %scan3A_44, %mul3A_45 : i32
      %add3A_47 = arith.constant 0 : i32
      %add3A_48 = arith.addi %add3A_47, %mul3A_46 : i32
      %mul3A_49 = arith.constant 8 : i32
      %mul3A_50 = arith.muli %add3A_48, %mul3A_49 : i32
      %add3A_51 = arith.addi %select_n3A, %mul3A_50 : i32
      "tpu.region"() ({
        %run_scoped3A = tpu.sem_alloc : memref<!tpu.dma_semaphore, #tpu.memory_space<semaphore_mem>>
        %dma_start3A_437 = arith.constant 0 : i32
        %dma_start3A_438 = tpu.memref_slice %arg2[%add3A_51, %dma_start3A_437] : memref<3200x256xi32, #tpu.memory_space<hbm>> -> memref<8x256xi32, #tpu.memory_space<hbm>>
        %dma_start3A_439 = arith.constant 0 : i32
        %dma_start3A_440 = tpu.memref_slice %arg2[%add3A_51, %dma_start3A_439] : memref<3200x256xi32, #tpu.memory_space<hbm>> -> memref<8x256xi32, #tpu.memory_space<hbm>>
        tpu.enqueue_dma source(%dma_start3A_440 : memref<8x256xi32, #tpu.memory_space<hbm>>) target(%arg6 : memref<8x256xi32, #tpu.memory_space<vmem>>) target_semaphore(%run_scoped3A : memref<!tpu.dma_semaphore, #tpu.memory_space<semaphore_mem>>)
        %dma_wait3A_441 = arith.constant 0 : i32
        %dma_wait3A_442 = tpu.memref_slice %arg2[%add3A_51, %dma_wait3A_441] : memref<3200x256xi32, #tpu.memory_space<hbm>> -> memref<8x256xi32, #tpu.memory_space<hbm>>
        %dma_wait3A_443 = arith.constant 0 : i32
        %dma_wait3A_444 = tpu.memref_slice %arg2[%add3A_51, %dma_wait3A_443] : memref<3200x256xi32, #tpu.memory_space<hbm>> -> memref<8x256xi32, #tpu.memory_space<hbm>>
        tpu.wait_dma2 semaphore(%run_scoped3A : memref<!tpu.dma_semaphore, #tpu.memory_space<semaphore_mem>>) src(%dma_wait3A_444 : memref<8x256xi32, #tpu.memory_space<hbm>>) dst(%arg6 : memref<8x256xi32, #tpu.memory_space<vmem>>)
        tpu.yield
      }) : () -> ()
      %mul3A_52 = arith.constant 8 : i32
      %mul3A_53 = arith.muli %add3A_48, %mul3A_52 : i32
      %add3A_54 = arith.addi %select_n3A, %mul3A_53 : i32
      "tpu.region"() ({
        %run_scoped3A = tpu.sem_alloc : memref<!tpu.dma_semaphore, #tpu.memory_space<semaphore_mem>>
        %dma_start3A_437 = arith.constant 0 : i32
        %dma_start3A_438 = tpu.memref_slice %arg3[%add3A_54, %dma_start3A_437] : memref<3200x256xi32, #tpu.memory_space<hbm>> -> memref<8x256xi32, #tpu.memory_space<hbm>>
        %dma_start3A_439 = arith.constant 0 : i32
        %dma_start3A_440 = tpu.memref_slice %arg3[%add3A_54, %dma_start3A_439] : memref<3200x256xi32, #tpu.memory_space<hbm>> -> memref<8x256xi32, #tpu.memory_space<hbm>>
        tpu.enqueue_dma source(%dma_start3A_440 : memref<8x256xi32, #tpu.memory_space<hbm>>) target(%arg7 : memref<8x256xi32, #tpu.memory_space<vmem>>) target_semaphore(%run_scoped3A : memref<!tpu.dma_semaphore, #tpu.memory_space<semaphore_mem>>)
        %dma_wait3A_441 = arith.constant 0 : i32
        %dma_wait3A_442 = tpu.memref_slice %arg3[%add3A_54, %dma_wait3A_441] : memref<3200x256xi32, #tpu.memory_space<hbm>> -> memref<8x256xi32, #tpu.memory_space<hbm>>
        %dma_wait3A_443 = arith.constant 0 : i32
        %dma_wait3A_444 = tpu.memref_slice %arg3[%add3A_54, %dma_wait3A_443] : memref<3200x256xi32, #tpu.memory_space<hbm>> -> memref<8x256xi32, #tpu.memory_space<hbm>>
        tpu.wait_dma2 semaphore(%run_scoped3A : memref<!tpu.dma_semaphore, #tpu.memory_space<semaphore_mem>>) src(%dma_wait3A_444 : memref<8x256xi32, #tpu.memory_space<hbm>>) dst(%arg7 : memref<8x256xi32, #tpu.memory_space<vmem>>)
        tpu.yield
      }) : () -> ()
      %dma_start3A = arith.constant 0 : i32
      %dma_start3A_55 = arith.constant 0 : i32
      %dma_start3A_56 = arith.constant 0 : i32
      %dma_start3A_57 = tpu.memref_slice %arg8[%dma_start3A_55, %dma_start3A_56] : memref<768x32xf32, #tpu.memory_space<vmem>> -> memref<256x32xf32, #tpu.memory_space<vmem>>
      %dma_start3A_58 = arith.constant 0 : i32
      %dma_start3A_59 = tpu.memref_slice %arg6[%dma_start3A, %dma_start3A_58] : memref<8x256xi32, #tpu.memory_space<vmem>> -> memref<1x256xi32, #tpu.memory_space<vmem>>
      %dma_start3A_60 = tpu.memref_squeeze %dma_start3A_59 : memref<1x256xi32, #tpu.memory_space<vmem>> -> memref<256xi32, #tpu.memory_space<vmem>>
      %dma_start3A_61 = arith.constant 0 : i32
      %dma_start3A_62 = arith.constant 0 : i32
      %dma_start3A_63 = tpu.memref_slice %arg4[%arg0, %dma_start3A_61, %dma_start3A_62] : memref<2x50176x32xf32, #tpu.memory_space<hbm>> -> memref<1x50176x32xf32, #tpu.memory_space<hbm>>
      %dma_start3A_64 = tpu.memref_squeeze %dma_start3A_63 : memref<1x50176x32xf32, #tpu.memory_space<hbm>> -> memref<50176x32xf32, #tpu.memory_space<hbm>>
      %dma_start3A_65 = arith.constant 0 : i32
      %dma_start3A_66 = arith.constant 0 : i32
      %dma_start3A_67 = tpu.memref_slice %dma_start3A_64[%dma_start3A_65, %dma_start3A_66] : memref<50176x32xf32, #tpu.memory_space<hbm>> -> memref<50176x32xf32, #tpu.memory_space<hbm>>
      tpu.enqueue_indirect_dma source(%dma_start3A_67 : memref<50176x32xf32, #tpu.memory_space<hbm>>) target(%dma_start3A_57 : memref<256x32xf32, #tpu.memory_space<vmem>>) offsets(%dma_start3A_60 : memref<256xi32, #tpu.memory_space<vmem>>) semaphore(%arg10 : memref<!tpu.dma_semaphore, #tpu.memory_space<semaphore_mem>>)
      %dma_start3A_68 = arith.constant 1 : i32
      %dma_start3A_69 = arith.constant 256 : i32
      %dma_start3A_70 = arith.constant 0 : i32
      %dma_start3A_71 = tpu.memref_slice %arg8[%dma_start3A_69, %dma_start3A_70] : memref<768x32xf32, #tpu.memory_space<vmem>> -> memref<256x32xf32, #tpu.memory_space<vmem>>
      %dma_start3A_72 = arith.constant 0 : i32
      %dma_start3A_73 = tpu.memref_slice %arg6[%dma_start3A_68, %dma_start3A_72] : memref<8x256xi32, #tpu.memory_space<vmem>> -> memref<1x256xi32, #tpu.memory_space<vmem>>
      %dma_start3A_74 = tpu.memref_squeeze %dma_start3A_73 : memref<1x256xi32, #tpu.memory_space<vmem>> -> memref<256xi32, #tpu.memory_space<vmem>>
      %dma_start3A_75 = arith.constant 0 : i32
      %dma_start3A_76 = arith.constant 0 : i32
      %dma_start3A_77 = tpu.memref_slice %arg4[%arg0, %dma_start3A_75, %dma_start3A_76] : memref<2x50176x32xf32, #tpu.memory_space<hbm>> -> memref<1x50176x32xf32, #tpu.memory_space<hbm>>
      %dma_start3A_78 = tpu.memref_squeeze %dma_start3A_77 : memref<1x50176x32xf32, #tpu.memory_space<hbm>> -> memref<50176x32xf32, #tpu.memory_space<hbm>>
      %dma_start3A_79 = arith.constant 0 : i32
      %dma_start3A_80 = arith.constant 0 : i32
      %dma_start3A_81 = tpu.memref_slice %dma_start3A_78[%dma_start3A_79, %dma_start3A_80] : memref<50176x32xf32, #tpu.memory_space<hbm>> -> memref<50176x32xf32, #tpu.memory_space<hbm>>
      tpu.enqueue_indirect_dma source(%dma_start3A_81 : memref<50176x32xf32, #tpu.memory_space<hbm>>) target(%dma_start3A_71 : memref<256x32xf32, #tpu.memory_space<vmem>>) offsets(%dma_start3A_74 : memref<256xi32, #tpu.memory_space<vmem>>) semaphore(%arg11 : memref<!tpu.dma_semaphore, #tpu.memory_space<semaphore_mem>>)
      %dma_wait3A = arith.constant 0 : i32
      %dma_wait3A_82 = arith.constant 0 : i32
      %dma_wait3A_83 = arith.constant 0 : i32
      %dma_wait3A_84 = tpu.memref_slice %arg8[%dma_wait3A_82, %dma_wait3A_83] : memref<768x32xf32, #tpu.memory_space<vmem>> -> memref<256x32xf32, #tpu.memory_space<vmem>>
      %dma_wait3A_85 = arith.constant 0 : i32
      %dma_wait3A_86 = tpu.memref_slice %arg6[%dma_wait3A, %dma_wait3A_85] : memref<8x256xi32, #tpu.memory_space<vmem>> -> memref<1x256xi32, #tpu.memory_space<vmem>>
      %dma_wait3A_87 = tpu.memref_squeeze %dma_wait3A_86 : memref<1x256xi32, #tpu.memory_space<vmem>> -> memref<256xi32, #tpu.memory_space<vmem>>
      %dma_wait3A_88 = arith.constant 0 : i32
      %dma_wait3A_89 = arith.constant 0 : i32
      %dma_wait3A_90 = tpu.memref_slice %arg4[%arg0, %dma_wait3A_88, %dma_wait3A_89] : memref<2x50176x32xf32, #tpu.memory_space<hbm>> -> memref<1x50176x32xf32, #tpu.memory_space<hbm>>
      %dma_wait3A_91 = tpu.memref_squeeze %dma_wait3A_90 : memref<1x50176x32xf32, #tpu.memory_space<hbm>> -> memref<50176x32xf32, #tpu.memory_space<hbm>>
      %dma_wait3A_92 = arith.constant 0 : i32
      %dma_wait3A_93 = arith.constant 0 : i32
      %dma_wait3A_94 = tpu.memref_slice %dma_wait3A_91[%dma_wait3A_92, %dma_wait3A_93] : memref<50176x32xf32, #tpu.memory_space<hbm>> -> memref<50176x32xf32, #tpu.memory_space<hbm>>
      tpu.wait_indirect_dma semaphore(%arg10 : memref<!tpu.dma_semaphore, #tpu.memory_space<semaphore_mem>>) src(%dma_wait3A_94 : memref<50176x32xf32, #tpu.memory_space<hbm>>) dst(%dma_wait3A_84 : memref<256x32xf32, #tpu.memory_space<vmem>>)
      %dma_start3A_95 = arith.constant 0 : i32
      %dma_start3A_96 = arith.constant 0 : i32
      %dma_start3A_97 = arith.constant 0 : i32
      %dma_start3A_98 = tpu.memref_slice %arg8[%dma_start3A_96, %dma_start3A_97] : memref<768x32xf32, #tpu.memory_space<vmem>> -> memref<256x32xf32, #tpu.memory_space<vmem>>
      %dma_start3A_99 = arith.constant 0 : i32
      %dma_start3A_100 = tpu.memref_slice %arg7[%dma_start3A_95, %dma_start3A_99] : memref<8x256xi32, #tpu.memory_space<vmem>> -> memref<1x256xi32, #tpu.memory_space<vmem>>
      %dma_start3A_101 = tpu.memref_squeeze %dma_start3A_100 : memref<1x256xi32, #tpu.memory_space<vmem>> -> memref<256xi32, #tpu.memory_space<vmem>>
      %dma_start3A_102 = arith.constant 0 : i32
      %dma_start3A_103 = arith.constant 0 : i32
      %dma_start3A_104 = tpu.memref_slice %arg9[%dma_start3A_102, %dma_start3A_103] : memref<50176x32xf32, #tpu.memory_space<vmem_shared>> -> memref<50176x32xf32, #tpu.memory_space<vmem_shared>>
      tpu.enqueue_indirect_dma source(%dma_start3A_98 : memref<256x32xf32, #tpu.memory_space<vmem>>) target(%dma_start3A_104 : memref<50176x32xf32, #tpu.memory_space<vmem_shared>>) offsets(%dma_start3A_101 : memref<256xi32, #tpu.memory_space<vmem>>) semaphore(%arg12 : memref<!tpu.dma_semaphore, #tpu.memory_space<semaphore_mem>>) {add = true}
      %dma_start3A_105 = arith.constant 2 : i32
      %dma_start3A_106 = arith.constant 512 : i32
      %dma_start3A_107 = arith.constant 0 : i32
      %dma_start3A_108 = tpu.memref_slice %arg8[%dma_start3A_106, %dma_start3A_107] : memref<768x32xf32, #tpu.memory_space<vmem>> -> memref<256x32xf32, #tpu.memory_space<vmem>>
      %dma_start3A_109 = arith.constant 0 : i32
      %dma_start3A_110 = tpu.memref_slice %arg6[%dma_start3A_105, %dma_start3A_109] : memref<8x256xi32, #tpu.memory_space<vmem>> -> memref<1x256xi32, #tpu.memory_space<vmem>>
      %dma_start3A_111 = tpu.memref_squeeze %dma_start3A_110 : memref<1x256xi32, #tpu.memory_space<vmem>> -> memref<256xi32, #tpu.memory_space<vmem>>
      %dma_start3A_112 = arith.constant 0 : i32
      %dma_start3A_113 = arith.constant 0 : i32
      %dma_start3A_114 = tpu.memref_slice %arg4[%arg0, %dma_start3A_112, %dma_start3A_113] : memref<2x50176x32xf32, #tpu.memory_space<hbm>> -> memref<1x50176x32xf32, #tpu.memory_space<hbm>>
      %dma_start3A_115 = tpu.memref_squeeze %dma_start3A_114 : memref<1x50176x32xf32, #tpu.memory_space<hbm>> -> memref<50176x32xf32, #tpu.memory_space<hbm>>
      %dma_start3A_116 = arith.constant 0 : i32
      %dma_start3A_117 = arith.constant 0 : i32
      %dma_start3A_118 = tpu.memref_slice %dma_start3A_115[%dma_start3A_116, %dma_start3A_117] : memref<50176x32xf32, #tpu.memory_space<hbm>> -> memref<50176x32xf32, #tpu.memory_space<hbm>>
      tpu.enqueue_indirect_dma source(%dma_start3A_118 : memref<50176x32xf32, #tpu.memory_space<hbm>>) target(%dma_start3A_108 : memref<256x32xf32, #tpu.memory_space<vmem>>) offsets(%dma_start3A_111 : memref<256xi32, #tpu.memory_space<vmem>>) semaphore(%arg10 : memref<!tpu.dma_semaphore, #tpu.memory_space<semaphore_mem>>)
      %dma_wait3A_119 = arith.constant 0 : i32
      %dma_wait3A_120 = arith.constant 0 : i32
      %dma_wait3A_121 = arith.constant 0 : i32
      %dma_wait3A_122 = tpu.memref_slice %arg8[%dma_wait3A_120, %dma_wait3A_121] : memref<768x32xf32, #tpu.memory_space<vmem>> -> memref<256x32xf32, #tpu.memory_space<vmem>>
      %dma_wait3A_123 = arith.constant 0 : i32
      %dma_wait3A_124 = tpu.memref_slice %arg6[%dma_wait3A_119, %dma_wait3A_123] : memref<8x256xi32, #tpu.memory_space<vmem>> -> memref<1x256xi32, #tpu.memory_space<vmem>>
      %dma_wait3A_125 = tpu.memref_squeeze %dma_wait3A_124 : memref<1x256xi32, #tpu.memory_space<vmem>> -> memref<256xi32, #tpu.memory_space<vmem>>
      %dma_wait3A_126 = arith.constant 0 : i32
      %dma_wait3A_127 = arith.constant 0 : i32
      %dma_wait3A_128 = tpu.memref_slice %arg4[%arg0, %dma_wait3A_126, %dma_wait3A_127] : memref<2x50176x32xf32, #tpu.memory_space<hbm>> -> memref<1x50176x32xf32, #tpu.memory_space<hbm>>
      %dma_wait3A_129 = tpu.memref_squeeze %dma_wait3A_128 : memref<1x50176x32xf32, #tpu.memory_space<hbm>> -> memref<50176x32xf32, #tpu.memory_space<hbm>>
      %dma_wait3A_130 = arith.constant 0 : i32
      %dma_wait3A_131 = arith.constant 0 : i32
      %dma_wait3A_132 = tpu.memref_slice %dma_wait3A_129[%dma_wait3A_130, %dma_wait3A_131] : memref<50176x32xf32, #tpu.memory_space<hbm>> -> memref<50176x32xf32, #tpu.memory_space<hbm>>
      tpu.wait_indirect_dma semaphore(%arg11 : memref<!tpu.dma_semaphore, #tpu.memory_space<semaphore_mem>>) src(%dma_wait3A_132 : memref<50176x32xf32, #tpu.memory_space<hbm>>) dst(%dma_wait3A_122 : memref<256x32xf32, #tpu.memory_space<vmem>>)
      %dma_start3A_133 = arith.constant 1 : i32
      %dma_start3A_134 = arith.constant 256 : i32
      %dma_start3A_135 = arith.constant 0 : i32
      %dma_start3A_136 = tpu.memref_slice %arg8[%dma_start3A_134, %dma_start3A_135] : memref<768x32xf32, #tpu.memory_space<vmem>> -> memref<256x32xf32, #tpu.memory_space<vmem>>
      %dma_start3A_137 = arith.constant 0 : i32
      %dma_start3A_138 = tpu.memref_slice %arg7[%dma_start3A_133, %dma_start3A_137] : memref<8x256xi32, #tpu.memory_space<vmem>> -> memref<1x256xi32, #tpu.memory_space<vmem>>
      %dma_start3A_139 = tpu.memref_squeeze %dma_start3A_138 : memref<1x256xi32, #tpu.memory_space<vmem>> -> memref<256xi32, #tpu.memory_space<vmem>>
      %dma_start3A_140 = arith.constant 0 : i32
      %dma_start3A_141 = arith.constant 0 : i32
      %dma_start3A_142 = tpu.memref_slice %arg9[%dma_start3A_140, %dma_start3A_141] : memref<50176x32xf32, #tpu.memory_space<vmem_shared>> -> memref<50176x32xf32, #tpu.memory_space<vmem_shared>>
      tpu.enqueue_indirect_dma source(%dma_start3A_136 : memref<256x32xf32, #tpu.memory_space<vmem>>) target(%dma_start3A_142 : memref<50176x32xf32, #tpu.memory_space<vmem_shared>>) offsets(%dma_start3A_139 : memref<256xi32, #tpu.memory_space<vmem>>) semaphore(%arg13 : memref<!tpu.dma_semaphore, #tpu.memory_space<semaphore_mem>>) {add = true}
      %dma_wait3A_143 = arith.constant 0 : i32
      %dma_wait3A_144 = arith.constant 0 : i32
      %dma_wait3A_145 = arith.constant 0 : i32
      %dma_wait3A_146 = tpu.memref_slice %arg8[%dma_wait3A_144, %dma_wait3A_145] : memref<768x32xf32, #tpu.memory_space<vmem>> -> memref<256x32xf32, #tpu.memory_space<vmem>>
      %dma_wait3A_147 = arith.constant 0 : i32
      %dma_wait3A_148 = tpu.memref_slice %arg7[%dma_wait3A_143, %dma_wait3A_147] : memref<8x256xi32, #tpu.memory_space<vmem>> -> memref<1x256xi32, #tpu.memory_space<vmem>>
      %dma_wait3A_149 = tpu.memref_squeeze %dma_wait3A_148 : memref<1x256xi32, #tpu.memory_space<vmem>> -> memref<256xi32, #tpu.memory_space<vmem>>
      %dma_wait3A_150 = arith.constant 0 : i32
      %dma_wait3A_151 = arith.constant 0 : i32
      %dma_wait3A_152 = tpu.memref_slice %arg9[%dma_wait3A_150, %dma_wait3A_151] : memref<50176x32xf32, #tpu.memory_space<vmem_shared>> -> memref<50176x32xf32, #tpu.memory_space<vmem_shared>>
      tpu.wait_indirect_dma semaphore(%arg12 : memref<!tpu.dma_semaphore, #tpu.memory_space<semaphore_mem>>) src(%dma_wait3A_146 : memref<256x32xf32, #tpu.memory_space<vmem>>) dst(%dma_wait3A_152 : memref<50176x32xf32, #tpu.memory_space<vmem_shared>>)
      %dma_start3A_153 = arith.constant 3 : i32
      %dma_start3A_154 = arith.constant 0 : i32
      %dma_start3A_155 = arith.constant 0 : i32
      %dma_start3A_156 = tpu.memref_slice %arg8[%dma_start3A_154, %dma_start3A_155] : memref<768x32xf32, #tpu.memory_space<vmem>> -> memref<256x32xf32, #tpu.memory_space<vmem>>
      %dma_start3A_157 = arith.constant 0 : i32
      %dma_start3A_158 = tpu.memref_slice %arg6[%dma_start3A_153, %dma_start3A_157] : memref<8x256xi32, #tpu.memory_space<vmem>> -> memref<1x256xi32, #tpu.memory_space<vmem>>
      %dma_start3A_159 = tpu.memref_squeeze %dma_start3A_158 : memref<1x256xi32, #tpu.memory_space<vmem>> -> memref<256xi32, #tpu.memory_space<vmem>>
      %dma_start3A_160 = arith.constant 0 : i32
      %dma_start3A_161 = arith.constant 0 : i32
      %dma_start3A_162 = tpu.memref_slice %arg4[%arg0, %dma_start3A_160, %dma_start3A_161] : memref<2x50176x32xf32, #tpu.memory_space<hbm>> -> memref<1x50176x32xf32, #tpu.memory_space<hbm>>
      %dma_start3A_163 = tpu.memref_squeeze %dma_start3A_162 : memref<1x50176x32xf32, #tpu.memory_space<hbm>> -> memref<50176x32xf32, #tpu.memory_space<hbm>>
      %dma_start3A_164 = arith.constant 0 : i32
      %dma_start3A_165 = arith.constant 0 : i32
      %dma_start3A_166 = tpu.memref_slice %dma_start3A_163[%dma_start3A_164, %dma_start3A_165] : memref<50176x32xf32, #tpu.memory_space<hbm>> -> memref<50176x32xf32, #tpu.memory_space<hbm>>
      tpu.enqueue_indirect_dma source(%dma_start3A_166 : memref<50176x32xf32, #tpu.memory_space<hbm>>) target(%dma_start3A_156 : memref<256x32xf32, #tpu.memory_space<vmem>>) offsets(%dma_start3A_159 : memref<256xi32, #tpu.memory_space<vmem>>) semaphore(%arg11 : memref<!tpu.dma_semaphore, #tpu.memory_space<semaphore_mem>>)
      %dma_wait3A_167 = arith.constant 0 : i32
      %dma_wait3A_168 = arith.constant 0 : i32
      %dma_wait3A_169 = arith.constant 0 : i32
      %dma_wait3A_170 = tpu.memref_slice %arg8[%dma_wait3A_168, %dma_wait3A_169] : memref<768x32xf32, #tpu.memory_space<vmem>> -> memref<256x32xf32, #tpu.memory_space<vmem>>
      %dma_wait3A_171 = arith.constant 0 : i32
      %dma_wait3A_172 = tpu.memref_slice %arg6[%dma_wait3A_167, %dma_wait3A_171] : memref<8x256xi32, #tpu.memory_space<vmem>> -> memref<1x256xi32, #tpu.memory_space<vmem>>
      %dma_wait3A_173 = tpu.memref_squeeze %dma_wait3A_172 : memref<1x256xi32, #tpu.memory_space<vmem>> -> memref<256xi32, #tpu.memory_space<vmem>>
      %dma_wait3A_174 = arith.constant 0 : i32
      %dma_wait3A_175 = arith.constant 0 : i32
      %dma_wait3A_176 = tpu.memref_slice %arg4[%arg0, %dma_wait3A_174, %dma_wait3A_175] : memref<2x50176x32xf32, #tpu.memory_space<hbm>> -> memref<1x50176x32xf32, #tpu.memory_space<hbm>>
      %dma_wait3A_177 = tpu.memref_squeeze %dma_wait3A_176 : memref<1x50176x32xf32, #tpu.memory_space<hbm>> -> memref<50176x32xf32, #tpu.memory_space<hbm>>
      %dma_wait3A_178 = arith.constant 0 : i32
      %dma_wait3A_179 = arith.constant 0 : i32
      %dma_wait3A_180 = tpu.memref_slice %dma_wait3A_177[%dma_wait3A_178, %dma_wait3A_179] : memref<50176x32xf32, #tpu.memory_space<hbm>> -> memref<50176x32xf32, #tpu.memory_space<hbm>>
      tpu.wait_indirect_dma semaphore(%arg10 : memref<!tpu.dma_semaphore, #tpu.memory_space<semaphore_mem>>) src(%dma_wait3A_180 : memref<50176x32xf32, #tpu.memory_space<hbm>>) dst(%dma_wait3A_170 : memref<256x32xf32, #tpu.memory_space<vmem>>)
      %dma_start3A_181 = arith.constant 2 : i32
      %dma_start3A_182 = arith.constant 512 : i32
      %dma_start3A_183 = arith.constant 0 : i32
      %dma_start3A_184 = tpu.memref_slice %arg8[%dma_start3A_182, %dma_start3A_183] : memref<768x32xf32, #tpu.memory_space<vmem>> -> memref<256x32xf32, #tpu.memory_space<vmem>>
      %dma_start3A_185 = arith.constant 0 : i32
      %dma_start3A_186 = tpu.memref_slice %arg7[%dma_start3A_181, %dma_start3A_185] : memref<8x256xi32, #tpu.memory_space<vmem>> -> memref<1x256xi32, #tpu.memory_space<vmem>>
      %dma_start3A_187 = tpu.memref_squeeze %dma_start3A_186 : memref<1x256xi32, #tpu.memory_space<vmem>> -> memref<256xi32, #tpu.memory_space<vmem>>
      %dma_start3A_188 = arith.constant 0 : i32
      %dma_start3A_189 = arith.constant 0 : i32
      %dma_start3A_190 = tpu.memref_slice %arg9[%dma_start3A_188, %dma_start3A_189] : memref<50176x32xf32, #tpu.memory_space<vmem_shared>> -> memref<50176x32xf32, #tpu.memory_space<vmem_shared>>
      tpu.enqueue_indirect_dma source(%dma_start3A_184 : memref<256x32xf32, #tpu.memory_space<vmem>>) target(%dma_start3A_190 : memref<50176x32xf32, #tpu.memory_space<vmem_shared>>) offsets(%dma_start3A_187 : memref<256xi32, #tpu.memory_space<vmem>>) semaphore(%arg12 : memref<!tpu.dma_semaphore, #tpu.memory_space<semaphore_mem>>) {add = true}
      %dma_wait3A_191 = arith.constant 0 : i32
      %dma_wait3A_192 = arith.constant 0 : i32
      %dma_wait3A_193 = arith.constant 0 : i32
      %dma_wait3A_194 = tpu.memref_slice %arg8[%dma_wait3A_192, %dma_wait3A_193] : memref<768x32xf32, #tpu.memory_space<vmem>> -> memref<256x32xf32, #tpu.memory_space<vmem>>
      %dma_wait3A_195 = arith.constant 0 : i32
      %dma_wait3A_196 = tpu.memref_slice %arg7[%dma_wait3A_191, %dma_wait3A_195] : memref<8x256xi32, #tpu.memory_space<vmem>> -> memref<1x256xi32, #tpu.memory_space<vmem>>
      %dma_wait3A_197 = tpu.memref_squeeze %dma_wait3A_196 : memref<1x256xi32, #tpu.memory_space<vmem>> -> memref<256xi32, #tpu.memory_space<vmem>>
      %dma_wait3A_198 = arith.constant 0 : i32
      %dma_wait3A_199 = arith.constant 0 : i32
      %dma_wait3A_200 = tpu.memref_slice %arg9[%dma_wait3A_198, %dma_wait3A_199] : memref<50176x32xf32, #tpu.memory_space<vmem_shared>> -> memref<50176x32xf32, #tpu.memory_space<vmem_shared>>
      tpu.wait_indirect_dma semaphore(%arg13 : memref<!tpu.dma_semaphore, #tpu.memory_space<semaphore_mem>>) src(%dma_wait3A_194 : memref<256x32xf32, #tpu.memory_space<vmem>>) dst(%dma_wait3A_200 : memref<50176x32xf32, #tpu.memory_space<vmem_shared>>)
      %dma_start3A_201 = arith.constant 4 : i32
      %dma_start3A_202 = arith.constant 256 : i32
      %dma_start3A_203 = arith.constant 0 : i32
      %dma_start3A_204 = tpu.memref_slice %arg8[%dma_start3A_202, %dma_start3A_203] : memref<768x32xf32, #tpu.memory_space<vmem>> -> memref<256x32xf32, #tpu.memory_space<vmem>>
      %dma_start3A_205 = arith.constant 0 : i32
      %dma_start3A_206 = tpu.memref_slice %arg6[%dma_start3A_201, %dma_start3A_205] : memref<8x256xi32, #tpu.memory_space<vmem>> -> memref<1x256xi32, #tpu.memory_space<vmem>>
      %dma_start3A_207 = tpu.memref_squeeze %dma_start3A_206 : memref<1x256xi32, #tpu.memory_space<vmem>> -> memref<256xi32, #tpu.memory_space<vmem>>
      %dma_start3A_208 = arith.constant 0 : i32
      %dma_start3A_209 = arith.constant 0 : i32
      %dma_start3A_210 = tpu.memref_slice %arg4[%arg0, %dma_start3A_208, %dma_start3A_209] : memref<2x50176x32xf32, #tpu.memory_space<hbm>> -> memref<1x50176x32xf32, #tpu.memory_space<hbm>>
      %dma_start3A_211 = tpu.memref_squeeze %dma_start3A_210 : memref<1x50176x32xf32, #tpu.memory_space<hbm>> -> memref<50176x32xf32, #tpu.memory_space<hbm>>
      %dma_start3A_212 = arith.constant 0 : i32
      %dma_start3A_213 = arith.constant 0 : i32
      %dma_start3A_214 = tpu.memref_slice %dma_start3A_211[%dma_start3A_212, %dma_start3A_213] : memref<50176x32xf32, #tpu.memory_space<hbm>> -> memref<50176x32xf32, #tpu.memory_space<hbm>>
      tpu.enqueue_indirect_dma source(%dma_start3A_214 : memref<50176x32xf32, #tpu.memory_space<hbm>>) target(%dma_start3A_204 : memref<256x32xf32, #tpu.memory_space<vmem>>) offsets(%dma_start3A_207 : memref<256xi32, #tpu.memory_space<vmem>>) semaphore(%arg10 : memref<!tpu.dma_semaphore, #tpu.memory_space<semaphore_mem>>)
      %dma_wait3A_215 = arith.constant 0 : i32
      %dma_wait3A_216 = arith.constant 0 : i32
      %dma_wait3A_217 = arith.constant 0 : i32
      %dma_wait3A_218 = tpu.memref_slice %arg8[%dma_wait3A_216, %dma_wait3A_217] : memref<768x32xf32, #tpu.memory_space<vmem>> -> memref<256x32xf32, #tpu.memory_space<vmem>>
      %dma_wait3A_219 = arith.constant 0 : i32
      %dma_wait3A_220 = tpu.memref_slice %arg6[%dma_wait3A_215, %dma_wait3A_219] : memref<8x256xi32, #tpu.memory_space<vmem>> -> memref<1x256xi32, #tpu.memory_space<vmem>>
      %dma_wait3A_221 = tpu.memref_squeeze %dma_wait3A_220 : memref<1x256xi32, #tpu.memory_space<vmem>> -> memref<256xi32, #tpu.memory_space<vmem>>
      %dma_wait3A_222 = arith.constant 0 : i32
      %dma_wait3A_223 = arith.constant 0 : i32
      %dma_wait3A_224 = tpu.memref_slice %arg4[%arg0, %dma_wait3A_222, %dma_wait3A_223] : memref<2x50176x32xf32, #tpu.memory_space<hbm>> -> memref<1x50176x32xf32, #tpu.memory_space<hbm>>
      %dma_wait3A_225 = tpu.memref_squeeze %dma_wait3A_224 : memref<1x50176x32xf32, #tpu.memory_space<hbm>> -> memref<50176x32xf32, #tpu.memory_space<hbm>>
      %dma_wait3A_226 = arith.constant 0 : i32
      %dma_wait3A_227 = arith.constant 0 : i32
      %dma_wait3A_228 = tpu.memref_slice %dma_wait3A_225[%dma_wait3A_226, %dma_wait3A_227] : memref<50176x32xf32, #tpu.memory_space<hbm>> -> memref<50176x32xf32, #tpu.memory_space<hbm>>
      tpu.wait_indirect_dma semaphore(%arg11 : memref<!tpu.dma_semaphore, #tpu.memory_space<semaphore_mem>>) src(%dma_wait3A_228 : memref<50176x32xf32, #tpu.memory_space<hbm>>) dst(%dma_wait3A_218 : memref<256x32xf32, #tpu.memory_space<vmem>>)
      %dma_start3A_229 = arith.constant 3 : i32
      %dma_start3A_230 = arith.constant 0 : i32
      %dma_start3A_231 = arith.constant 0 : i32
      %dma_start3A_232 = tpu.memref_slice %arg8[%dma_start3A_230, %dma_start3A_231] : memref<768x32xf32, #tpu.memory_space<vmem>> -> memref<256x32xf32, #tpu.memory_space<vmem>>
      %dma_start3A_233 = arith.constant 0 : i32
      %dma_start3A_234 = tpu.memref_slice %arg7[%dma_start3A_229, %dma_start3A_233] : memref<8x256xi32, #tpu.memory_space<vmem>> -> memref<1x256xi32, #tpu.memory_space<vmem>>
      %dma_start3A_235 = tpu.memref_squeeze %dma_start3A_234 : memref<1x256xi32, #tpu.memory_space<vmem>> -> memref<256xi32, #tpu.memory_space<vmem>>
      %dma_start3A_236 = arith.constant 0 : i32
      %dma_start3A_237 = arith.constant 0 : i32
      %dma_start3A_238 = tpu.memref_slice %arg9[%dma_start3A_236, %dma_start3A_237] : memref<50176x32xf32, #tpu.memory_space<vmem_shared>> -> memref<50176x32xf32, #tpu.memory_space<vmem_shared>>
      tpu.enqueue_indirect_dma source(%dma_start3A_232 : memref<256x32xf32, #tpu.memory_space<vmem>>) target(%dma_start3A_238 : memref<50176x32xf32, #tpu.memory_space<vmem_shared>>) offsets(%dma_start3A_235 : memref<256xi32, #tpu.memory_space<vmem>>) semaphore(%arg13 : memref<!tpu.dma_semaphore, #tpu.memory_space<semaphore_mem>>) {add = true}
      %dma_wait3A_239 = arith.constant 0 : i32
      %dma_wait3A_240 = arith.constant 0 : i32
      %dma_wait3A_241 = arith.constant 0 : i32
      %dma_wait3A_242 = tpu.memref_slice %arg8[%dma_wait3A_240, %dma_wait3A_241] : memref<768x32xf32, #tpu.memory_space<vmem>> -> memref<256x32xf32, #tpu.memory_space<vmem>>
      %dma_wait3A_243 = arith.constant 0 : i32
      %dma_wait3A_244 = tpu.memref_slice %arg7[%dma_wait3A_239, %dma_wait3A_243] : memref<8x256xi32, #tpu.memory_space<vmem>> -> memref<1x256xi32, #tpu.memory_space<vmem>>
      %dma_wait3A_245 = tpu.memref_squeeze %dma_wait3A_244 : memref<1x256xi32, #tpu.memory_space<vmem>> -> memref<256xi32, #tpu.memory_space<vmem>>
      %dma_wait3A_246 = arith.constant 0 : i32
      %dma_wait3A_247 = arith.constant 0 : i32
      %dma_wait3A_248 = tpu.memref_slice %arg9[%dma_wait3A_246, %dma_wait3A_247] : memref<50176x32xf32, #tpu.memory_space<vmem_shared>> -> memref<50176x32xf32, #tpu.memory_space<vmem_shared>>
      tpu.wait_indirect_dma semaphore(%arg12 : memref<!tpu.dma_semaphore, #tpu.memory_space<semaphore_mem>>) src(%dma_wait3A_242 : memref<256x32xf32, #tpu.memory_space<vmem>>) dst(%dma_wait3A_248 : memref<50176x32xf32, #tpu.memory_space<vmem_shared>>)
      %dma_start3A_249 = arith.constant 5 : i32
      %dma_start3A_250 = arith.constant 512 : i32
      %dma_start3A_251 = arith.constant 0 : i32
      %dma_start3A_252 = tpu.memref_slice %arg8[%dma_start3A_250, %dma_start3A_251] : memref<768x32xf32, #tpu.memory_space<vmem>> -> memref<256x32xf32, #tpu.memory_space<vmem>>
      %dma_start3A_253 = arith.constant 0 : i32
      %dma_start3A_254 = tpu.memref_slice %arg6[%dma_start3A_249, %dma_start3A_253] : memref<8x256xi32, #tpu.memory_space<vmem>> -> memref<1x256xi32, #tpu.memory_space<vmem>>
      %dma_start3A_255 = tpu.memref_squeeze %dma_start3A_254 : memref<1x256xi32, #tpu.memory_space<vmem>> -> memref<256xi32, #tpu.memory_space<vmem>>
      %dma_start3A_256 = arith.constant 0 : i32
      %dma_start3A_257 = arith.constant 0 : i32
      %dma_start3A_258 = tpu.memref_slice %arg4[%arg0, %dma_start3A_256, %dma_start3A_257] : memref<2x50176x32xf32, #tpu.memory_space<hbm>> -> memref<1x50176x32xf32, #tpu.memory_space<hbm>>
      %dma_start3A_259 = tpu.memref_squeeze %dma_start3A_258 : memref<1x50176x32xf32, #tpu.memory_space<hbm>> -> memref<50176x32xf32, #tpu.memory_space<hbm>>
      %dma_start3A_260 = arith.constant 0 : i32
      %dma_start3A_261 = arith.constant 0 : i32
      %dma_start3A_262 = tpu.memref_slice %dma_start3A_259[%dma_start3A_260, %dma_start3A_261] : memref<50176x32xf32, #tpu.memory_space<hbm>> -> memref<50176x32xf32, #tpu.memory_space<hbm>>
      tpu.enqueue_indirect_dma source(%dma_start3A_262 : memref<50176x32xf32, #tpu.memory_space<hbm>>) target(%dma_start3A_252 : memref<256x32xf32, #tpu.memory_space<vmem>>) offsets(%dma_start3A_255 : memref<256xi32, #tpu.memory_space<vmem>>) semaphore(%arg11 : memref<!tpu.dma_semaphore, #tpu.memory_space<semaphore_mem>>)
      %dma_wait3A_263 = arith.constant 0 : i32
      %dma_wait3A_264 = arith.constant 0 : i32
      %dma_wait3A_265 = arith.constant 0 : i32
      %dma_wait3A_266 = tpu.memref_slice %arg8[%dma_wait3A_264, %dma_wait3A_265] : memref<768x32xf32, #tpu.memory_space<vmem>> -> memref<256x32xf32, #tpu.memory_space<vmem>>
      %dma_wait3A_267 = arith.constant 0 : i32
      %dma_wait3A_268 = tpu.memref_slice %arg6[%dma_wait3A_263, %dma_wait3A_267] : memref<8x256xi32, #tpu.memory_space<vmem>> -> memref<1x256xi32, #tpu.memory_space<vmem>>
      %dma_wait3A_269 = tpu.memref_squeeze %dma_wait3A_268 : memref<1x256xi32, #tpu.memory_space<vmem>> -> memref<256xi32, #tpu.memory_space<vmem>>
      %dma_wait3A_270 = arith.constant 0 : i32
      %dma_wait3A_271 = arith.constant 0 : i32
      %dma_wait3A_272 = tpu.memref_slice %arg4[%arg0, %dma_wait3A_270, %dma_wait3A_271] : memref<2x50176x32xf32, #tpu.memory_space<hbm>> -> memref<1x50176x32xf32, #tpu.memory_space<hbm>>
      %dma_wait3A_273 = tpu.memref_squeeze %dma_wait3A_272 : memref<1x50176x32xf32, #tpu.memory_space<hbm>> -> memref<50176x32xf32, #tpu.memory_space<hbm>>
      %dma_wait3A_274 = arith.constant 0 : i32
      %dma_wait3A_275 = arith.constant 0 : i32
      %dma_wait3A_276 = tpu.memref_slice %dma_wait3A_273[%dma_wait3A_274, %dma_wait3A_275] : memref<50176x32xf32, #tpu.memory_space<hbm>> -> memref<50176x32xf32, #tpu.memory_space<hbm>>
      tpu.wait_indirect_dma semaphore(%arg10 : memref<!tpu.dma_semaphore, #tpu.memory_space<semaphore_mem>>) src(%dma_wait3A_276 : memref<50176x32xf32, #tpu.memory_space<hbm>>) dst(%dma_wait3A_266 : memref<256x32xf32, #tpu.memory_space<vmem>>)
      %dma_start3A_277 = arith.constant 4 : i32
      %dma_start3A_278 = arith.constant 256 : i32
      %dma_start3A_279 = arith.constant 0 : i32
      %dma_start3A_280 = tpu.memref_slice %arg8[%dma_start3A_278, %dma_start3A_279] : memref<768x32xf32, #tpu.memory_space<vmem>> -> memref<256x32xf32, #tpu.memory_space<vmem>>
      %dma_start3A_281 = arith.constant 0 : i32
      %dma_start3A_282 = tpu.memref_slice %arg7[%dma_start3A_277, %dma_start3A_281] : memref<8x256xi32, #tpu.memory_space<vmem>> -> memref<1x256xi32, #tpu.memory_space<vmem>>
      %dma_start3A_283 = tpu.memref_squeeze %dma_start3A_282 : memref<1x256xi32, #tpu.memory_space<vmem>> -> memref<256xi32, #tpu.memory_space<vmem>>
      %dma_start3A_284 = arith.constant 0 : i32
      %dma_start3A_285 = arith.constant 0 : i32
      %dma_start3A_286 = tpu.memref_slice %arg9[%dma_start3A_284, %dma_start3A_285] : memref<50176x32xf32, #tpu.memory_space<vmem_shared>> -> memref<50176x32xf32, #tpu.memory_space<vmem_shared>>
      tpu.enqueue_indirect_dma source(%dma_start3A_280 : memref<256x32xf32, #tpu.memory_space<vmem>>) target(%dma_start3A_286 : memref<50176x32xf32, #tpu.memory_space<vmem_shared>>) offsets(%dma_start3A_283 : memref<256xi32, #tpu.memory_space<vmem>>) semaphore(%arg12 : memref<!tpu.dma_semaphore, #tpu.memory_space<semaphore_mem>>) {add = true}
      %dma_wait3A_287 = arith.constant 0 : i32
      %dma_wait3A_288 = arith.constant 0 : i32
      %dma_wait3A_289 = arith.constant 0 : i32
      %dma_wait3A_290 = tpu.memref_slice %arg8[%dma_wait3A_288, %dma_wait3A_289] : memref<768x32xf32, #tpu.memory_space<vmem>> -> memref<256x32xf32, #tpu.memory_space<vmem>>
      %dma_wait3A_291 = arith.constant 0 : i32
      %dma_wait3A_292 = tpu.memref_slice %arg7[%dma_wait3A_287, %dma_wait3A_291] : memref<8x256xi32, #tpu.memory_space<vmem>> -> memref<1x256xi32, #tpu.memory_space<vmem>>
      %dma_wait3A_293 = tpu.memref_squeeze %dma_wait3A_292 : memref<1x256xi32, #tpu.memory_space<vmem>> -> memref<256xi32, #tpu.memory_space<vmem>>
      %dma_wait3A_294 = arith.constant 0 : i32
      %dma_wait3A_295 = arith.constant 0 : i32
      %dma_wait3A_296 = tpu.memref_slice %arg9[%dma_wait3A_294, %dma_wait3A_295] : memref<50176x32xf32, #tpu.memory_space<vmem_shared>> -> memref<50176x32xf32, #tpu.memory_space<vmem_shared>>
      tpu.wait_indirect_dma semaphore(%arg13 : memref<!tpu.dma_semaphore, #tpu.memory_space<semaphore_mem>>) src(%dma_wait3A_290 : memref<256x32xf32, #tpu.memory_space<vmem>>) dst(%dma_wait3A_296 : memref<50176x32xf32, #tpu.memory_space<vmem_shared>>)
      %dma_start3A_297 = arith.constant 6 : i32
      %dma_start3A_298 = arith.constant 0 : i32
      %dma_start3A_299 = arith.constant 0 : i32
      %dma_start3A_300 = tpu.memref_slice %arg8[%dma_start3A_298, %dma_start3A_299] : memref<768x32xf32, #tpu.memory_space<vmem>> -> memref<256x32xf32, #tpu.memory_space<vmem>>
      %dma_start3A_301 = arith.constant 0 : i32
      %dma_start3A_302 = tpu.memref_slice %arg6[%dma_start3A_297, %dma_start3A_301] : memref<8x256xi32, #tpu.memory_space<vmem>> -> memref<1x256xi32, #tpu.memory_space<vmem>>
      %dma_start3A_303 = tpu.memref_squeeze %dma_start3A_302 : memref<1x256xi32, #tpu.memory_space<vmem>> -> memref<256xi32, #tpu.memory_space<vmem>>
      %dma_start3A_304 = arith.constant 0 : i32
      %dma_start3A_305 = arith.constant 0 : i32
      %dma_start3A_306 = tpu.memref_slice %arg4[%arg0, %dma_start3A_304, %dma_start3A_305] : memref<2x50176x32xf32, #tpu.memory_space<hbm>> -> memref<1x50176x32xf32, #tpu.memory_space<hbm>>
      %dma_start3A_307 = tpu.memref_squeeze %dma_start3A_306 : memref<1x50176x32xf32, #tpu.memory_space<hbm>> -> memref<50176x32xf32, #tpu.memory_space<hbm>>
      %dma_start3A_308 = arith.constant 0 : i32
      %dma_start3A_309 = arith.constant 0 : i32
      %dma_start3A_310 = tpu.memref_slice %dma_start3A_307[%dma_start3A_308, %dma_start3A_309] : memref<50176x32xf32, #tpu.memory_space<hbm>> -> memref<50176x32xf32, #tpu.memory_space<hbm>>
      tpu.enqueue_indirect_dma source(%dma_start3A_310 : memref<50176x32xf32, #tpu.memory_space<hbm>>) target(%dma_start3A_300 : memref<256x32xf32, #tpu.memory_space<vmem>>) offsets(%dma_start3A_303 : memref<256xi32, #tpu.memory_space<vmem>>) semaphore(%arg10 : memref<!tpu.dma_semaphore, #tpu.memory_space<semaphore_mem>>)
      %dma_wait3A_311 = arith.constant 0 : i32
      %dma_wait3A_312 = arith.constant 0 : i32
      %dma_wait3A_313 = arith.constant 0 : i32
      %dma_wait3A_314 = tpu.memref_slice %arg8[%dma_wait3A_312, %dma_wait3A_313] : memref<768x32xf32, #tpu.memory_space<vmem>> -> memref<256x32xf32, #tpu.memory_space<vmem>>
      %dma_wait3A_315 = arith.constant 0 : i32
      %dma_wait3A_316 = tpu.memref_slice %arg6[%dma_wait3A_311, %dma_wait3A_315] : memref<8x256xi32, #tpu.memory_space<vmem>> -> memref<1x256xi32, #tpu.memory_space<vmem>>
      %dma_wait3A_317 = tpu.memref_squeeze %dma_wait3A_316 : memref<1x256xi32, #tpu.memory_space<vmem>> -> memref<256xi32, #tpu.memory_space<vmem>>
      %dma_wait3A_318 = arith.constant 0 : i32
      %dma_wait3A_319 = arith.constant 0 : i32
      %dma_wait3A_320 = tpu.memref_slice %arg4[%arg0, %dma_wait3A_318, %dma_wait3A_319] : memref<2x50176x32xf32, #tpu.memory_space<hbm>> -> memref<1x50176x32xf32, #tpu.memory_space<hbm>>
      %dma_wait3A_321 = tpu.memref_squeeze %dma_wait3A_320 : memref<1x50176x32xf32, #tpu.memory_space<hbm>> -> memref<50176x32xf32, #tpu.memory_space<hbm>>
      %dma_wait3A_322 = arith.constant 0 : i32
      %dma_wait3A_323 = arith.constant 0 : i32
      %dma_wait3A_324 = tpu.memref_slice %dma_wait3A_321[%dma_wait3A_322, %dma_wait3A_323] : memref<50176x32xf32, #tpu.memory_space<hbm>> -> memref<50176x32xf32, #tpu.memory_space<hbm>>
      tpu.wait_indirect_dma semaphore(%arg11 : memref<!tpu.dma_semaphore, #tpu.memory_space<semaphore_mem>>) src(%dma_wait3A_324 : memref<50176x32xf32, #tpu.memory_space<hbm>>) dst(%dma_wait3A_314 : memref<256x32xf32, #tpu.memory_space<vmem>>)
      %dma_start3A_325 = arith.constant 5 : i32
      %dma_start3A_326 = arith.constant 512 : i32
      %dma_start3A_327 = arith.constant 0 : i32
      %dma_start3A_328 = tpu.memref_slice %arg8[%dma_start3A_326, %dma_start3A_327] : memref<768x32xf32, #tpu.memory_space<vmem>> -> memref<256x32xf32, #tpu.memory_space<vmem>>
      %dma_start3A_329 = arith.constant 0 : i32
      %dma_start3A_330 = tpu.memref_slice %arg7[%dma_start3A_325, %dma_start3A_329] : memref<8x256xi32, #tpu.memory_space<vmem>> -> memref<1x256xi32, #tpu.memory_space<vmem>>
      %dma_start3A_331 = tpu.memref_squeeze %dma_start3A_330 : memref<1x256xi32, #tpu.memory_space<vmem>> -> memref<256xi32, #tpu.memory_space<vmem>>
      %dma_start3A_332 = arith.constant 0 : i32
      %dma_start3A_333 = arith.constant 0 : i32
      %dma_start3A_334 = tpu.memref_slice %arg9[%dma_start3A_332, %dma_start3A_333] : memref<50176x32xf32, #tpu.memory_space<vmem_shared>> -> memref<50176x32xf32, #tpu.memory_space<vmem_shared>>
      tpu.enqueue_indirect_dma source(%dma_start3A_328 : memref<256x32xf32, #tpu.memory_space<vmem>>) target(%dma_start3A_334 : memref<50176x32xf32, #tpu.memory_space<vmem_shared>>) offsets(%dma_start3A_331 : memref<256xi32, #tpu.memory_space<vmem>>) semaphore(%arg13 : memref<!tpu.dma_semaphore, #tpu.memory_space<semaphore_mem>>) {add = true}
      %dma_wait3A_335 = arith.constant 0 : i32
      %dma_wait3A_336 = arith.constant 0 : i32
      %dma_wait3A_337 = arith.constant 0 : i32
      %dma_wait3A_338 = tpu.memref_slice %arg8[%dma_wait3A_336, %dma_wait3A_337] : memref<768x32xf32, #tpu.memory_space<vmem>> -> memref<256x32xf32, #tpu.memory_space<vmem>>
      %dma_wait3A_339 = arith.constant 0 : i32
      %dma_wait3A_340 = tpu.memref_slice %arg7[%dma_wait3A_335, %dma_wait3A_339] : memref<8x256xi32, #tpu.memory_space<vmem>> -> memref<1x256xi32, #tpu.memory_space<vmem>>
      %dma_wait3A_341 = tpu.memref_squeeze %dma_wait3A_340 : memref<1x256xi32, #tpu.memory_space<vmem>> -> memref<256xi32, #tpu.memory_space<vmem>>
      %dma_wait3A_342 = arith.constant 0 : i32
      %dma_wait3A_343 = arith.constant 0 : i32
      %dma_wait3A_344 = tpu.memref_slice %arg9[%dma_wait3A_342, %dma_wait3A_343] : memref<50176x32xf32, #tpu.memory_space<vmem_shared>> -> memref<50176x32xf32, #tpu.memory_space<vmem_shared>>
      tpu.wait_indirect_dma semaphore(%arg12 : memref<!tpu.dma_semaphore, #tpu.memory_space<semaphore_mem>>) src(%dma_wait3A_338 : memref<256x32xf32, #tpu.memory_space<vmem>>) dst(%dma_wait3A_344 : memref<50176x32xf32, #tpu.memory_space<vmem_shared>>)
      %dma_start3A_345 = arith.constant 7 : i32
      %dma_start3A_346 = arith.constant 256 : i32
      %dma_start3A_347 = arith.constant 0 : i32
      %dma_start3A_348 = tpu.memref_slice %arg8[%dma_start3A_346, %dma_start3A_347] : memref<768x32xf32, #tpu.memory_space<vmem>> -> memref<256x32xf32, #tpu.memory_space<vmem>>
      %dma_start3A_349 = arith.constant 0 : i32
      %dma_start3A_350 = tpu.memref_slice %arg6[%dma_start3A_345, %dma_start3A_349] : memref<8x256xi32, #tpu.memory_space<vmem>> -> memref<1x256xi32, #tpu.memory_space<vmem>>
      %dma_start3A_351 = tpu.memref_squeeze %dma_start3A_350 : memref<1x256xi32, #tpu.memory_space<vmem>> -> memref<256xi32, #tpu.memory_space<vmem>>
      %dma_start3A_352 = arith.constant 0 : i32
      %dma_start3A_353 = arith.constant 0 : i32
      %dma_start3A_354 = tpu.memref_slice %arg4[%arg0, %dma_start3A_352, %dma_start3A_353] : memref<2x50176x32xf32, #tpu.memory_space<hbm>> -> memref<1x50176x32xf32, #tpu.memory_space<hbm>>
      %dma_start3A_355 = tpu.memref_squeeze %dma_start3A_354 : memref<1x50176x32xf32, #tpu.memory_space<hbm>> -> memref<50176x32xf32, #tpu.memory_space<hbm>>
      %dma_start3A_356 = arith.constant 0 : i32
      %dma_start3A_357 = arith.constant 0 : i32
      %dma_start3A_358 = tpu.memref_slice %dma_start3A_355[%dma_start3A_356, %dma_start3A_357] : memref<50176x32xf32, #tpu.memory_space<hbm>> -> memref<50176x32xf32, #tpu.memory_space<hbm>>
      tpu.enqueue_indirect_dma source(%dma_start3A_358 : memref<50176x32xf32, #tpu.memory_space<hbm>>) target(%dma_start3A_348 : memref<256x32xf32, #tpu.memory_space<vmem>>) offsets(%dma_start3A_351 : memref<256xi32, #tpu.memory_space<vmem>>) semaphore(%arg11 : memref<!tpu.dma_semaphore, #tpu.memory_space<semaphore_mem>>)
      %dma_wait3A_359 = arith.constant 0 : i32
      %dma_wait3A_360 = arith.constant 0 : i32
      %dma_wait3A_361 = arith.constant 0 : i32
      %dma_wait3A_362 = tpu.memref_slice %arg8[%dma_wait3A_360, %dma_wait3A_361] : memref<768x32xf32, #tpu.memory_space<vmem>> -> memref<256x32xf32, #tpu.memory_space<vmem>>
      %dma_wait3A_363 = arith.constant 0 : i32
      %dma_wait3A_364 = tpu.memref_slice %arg6[%dma_wait3A_359, %dma_wait3A_363] : memref<8x256xi32, #tpu.memory_space<vmem>> -> memref<1x256xi32, #tpu.memory_space<vmem>>
      %dma_wait3A_365 = tpu.memref_squeeze %dma_wait3A_364 : memref<1x256xi32, #tpu.memory_space<vmem>> -> memref<256xi32, #tpu.memory_space<vmem>>
      %dma_wait3A_366 = arith.constant 0 : i32
      %dma_wait3A_367 = arith.constant 0 : i32
      %dma_wait3A_368 = tpu.memref_slice %arg4[%arg0, %dma_wait3A_366, %dma_wait3A_367] : memref<2x50176x32xf32, #tpu.memory_space<hbm>> -> memref<1x50176x32xf32, #tpu.memory_space<hbm>>
      %dma_wait3A_369 = tpu.memref_squeeze %dma_wait3A_368 : memref<1x50176x32xf32, #tpu.memory_space<hbm>> -> memref<50176x32xf32, #tpu.memory_space<hbm>>
      %dma_wait3A_370 = arith.constant 0 : i32
      %dma_wait3A_371 = arith.constant 0 : i32
      %dma_wait3A_372 = tpu.memref_slice %dma_wait3A_369[%dma_wait3A_370, %dma_wait3A_371] : memref<50176x32xf32, #tpu.memory_space<hbm>> -> memref<50176x32xf32, #tpu.memory_space<hbm>>
      tpu.wait_indirect_dma semaphore(%arg10 : memref<!tpu.dma_semaphore, #tpu.memory_space<semaphore_mem>>) src(%dma_wait3A_372 : memref<50176x32xf32, #tpu.memory_space<hbm>>) dst(%dma_wait3A_362 : memref<256x32xf32, #tpu.memory_space<vmem>>)
      %dma_start3A_373 = arith.constant 6 : i32
      %dma_start3A_374 = arith.constant 0 : i32
      %dma_start3A_375 = arith.constant 0 : i32
      %dma_start3A_376 = tpu.memref_slice %arg8[%dma_start3A_374, %dma_start3A_375] : memref<768x32xf32, #tpu.memory_space<vmem>> -> memref<256x32xf32, #tpu.memory_space<vmem>>
      %dma_start3A_377 = arith.constant 0 : i32
      %dma_start3A_378 = tpu.memref_slice %arg7[%dma_start3A_373, %dma_start3A_377] : memref<8x256xi32, #tpu.memory_space<vmem>> -> memref<1x256xi32, #tpu.memory_space<vmem>>
      %dma_start3A_379 = tpu.memref_squeeze %dma_start3A_378 : memref<1x256xi32, #tpu.memory_space<vmem>> -> memref<256xi32, #tpu.memory_space<vmem>>
      %dma_start3A_380 = arith.constant 0 : i32
      %dma_start3A_381 = arith.constant 0 : i32
      %dma_start3A_382 = tpu.memref_slice %arg9[%dma_start3A_380, %dma_start3A_381] : memref<50176x32xf32, #tpu.memory_space<vmem_shared>> -> memref<50176x32xf32, #tpu.memory_space<vmem_shared>>
      tpu.enqueue_indirect_dma source(%dma_start3A_376 : memref<256x32xf32, #tpu.memory_space<vmem>>) target(%dma_start3A_382 : memref<50176x32xf32, #tpu.memory_space<vmem_shared>>) offsets(%dma_start3A_379 : memref<256xi32, #tpu.memory_space<vmem>>) semaphore(%arg12 : memref<!tpu.dma_semaphore, #tpu.memory_space<semaphore_mem>>) {add = true}
      %dma_wait3A_383 = arith.constant 0 : i32
      %dma_wait3A_384 = arith.constant 0 : i32
      %dma_wait3A_385 = arith.constant 0 : i32
      %dma_wait3A_386 = tpu.memref_slice %arg8[%dma_wait3A_384, %dma_wait3A_385] : memref<768x32xf32, #tpu.memory_space<vmem>> -> memref<256x32xf32, #tpu.memory_space<vmem>>
      %dma_wait3A_387 = arith.constant 0 : i32
      %dma_wait3A_388 = tpu.memref_slice %arg7[%dma_wait3A_383, %dma_wait3A_387] : memref<8x256xi32, #tpu.memory_space<vmem>> -> memref<1x256xi32, #tpu.memory_space<vmem>>
      %dma_wait3A_389 = tpu.memref_squeeze %dma_wait3A_388 : memref<1x256xi32, #tpu.memory_space<vmem>> -> memref<256xi32, #tpu.memory_space<vmem>>
      %dma_wait3A_390 = arith.constant 0 : i32
      %dma_wait3A_391 = arith.constant 0 : i32
      %dma_wait3A_392 = tpu.memref_slice %arg9[%dma_wait3A_390, %dma_wait3A_391] : memref<50176x32xf32, #tpu.memory_space<vmem_shared>> -> memref<50176x32xf32, #tpu.memory_space<vmem_shared>>
      tpu.wait_indirect_dma semaphore(%arg13 : memref<!tpu.dma_semaphore, #tpu.memory_space<semaphore_mem>>) src(%dma_wait3A_386 : memref<256x32xf32, #tpu.memory_space<vmem>>) dst(%dma_wait3A_392 : memref<50176x32xf32, #tpu.memory_space<vmem_shared>>)
      %dma_wait3A_393 = arith.constant 0 : i32
      %dma_wait3A_394 = arith.constant 0 : i32
      %dma_wait3A_395 = arith.constant 0 : i32
      %dma_wait3A_396 = tpu.memref_slice %arg8[%dma_wait3A_394, %dma_wait3A_395] : memref<768x32xf32, #tpu.memory_space<vmem>> -> memref<256x32xf32, #tpu.memory_space<vmem>>
      %dma_wait3A_397 = arith.constant 0 : i32
      %dma_wait3A_398 = tpu.memref_slice %arg6[%dma_wait3A_393, %dma_wait3A_397] : memref<8x256xi32, #tpu.memory_space<vmem>> -> memref<1x256xi32, #tpu.memory_space<vmem>>
      %dma_wait3A_399 = tpu.memref_squeeze %dma_wait3A_398 : memref<1x256xi32, #tpu.memory_space<vmem>> -> memref<256xi32, #tpu.memory_space<vmem>>
      %dma_wait3A_400 = arith.constant 0 : i32
      %dma_wait3A_401 = arith.constant 0 : i32
      %dma_wait3A_402 = tpu.memref_slice %arg4[%arg0, %dma_wait3A_400, %dma_wait3A_401] : memref<2x50176x32xf32, #tpu.memory_space<hbm>> -> memref<1x50176x32xf32, #tpu.memory_space<hbm>>
      %dma_wait3A_403 = tpu.memref_squeeze %dma_wait3A_402 : memref<1x50176x32xf32, #tpu.memory_space<hbm>> -> memref<50176x32xf32, #tpu.memory_space<hbm>>
      %dma_wait3A_404 = arith.constant 0 : i32
      %dma_wait3A_405 = arith.constant 0 : i32
      %dma_wait3A_406 = tpu.memref_slice %dma_wait3A_403[%dma_wait3A_404, %dma_wait3A_405] : memref<50176x32xf32, #tpu.memory_space<hbm>> -> memref<50176x32xf32, #tpu.memory_space<hbm>>
      tpu.wait_indirect_dma semaphore(%arg11 : memref<!tpu.dma_semaphore, #tpu.memory_space<semaphore_mem>>) src(%dma_wait3A_406 : memref<50176x32xf32, #tpu.memory_space<hbm>>) dst(%dma_wait3A_396 : memref<256x32xf32, #tpu.memory_space<vmem>>)
      %dma_start3A_407 = arith.constant 7 : i32
      %dma_start3A_408 = arith.constant 256 : i32
      %dma_start3A_409 = arith.constant 0 : i32
      %dma_start3A_410 = tpu.memref_slice %arg8[%dma_start3A_408, %dma_start3A_409] : memref<768x32xf32, #tpu.memory_space<vmem>> -> memref<256x32xf32, #tpu.memory_space<vmem>>
      %dma_start3A_411 = arith.constant 0 : i32
      %dma_start3A_412 = tpu.memref_slice %arg7[%dma_start3A_407, %dma_start3A_411] : memref<8x256xi32, #tpu.memory_space<vmem>> -> memref<1x256xi32, #tpu.memory_space<vmem>>
      %dma_start3A_413 = tpu.memref_squeeze %dma_start3A_412 : memref<1x256xi32, #tpu.memory_space<vmem>> -> memref<256xi32, #tpu.memory_space<vmem>>
      %dma_start3A_414 = arith.constant 0 : i32
      %dma_start3A_415 = arith.constant 0 : i32
      %dma_start3A_416 = tpu.memref_slice %arg9[%dma_start3A_414, %dma_start3A_415] : memref<50176x32xf32, #tpu.memory_space<vmem_shared>> -> memref<50176x32xf32, #tpu.memory_space<vmem_shared>>
      tpu.enqueue_indirect_dma source(%dma_start3A_410 : memref<256x32xf32, #tpu.memory_space<vmem>>) target(%dma_start3A_416 : memref<50176x32xf32, #tpu.memory_space<vmem_shared>>) offsets(%dma_start3A_413 : memref<256xi32, #tpu.memory_space<vmem>>) semaphore(%arg13 : memref<!tpu.dma_semaphore, #tpu.memory_space<semaphore_mem>>) {add = true}
      %dma_wait3A_417 = arith.constant 0 : i32
      %dma_wait3A_418 = arith.constant 0 : i32
      %dma_wait3A_419 = arith.constant 0 : i32
      %dma_wait3A_420 = tpu.memref_slice %arg8[%dma_wait3A_418, %dma_wait3A_419] : memref<768x32xf32, #tpu.memory_space<vmem>> -> memref<256x32xf32, #tpu.memory_space<vmem>>
      %dma_wait3A_421 = arith.constant 0 : i32
      %dma_wait3A_422 = tpu.memref_slice %arg7[%dma_wait3A_417, %dma_wait3A_421] : memref<8x256xi32, #tpu.memory_space<vmem>> -> memref<1x256xi32, #tpu.memory_space<vmem>>
      %dma_wait3A_423 = tpu.memref_squeeze %dma_wait3A_422 : memref<1x256xi32, #tpu.memory_space<vmem>> -> memref<256xi32, #tpu.memory_space<vmem>>
      %dma_wait3A_424 = arith.constant 0 : i32
      %dma_wait3A_425 = arith.constant 0 : i32
      %dma_wait3A_426 = tpu.memref_slice %arg9[%dma_wait3A_424, %dma_wait3A_425] : memref<50176x32xf32, #tpu.memory_space<vmem_shared>> -> memref<50176x32xf32, #tpu.memory_space<vmem_shared>>
      tpu.wait_indirect_dma semaphore(%arg12 : memref<!tpu.dma_semaphore, #tpu.memory_space<semaphore_mem>>) src(%dma_wait3A_420 : memref<256x32xf32, #tpu.memory_space<vmem>>) dst(%dma_wait3A_426 : memref<50176x32xf32, #tpu.memory_space<vmem_shared>>)
      %dma_wait3A_427 = arith.constant 0 : i32
      %dma_wait3A_428 = arith.constant 0 : i32
      %dma_wait3A_429 = arith.constant 0 : i32
      %dma_wait3A_430 = tpu.memref_slice %arg8[%dma_wait3A_428, %dma_wait3A_429] : memref<768x32xf32, #tpu.memory_space<vmem>> -> memref<256x32xf32, #tpu.memory_space<vmem>>
      %dma_wait3A_431 = arith.constant 0 : i32
      %dma_wait3A_432 = tpu.memref_slice %arg7[%dma_wait3A_427, %dma_wait3A_431] : memref<8x256xi32, #tpu.memory_space<vmem>> -> memref<1x256xi32, #tpu.memory_space<vmem>>
      %dma_wait3A_433 = tpu.memref_squeeze %dma_wait3A_432 : memref<1x256xi32, #tpu.memory_space<vmem>> -> memref<256xi32, #tpu.memory_space<vmem>>
      %dma_wait3A_434 = arith.constant 0 : i32
      %dma_wait3A_435 = arith.constant 0 : i32
      %dma_wait3A_436 = tpu.memref_slice %arg9[%dma_wait3A_434, %dma_wait3A_435] : memref<50176x32xf32, #tpu.memory_space<vmem_shared>> -> memref<50176x32xf32, #tpu.memory_space<vmem_shared>>
      tpu.wait_indirect_dma semaphore(%arg13 : memref<!tpu.dma_semaphore, #tpu.memory_space<semaphore_mem>>) src(%dma_wait3A_430 : memref<256x32xf32, #tpu.memory_space<vmem>>) dst(%dma_wait3A_436 : memref<50176x32xf32, #tpu.memory_space<vmem_shared>>)
    }
    %scan3A_33 = arith.constant 25 : i32
    %barrier3A_34 = arith.constant 0 : index
    tpu.barrier barrier_id(%barrier3A_34)
    %scan3A_35 = arith.constant 0 : i32
    %scan3A_36 = arith.constant 12 : i32
    %scan3A_37 = arith.addi %scan3A_35, %scan3A_36 : i32
    %scan3A_38 = arith.constant 1 : i32
    scf.for %scan3A_44 = %scan3A_35 to %scan3A_37 step %scan3A_38  : i32 {
      %mul3A_45 = arith.constant 1 : i32
      %mul3A_46 = arith.muli %scan3A_44, %mul3A_45 : i32
      %add3A_47 = arith.constant 0 : i32
      %add3A_48 = arith.addi %add3A_47, %mul3A_46 : i32
      %mul3A_49 = arith.constant 256 : i32
      %mul3A_50 = arith.muli %add3A_48, %mul3A_49 : i32
      %add3A_51 = arith.addi %mul3A_0, %mul3A_50 : i32
      "tpu.region"() ({
        %run_scoped3A = tpu.sem_alloc : memref<!tpu.dma_semaphore, #tpu.memory_space<semaphore_mem>>
        %dma_start3A = arith.constant 0 : i32
        %dma_start3A_55 = arith.constant 0 : i32
        %dma_start3A_56 = tpu.memref_slice %arg8[%dma_start3A, %dma_start3A_55] : memref<768x32xf32, #tpu.memory_space<vmem>> -> memref<256x32xf32, #tpu.memory_space<vmem>>
        %dma_start3A_57 = arith.constant 0 : i32
        %dma_start3A_58 = arith.constant 0 : i32
        %dma_start3A_59 = tpu.memref_slice %dma_start3A_56[%dma_start3A_57, %dma_start3A_58] : memref<256x32xf32, #tpu.memory_space<vmem>> -> memref<256x32xf32, #tpu.memory_space<vmem>>
        %dma_start3A_60 = arith.constant 0 : i32
        %dma_start3A_61 = tpu.memref_slice %arg9[%add3A_51, %dma_start3A_60] : memref<50176x32xf32, #tpu.memory_space<vmem_shared>> -> memref<256x32xf32, #tpu.memory_space<vmem_shared>>
        %dma_start3A_62 = arith.constant 0 : i32
        %dma_start3A_63 = arith.constant 0 : i32
        %dma_start3A_64 = tpu.memref_slice %arg8[%dma_start3A_62, %dma_start3A_63] : memref<768x32xf32, #tpu.memory_space<vmem>> -> memref<256x32xf32, #tpu.memory_space<vmem>>
        %dma_start3A_65 = arith.constant 0 : i32
        %dma_start3A_66 = arith.constant 0 : i32
        %dma_start3A_67 = tpu.memref_slice %dma_start3A_64[%dma_start3A_65, %dma_start3A_66] : memref<256x32xf32, #tpu.memory_space<vmem>> -> memref<256x32xf32, #tpu.memory_space<vmem>>
        %dma_start3A_68 = arith.constant 0 : i32
        %dma_start3A_69 = tpu.memref_slice %arg9[%add3A_51, %dma_start3A_68] : memref<50176x32xf32, #tpu.memory_space<vmem_shared>> -> memref<256x32xf32, #tpu.memory_space<vmem_shared>>
        tpu.enqueue_dma source(%dma_start3A_69 : memref<256x32xf32, #tpu.memory_space<vmem_shared>>) target(%dma_start3A_67 : memref<256x32xf32, #tpu.memory_space<vmem>>) target_semaphore(%run_scoped3A : memref<!tpu.dma_semaphore, #tpu.memory_space<semaphore_mem>>)
        %dma_wait3A = arith.constant 0 : i32
        %dma_wait3A_70 = arith.constant 0 : i32
        %dma_wait3A_71 = tpu.memref_slice %arg8[%dma_wait3A, %dma_wait3A_70] : memref<768x32xf32, #tpu.memory_space<vmem>> -> memref<256x32xf32, #tpu.memory_space<vmem>>
        %dma_wait3A_72 = arith.constant 0 : i32
        %dma_wait3A_73 = arith.constant 0 : i32
        %dma_wait3A_74 = tpu.memref_slice %dma_wait3A_71[%dma_wait3A_72, %dma_wait3A_73] : memref<256x32xf32, #tpu.memory_space<vmem>> -> memref<256x32xf32, #tpu.memory_space<vmem>>
        %dma_wait3A_75 = arith.constant 0 : i32
        %dma_wait3A_76 = tpu.memref_slice %arg9[%add3A_51, %dma_wait3A_75] : memref<50176x32xf32, #tpu.memory_space<vmem_shared>> -> memref<256x32xf32, #tpu.memory_space<vmem_shared>>
        %dma_wait3A_77 = arith.constant 0 : i32
        %dma_wait3A_78 = arith.constant 0 : i32
        %dma_wait3A_79 = tpu.memref_slice %arg8[%dma_wait3A_77, %dma_wait3A_78] : memref<768x32xf32, #tpu.memory_space<vmem>> -> memref<256x32xf32, #tpu.memory_space<vmem>>
        %dma_wait3A_80 = arith.constant 0 : i32
        %dma_wait3A_81 = arith.constant 0 : i32
        %dma_wait3A_82 = tpu.memref_slice %dma_wait3A_79[%dma_wait3A_80, %dma_wait3A_81] : memref<256x32xf32, #tpu.memory_space<vmem>> -> memref<256x32xf32, #tpu.memory_space<vmem>>
        %dma_wait3A_83 = arith.constant 0 : i32
        %dma_wait3A_84 = tpu.memref_slice %arg9[%add3A_51, %dma_wait3A_83] : memref<50176x32xf32, #tpu.memory_space<vmem_shared>> -> memref<256x32xf32, #tpu.memory_space<vmem_shared>>
        tpu.wait_dma2 semaphore(%run_scoped3A : memref<!tpu.dma_semaphore, #tpu.memory_space<semaphore_mem>>) src(%dma_wait3A_84 : memref<256x32xf32, #tpu.memory_space<vmem_shared>>) dst(%dma_wait3A_82 : memref<256x32xf32, #tpu.memory_space<vmem>>)
        tpu.yield
      }) : () -> ()
      %mul3A_52 = arith.constant 256 : i32
      %mul3A_53 = arith.muli %add3A_48, %mul3A_52 : i32
      %add3A_54 = arith.addi %mul3A_0, %mul3A_53 : i32
      "tpu.region"() ({
        %run_scoped3A = tpu.sem_alloc : memref<!tpu.dma_semaphore, #tpu.memory_space<semaphore_mem>>
        %dma_start3A = arith.constant 0 : i32
        %dma_start3A_55 = arith.constant 0 : i32
        %dma_start3A_56 = tpu.memref_slice %arg8[%dma_start3A, %dma_start3A_55] : memref<768x32xf32, #tpu.memory_space<vmem>> -> memref<256x32xf32, #tpu.memory_space<vmem>>
        %dma_start3A_57 = arith.constant 0 : i32
        %dma_start3A_58 = arith.constant 0 : i32
        %dma_start3A_59 = tpu.memref_slice %dma_start3A_56[%dma_start3A_57, %dma_start3A_58] : memref<256x32xf32, #tpu.memory_space<vmem>> -> memref<256x32xf32, #tpu.memory_space<vmem>>
        %dma_start3A_60 = arith.constant 0 : i32
        %dma_start3A_61 = arith.constant 0 : i32
        %dma_start3A_62 = tpu.memref_slice %arg5[%arg0, %dma_start3A_60, %dma_start3A_61] : memref<2x50176x32xf32, #tpu.memory_space<hbm>> -> memref<1x50176x32xf32, #tpu.memory_space<hbm>>
        %dma_start3A_63 = tpu.memref_squeeze %dma_start3A_62 : memref<1x50176x32xf32, #tpu.memory_space<hbm>> -> memref<50176x32xf32, #tpu.memory_space<hbm>>
        %dma_start3A_64 = arith.constant 0 : i32
        %dma_start3A_65 = tpu.memref_slice %dma_start3A_63[%add3A_54, %dma_start3A_64] : memref<50176x32xf32, #tpu.memory_space<hbm>> -> memref<256x32xf32, #tpu.memory_space<hbm>>
        %dma_start3A_66 = arith.constant 0 : i32
        %dma_start3A_67 = arith.constant 0 : i32
        %dma_start3A_68 = tpu.memref_slice %arg5[%arg0, %dma_start3A_66, %dma_start3A_67] : memref<2x50176x32xf32, #tpu.memory_space<hbm>> -> memref<1x50176x32xf32, #tpu.memory_space<hbm>>
        %dma_start3A_69 = tpu.memref_squeeze %dma_start3A_68 : memref<1x50176x32xf32, #tpu.memory_space<hbm>> -> memref<50176x32xf32, #tpu.memory_space<hbm>>
        %dma_start3A_70 = arith.constant 0 : i32
        %dma_start3A_71 = tpu.memref_slice %dma_start3A_69[%add3A_54, %dma_start3A_70] : memref<50176x32xf32, #tpu.memory_space<hbm>> -> memref<256x32xf32, #tpu.memory_space<hbm>>
        %dma_start3A_72 = arith.constant 0 : i32
        %dma_start3A_73 = arith.constant 0 : i32
        %dma_start3A_74 = tpu.memref_slice %arg8[%dma_start3A_72, %dma_start3A_73] : memref<768x32xf32, #tpu.memory_space<vmem>> -> memref<256x32xf32, #tpu.memory_space<vmem>>
        %dma_start3A_75 = arith.constant 0 : i32
        %dma_start3A_76 = arith.constant 0 : i32
        %dma_start3A_77 = tpu.memref_slice %dma_start3A_74[%dma_start3A_75, %dma_start3A_76] : memref<256x32xf32, #tpu.memory_space<vmem>> -> memref<256x32xf32, #tpu.memory_space<vmem>>
        tpu.enqueue_dma source(%dma_start3A_77 : memref<256x32xf32, #tpu.memory_space<vmem>>) target(%dma_start3A_71 : memref<256x32xf32, #tpu.memory_space<hbm>>) target_semaphore(%run_scoped3A : memref<!tpu.dma_semaphore, #tpu.memory_space<semaphore_mem>>)
        %dma_wait3A = arith.constant 0 : i32
        %dma_wait3A_78 = arith.constant 0 : i32
        %dma_wait3A_79 = tpu.memref_slice %arg8[%dma_wait3A, %dma_wait3A_78] : memref<768x32xf32, #tpu.memory_space<vmem>> -> memref<256x32xf32, #tpu.memory_space<vmem>>
        %dma_wait3A_80 = arith.constant 0 : i32
        %dma_wait3A_81 = arith.constant 0 : i32
        %dma_wait3A_82 = tpu.memref_slice %dma_wait3A_79[%dma_wait3A_80, %dma_wait3A_81] : memref<256x32xf32, #tpu.memory_space<vmem>> -> memref<256x32xf32, #tpu.memory_space<vmem>>
        %dma_wait3A_83 = arith.constant 0 : i32
        %dma_wait3A_84 = arith.constant 0 : i32
        %dma_wait3A_85 = tpu.memref_slice %arg5[%arg0, %dma_wait3A_83, %dma_wait3A_84] : memref<2x50176x32xf32, #tpu.memory_space<hbm>> -> memref<1x50176x32xf32, #tpu.memory_space<hbm>>
        %dma_wait3A_86 = tpu.memref_squeeze %dma_wait3A_85 : memref<1x50176x32xf32, #tpu.memory_space<hbm>> -> memref<50176x32xf32, #tpu.memory_space<hbm>>
        %dma_wait3A_87 = arith.constant 0 : i32
        %dma_wait3A_88 = tpu.memref_slice %dma_wait3A_86[%add3A_54, %dma_wait3A_87] : memref<50176x32xf32, #tpu.memory_space<hbm>> -> memref<256x32xf32, #tpu.memory_space<hbm>>
        %dma_wait3A_89 = arith.constant 0 : i32
        %dma_wait3A_90 = arith.constant 0 : i32
        %dma_wait3A_91 = tpu.memref_slice %arg5[%arg0, %dma_wait3A_89, %dma_wait3A_90] : memref<2x50176x32xf32, #tpu.memory_space<hbm>> -> memref<1x50176x32xf32, #tpu.memory_space<hbm>>
        %dma_wait3A_92 = tpu.memref_squeeze %dma_wait3A_91 : memref<1x50176x32xf32, #tpu.memory_space<hbm>> -> memref<50176x32xf32, #tpu.memory_space<hbm>>
        %dma_wait3A_93 = arith.constant 0 : i32
        %dma_wait3A_94 = tpu.memref_slice %dma_wait3A_92[%add3A_54, %dma_wait3A_93] : memref<50176x32xf32, #tpu.memory_space<hbm>> -> memref<256x32xf32, #tpu.memory_space<hbm>>
        %dma_wait3A_95 = arith.constant 0 : i32
        %dma_wait3A_96 = arith.constant 0 : i32
        %dma_wait3A_97 = tpu.memref_slice %arg8[%dma_wait3A_95, %dma_wait3A_96] : memref<768x32xf32, #tpu.memory_space<vmem>> -> memref<256x32xf32, #tpu.memory_space<vmem>>
        %dma_wait3A_98 = arith.constant 0 : i32
        %dma_wait3A_99 = arith.constant 0 : i32
        %dma_wait3A_100 = tpu.memref_slice %dma_wait3A_97[%dma_wait3A_98, %dma_wait3A_99] : memref<256x32xf32, #tpu.memory_space<vmem>> -> memref<256x32xf32, #tpu.memory_space<vmem>>
        tpu.wait_dma2 semaphore(%run_scoped3A : memref<!tpu.dma_semaphore, #tpu.memory_space<semaphore_mem>>) src(%dma_wait3A_100 : memref<256x32xf32, #tpu.memory_space<vmem>>) dst(%dma_wait3A_94 : memref<256x32xf32, #tpu.memory_space<hbm>>)
        tpu.yield
      }) : () -> ()
    }
    %scan3A_39 = arith.constant 12 : i32
    %add3A_40 = arith.constant 3072 : i32
    %add3A_41 = arith.addi %mul3A_0, %add3A_40 : i32
    "tpu.region"() ({
      %run_scoped3A = tpu.sem_alloc : memref<!tpu.dma_semaphore, #tpu.memory_space<semaphore_mem>>
      %dma_start3A = arith.constant 0 : i32
      %dma_start3A_44 = arith.constant 0 : i32
      %dma_start3A_45 = tpu.memref_slice %arg8[%dma_start3A, %dma_start3A_44] : memref<768x32xf32, #tpu.memory_space<vmem>> -> memref<256x32xf32, #tpu.memory_space<vmem>>
      %dma_start3A_46 = arith.constant 0 : i32
      %dma_start3A_47 = arith.constant 0 : i32
      %dma_start3A_48 = tpu.memref_slice %dma_start3A_45[%dma_start3A_46, %dma_start3A_47] : memref<256x32xf32, #tpu.memory_space<vmem>> -> memref<64x32xf32, #tpu.memory_space<vmem>>
      %dma_start3A_49 = arith.constant 0 : i32
      %dma_start3A_50 = tpu.memref_slice %arg9[%add3A_41, %dma_start3A_49] : memref<50176x32xf32, #tpu.memory_space<vmem_shared>> -> memref<64x32xf32, #tpu.memory_space<vmem_shared>>
      %dma_start3A_51 = arith.constant 0 : i32
      %dma_start3A_52 = arith.constant 0 : i32
      %dma_start3A_53 = tpu.memref_slice %arg8[%dma_start3A_51, %dma_start3A_52] : memref<768x32xf32, #tpu.memory_space<vmem>> -> memref<256x32xf32, #tpu.memory_space<vmem>>
      %dma_start3A_54 = arith.constant 0 : i32
      %dma_start3A_55 = arith.constant 0 : i32
      %dma_start3A_56 = tpu.memref_slice %dma_start3A_53[%dma_start3A_54, %dma_start3A_55] : memref<256x32xf32, #tpu.memory_space<vmem>> -> memref<64x32xf32, #tpu.memory_space<vmem>>
      %dma_start3A_57 = arith.constant 0 : i32
      %dma_start3A_58 = tpu.memref_slice %arg9[%add3A_41, %dma_start3A_57] : memref<50176x32xf32, #tpu.memory_space<vmem_shared>> -> memref<64x32xf32, #tpu.memory_space<vmem_shared>>
      tpu.enqueue_dma source(%dma_start3A_58 : memref<64x32xf32, #tpu.memory_space<vmem_shared>>) target(%dma_start3A_56 : memref<64x32xf32, #tpu.memory_space<vmem>>) target_semaphore(%run_scoped3A : memref<!tpu.dma_semaphore, #tpu.memory_space<semaphore_mem>>)
      %dma_wait3A = arith.constant 0 : i32
      %dma_wait3A_59 = arith.constant 0 : i32
      %dma_wait3A_60 = tpu.memref_slice %arg8[%dma_wait3A, %dma_wait3A_59] : memref<768x32xf32, #tpu.memory_space<vmem>> -> memref<256x32xf32, #tpu.memory_space<vmem>>
      %dma_wait3A_61 = arith.constant 0 : i32
      %dma_wait3A_62 = arith.constant 0 : i32
      %dma_wait3A_63 = tpu.memref_slice %dma_wait3A_60[%dma_wait3A_61, %dma_wait3A_62] : memref<256x32xf32, #tpu.memory_space<vmem>> -> memref<64x32xf32, #tpu.memory_space<vmem>>
      %dma_wait3A_64 = arith.constant 0 : i32
      %dma_wait3A_65 = tpu.memref_slice %arg9[%add3A_41, %dma_wait3A_64] : memref<50176x32xf32, #tpu.memory_space<vmem_shared>> -> memref<64x32xf32, #tpu.memory_space<vmem_shared>>
      %dma_wait3A_66 = arith.constant 0 : i32
      %dma_wait3A_67 = arith.constant 0 : i32
      %dma_wait3A_68 = tpu.memref_slice %arg8[%dma_wait3A_66, %dma_wait3A_67] : memref<768x32xf32, #tpu.memory_space<vmem>> -> memref<256x32xf32, #tpu.memory_space<vmem>>
      %dma_wait3A_69 = arith.constant 0 : i32
      %dma_wait3A_70 = arith.constant 0 : i32
      %dma_wait3A_71 = tpu.memref_slice %dma_wait3A_68[%dma_wait3A_69, %dma_wait3A_70] : memref<256x32xf32, #tpu.memory_space<vmem>> -> memref<64x32xf32, #tpu.memory_space<vmem>>
      %dma_wait3A_72 = arith.constant 0 : i32
      %dma_wait3A_73 = tpu.memref_slice %arg9[%add3A_41, %dma_wait3A_72] : memref<50176x32xf32, #tpu.memory_space<vmem_shared>> -> memref<64x32xf32, #tpu.memory_space<vmem_shared>>
      tpu.wait_dma2 semaphore(%run_scoped3A : memref<!tpu.dma_semaphore, #tpu.memory_space<semaphore_mem>>) src(%dma_wait3A_73 : memref<64x32xf32, #tpu.memory_space<vmem_shared>>) dst(%dma_wait3A_71 : memref<64x32xf32, #tpu.memory_space<vmem>>)
      tpu.yield
    }) : () -> ()
    %add3A_42 = arith.constant 3072 : i32
    %add3A_43 = arith.addi %mul3A_0, %add3A_42 : i32
    "tpu.region"() ({
      %run_scoped3A = tpu.sem_alloc : memref<!tpu.dma_semaphore, #tpu.memory_space<semaphore_mem>>
      %dma_start3A = arith.constant 0 : i32
      %dma_start3A_44 = arith.constant 0 : i32
      %dma_start3A_45 = tpu.memref_slice %arg8[%dma_start3A, %dma_start3A_44] : memref<768x32xf32, #tpu.memory_space<vmem>> -> memref<256x32xf32, #tpu.memory_space<vmem>>
      %dma_start3A_46 = arith.constant 0 : i32
      %dma_start3A_47 = arith.constant 0 : i32
      %dma_start3A_48 = tpu.memref_slice %dma_start3A_45[%dma_start3A_46, %dma_start3A_47] : memref<256x32xf32, #tpu.memory_space<vmem>> -> memref<64x32xf32, #tpu.memory_space<vmem>>
      %dma_start3A_49 = arith.constant 0 : i32
      %dma_start3A_50 = arith.constant 0 : i32
      %dma_start3A_51 = tpu.memref_slice %arg5[%arg0, %dma_start3A_49, %dma_start3A_50] : memref<2x50176x32xf32, #tpu.memory_space<hbm>> -> memref<1x50176x32xf32, #tpu.memory_space<hbm>>
      %dma_start3A_52 = tpu.memref_squeeze %dma_start3A_51 : memref<1x50176x32xf32, #tpu.memory_space<hbm>> -> memref<50176x32xf32, #tpu.memory_space<hbm>>
      %dma_start3A_53 = arith.constant 0 : i32
      %dma_start3A_54 = tpu.memref_slice %dma_start3A_52[%add3A_43, %dma_start3A_53] : memref<50176x32xf32, #tpu.memory_space<hbm>> -> memref<64x32xf32, #tpu.memory_space<hbm>>
      %dma_start3A_55 = arith.constant 0 : i32
      %dma_start3A_56 = arith.constant 0 : i32
      %dma_start3A_57 = tpu.memref_slice %arg5[%arg0, %dma_start3A_55, %dma_start3A_56] : memref<2x50176x32xf32, #tpu.memory_space<hbm>> -> memref<1x50176x32xf32, #tpu.memory_space<hbm>>
      %dma_start3A_58 = tpu.memref_squeeze %dma_start3A_57 : memref<1x50176x32xf32, #tpu.memory_space<hbm>> -> memref<50176x32xf32, #tpu.memory_space<hbm>>
      %dma_start3A_59 = arith.constant 0 : i32
      %dma_start3A_60 = tpu.memref_slice %dma_start3A_58[%add3A_43, %dma_start3A_59] : memref<50176x32xf32, #tpu.memory_space<hbm>> -> memref<64x32xf32, #tpu.memory_space<hbm>>
      %dma_start3A_61 = arith.constant 0 : i32
      %dma_start3A_62 = arith.constant 0 : i32
      %dma_start3A_63 = tpu.memref_slice %arg8[%dma_start3A_61, %dma_start3A_62] : memref<768x32xf32, #tpu.memory_space<vmem>> -> memref<256x32xf32, #tpu.memory_space<vmem>>
      %dma_start3A_64 = arith.constant 0 : i32
      %dma_start3A_65 = arith.constant 0 : i32
      %dma_start3A_66 = tpu.memref_slice %dma_start3A_63[%dma_start3A_64, %dma_start3A_65] : memref<256x32xf32, #tpu.memory_space<vmem>> -> memref<64x32xf32, #tpu.memory_space<vmem>>
      tpu.enqueue_dma source(%dma_start3A_66 : memref<64x32xf32, #tpu.memory_space<vmem>>) target(%dma_start3A_60 : memref<64x32xf32, #tpu.memory_space<hbm>>) target_semaphore(%run_scoped3A : memref<!tpu.dma_semaphore, #tpu.memory_space<semaphore_mem>>)
      %dma_wait3A = arith.constant 0 : i32
      %dma_wait3A_67 = arith.constant 0 : i32
      %dma_wait3A_68 = tpu.memref_slice %arg8[%dma_wait3A, %dma_wait3A_67] : memref<768x32xf32, #tpu.memory_space<vmem>> -> memref<256x32xf32, #tpu.memory_space<vmem>>
      %dma_wait3A_69 = arith.constant 0 : i32
      %dma_wait3A_70 = arith.constant 0 : i32
      %dma_wait3A_71 = tpu.memref_slice %dma_wait3A_68[%dma_wait3A_69, %dma_wait3A_70] : memref<256x32xf32, #tpu.memory_space<vmem>> -> memref<64x32xf32, #tpu.memory_space<vmem>>
      %dma_wait3A_72 = arith.constant 0 : i32
      %dma_wait3A_73 = arith.constant 0 : i32
      %dma_wait3A_74 = tpu.memref_slice %arg5[%arg0, %dma_wait3A_72, %dma_wait3A_73] : memref<2x50176x32xf32, #tpu.memory_space<hbm>> -> memref<1x50176x32xf32, #tpu.memory_space<hbm>>
      %dma_wait3A_75 = tpu.memref_squeeze %dma_wait3A_74 : memref<1x50176x32xf32, #tpu.memory_space<hbm>> -> memref<50176x32xf32, #tpu.memory_space<hbm>>
      %dma_wait3A_76 = arith.constant 0 : i32
      %dma_wait3A_77 = tpu.memref_slice %dma_wait3A_75[%add3A_43, %dma_wait3A_76] : memref<50176x32xf32, #tpu.memory_space<hbm>> -> memref<64x32xf32, #tpu.memory_space<hbm>>
      %dma_wait3A_78 = arith.constant 0 : i32
      %dma_wait3A_79 = arith.constant 0 : i32
      %dma_wait3A_80 = tpu.memref_slice %arg5[%arg0, %dma_wait3A_78, %dma_wait3A_79] : memref<2x50176x32xf32, #tpu.memory_space<hbm>> -> memref<1x50176x32xf32, #tpu.memory_space<hbm>>
      %dma_wait3A_81 = tpu.memref_squeeze %dma_wait3A_80 : memref<1x50176x32xf32, #tpu.memory_space<hbm>> -> memref<50176x32xf32, #tpu.memory_space<hbm>>
      %dma_wait3A_82 = arith.constant 0 : i32
      %dma_wait3A_83 = tpu.memref_slice %dma_wait3A_81[%add3A_43, %dma_wait3A_82] : memref<50176x32xf32, #tpu.memory_space<hbm>> -> memref<64x32xf32, #tpu.memory_space<hbm>>
      %dma_wait3A_84 = arith.constant 0 : i32
      %dma_wait3A_85 = arith.constant 0 : i32
      %dma_wait3A_86 = tpu.memref_slice %arg8[%dma_wait3A_84, %dma_wait3A_85] : memref<768x32xf32, #tpu.memory_space<vmem>> -> memref<256x32xf32, #tpu.memory_space<vmem>>
      %dma_wait3A_87 = arith.constant 0 : i32
      %dma_wait3A_88 = arith.constant 0 : i32
      %dma_wait3A_89 = tpu.memref_slice %dma_wait3A_86[%dma_wait3A_87, %dma_wait3A_88] : memref<256x32xf32, #tpu.memory_space<vmem>> -> memref<64x32xf32, #tpu.memory_space<vmem>>
      tpu.wait_dma2 semaphore(%run_scoped3A : memref<!tpu.dma_semaphore, #tpu.memory_space<semaphore_mem>>) src(%dma_wait3A_89 : memref<64x32xf32, #tpu.memory_space<vmem>>) dst(%dma_wait3A_83 : memref<64x32xf32, #tpu.memory_space<hbm>>)
      tpu.yield
    }) : () -> ()
    return
  }
}

module attributes {stable_mosaic.version = 14 : i64} {
  func.func @_mlp_body(%arg0: i32, %arg1: memref<3000x128xf32, #tpu.memory_space<vmem>>, %arg2: memref<128x256xf32, #tpu.memory_space<vmem>>, %arg3: memref<1x256xf32, #tpu.memory_space<vmem>>, %arg4: memref<256x64xf32, #tpu.memory_space<vmem>>, %arg5: memref<1x64xf32, #tpu.memory_space<vmem>>, %arg6: memref<3000x64xf32, #tpu.memory_space<vmem>>) attributes {dimension_semantics = [#tpu.dimension_semantics<arbitrary>], iteration_bounds = array<i64: 10>, scalar_prefetch = 0 : i64, scratch_operands = 0 : i64, tpu.core_type = #tpu.core_type<tc>, window_params = [{transform_indices = @transform_0, window_bounds = array<i64: 3000, 128>}, {pipeline_mode = #tpu.pipeline_mode<synchronous>, transform_indices = @transform_1, window_bounds = array<i64: 128, 256>}, {pipeline_mode = #tpu.pipeline_mode<synchronous>, transform_indices = @transform_2, window_bounds = array<i64: 1, 256>}, {pipeline_mode = #tpu.pipeline_mode<synchronous>, transform_indices = @transform_3, window_bounds = array<i64: 256, 64>}, {pipeline_mode = #tpu.pipeline_mode<synchronous>, transform_indices = @transform_4, window_bounds = array<i64: 1, 64>}, {transform_indices = @transform_5, window_bounds = array<i64: 3000, 64>}]} {
    %get3A = arith.constant 0 : index
    %get3A_0 = arith.constant 0 : index
    %get3A_1 = vector.load %arg1[%get3A, %get3A_0] : memref<3000x128xf32, #tpu.memory_space<vmem>>, vector<3000x128xf32>
    %get3A_2 = arith.constant 0 : index
    %get3A_3 = arith.constant 0 : index
    %get3A_4 = vector.load %arg2[%get3A_2, %get3A_3] : memref<128x256xf32, #tpu.memory_space<vmem>>, vector<128x256xf32>
    %dot_general3A = arith.constant dense<0.000000e+00> : vector<3000x256xf32>
    %dot_general3A_5 = tpu.matmul %get3A_1, %get3A_4, %dot_general3A {dimension_numbers = #tpu.dot_dimension_numbers<[1], [0], [0], [1], [0, 0, 1, 1], [], []>, transpose_lhs_hint = false} : vector<3000x128xf32>, vector<128x256xf32>, vector<3000x256xf32> -> vector<3000x256xf32>
    %get3A_6 = arith.constant 0 : index
    %get3A_7 = arith.constant 0 : index
    %get3A_8 = vector.load %arg3[%get3A_6, %get3A_7] : memref<1x256xf32, #tpu.memory_space<vmem>>, vector<1x256xf32>
    %add3A = vector.broadcast %get3A_8 : vector<1x256xf32> to vector<3000x256xf32>
    %add3A_9 = arith.addf %dot_general3A_5, %add3A : vector<3000x256xf32>
    %gt3A = arith.constant 0.000000e+00 : f32
    %gt3A_10 = vector.broadcast %gt3A : f32 to vector<3000x256xf32>
    %gt3A_11 = arith.cmpf ogt, %add3A_9, %gt3A_10 : vector<3000x256xf32>
    %mul3A = arith.constant 0.00999999977 : f32
    %mul3A_12 = vector.broadcast %mul3A : f32 to vector<3000x256xf32>
    %mul3A_13 = arith.mulf %mul3A_12, %add3A_9 : vector<3000x256xf32>
    %select_n3A = arith.select %gt3A_11, %add3A_9, %mul3A_13 : vector<3000x256xi1>, vector<3000x256xf32>
    %get3A_14 = arith.constant 0 : index
    %get3A_15 = arith.constant 0 : index
    %get3A_16 = vector.load %arg4[%get3A_14, %get3A_15] : memref<256x64xf32, #tpu.memory_space<vmem>>, vector<256x64xf32>
    %dot_general3A_17 = arith.constant dense<0.000000e+00> : vector<3000x64xf32>
    %dot_general3A_18 = tpu.matmul %select_n3A, %get3A_16, %dot_general3A_17 {dimension_numbers = #tpu.dot_dimension_numbers<[1], [0], [0], [1], [0, 0, 1, 1], [], []>, transpose_lhs_hint = false} : vector<3000x256xf32>, vector<256x64xf32>, vector<3000x64xf32> -> vector<3000x64xf32>
    %get3A_19 = arith.constant 0 : index
    %get3A_20 = arith.constant 0 : index
    %get3A_21 = vector.load %arg5[%get3A_19, %get3A_20] : memref<1x64xf32, #tpu.memory_space<vmem>>, vector<1x64xf32>
    %add3A_22 = vector.broadcast %get3A_21 : vector<1x64xf32> to vector<3000x64xf32>
    %add3A_23 = arith.addf %dot_general3A_18, %add3A_22 : vector<3000x64xf32>
    %swap3A = arith.constant 0 : index
    %swap3A_24 = arith.constant 0 : index
    %swap3A_25 = vector.load %arg6[%swap3A, %swap3A_24] : memref<3000x64xf32, #tpu.memory_space<vmem>>, vector<3000x64xf32>
    tpu.vector_store %arg6[%swap3A, %swap3A_24], %add3A_23 {strides = array<i32>} : memref<3000x64xf32, #tpu.memory_space<vmem>>, vector<3000x64xf32>,
    return
  }
  func.func @transform_0(%arg0: i32) -> (i32, i32) {
    %c0_i32 = arith.constant 0 : i32
    %c0_i32_0 = arith.constant 0 : i32
    return %arg0, %c0_i32 : i32, i32
  }
  func.func @transform_1(%arg0: i32) -> (i32, i32) {
    %c0_i32 = arith.constant 0 : i32
    %c0_i32_0 = arith.constant 0 : i32
    %c0_i32_1 = arith.constant 0 : i32
    return %c0_i32, %c0_i32_0 : i32, i32
  }
  func.func @transform_2(%arg0: i32) -> (i32, i32) {
    %c0_i32 = arith.constant 0 : i32
    %c0_i32_0 = arith.constant 0 : i32
    %c0_i32_1 = arith.constant 0 : i32
    return %c0_i32, %c0_i32_0 : i32, i32
  }
  func.func @transform_3(%arg0: i32) -> (i32, i32) {
    %c0_i32 = arith.constant 0 : i32
    %c0_i32_0 = arith.constant 0 : i32
    %c0_i32_1 = arith.constant 0 : i32
    return %c0_i32, %c0_i32_0 : i32, i32
  }
  func.func @transform_4(%arg0: i32) -> (i32, i32) {
    %c0_i32 = arith.constant 0 : i32
    %c0_i32_0 = arith.constant 0 : i32
    %c0_i32_1 = arith.constant 0 : i32
    return %c0_i32, %c0_i32_0 : i32, i32
  }
  func.func @transform_5(%arg0: i32) -> (i32, i32) {
    %c0_i32 = arith.constant 0 : i32
    %c0_i32_0 = arith.constant 0 : i32
    return %arg0, %c0_i32 : i32, i32
  }
}

module attributes {stable_mosaic.version = 14 : i64} {
  func.func @_norm_body(%arg0: i32, %arg1: memref<3136x64xf32, #tpu.memory_space<vmem>>, %arg2: memref<3136x2xf32, #tpu.memory_space<vmem>>, %arg3: memref<3136x64xf32, #tpu.memory_space<vmem>>, %arg4: memref<2x3136x32xf32, #tpu.memory_space<vmem>>, %arg5: memref<3136x1xf32, #tpu.memory_space<vmem>>, %arg6: memref<3136x1xf32, #tpu.memory_space<vmem>>) attributes {dimension_semantics = [#tpu.dimension_semantics<arbitrary>], iteration_bounds = array<i64: 16>, scalar_prefetch = 0 : i64, scratch_operands = 0 : i64, tpu.core_type = #tpu.core_type<tc>, window_params = [{transform_indices = @transform_0, window_bounds = array<i64: 3136, 64>}, {transform_indices = @transform_1, window_bounds = array<i64: 3136, 2>}, {transform_indices = @transform_2, window_bounds = array<i64: 3136, 64>}, {transform_indices = @transform_3, window_bounds = array<i64: 2, 3136, 32>}, {transform_indices = @transform_4, window_bounds = array<i64: 3136, 1>}, {transform_indices = @transform_5, window_bounds = array<i64: 3136, 1>}]} {
    %get3A = arith.constant 0 : index
    %get3A_0 = arith.constant 0 : index
    %get3A_1 = vector.load %arg2[%get3A, %get3A_0] : memref<3136x2xf32, #tpu.memory_space<vmem>>, vector<3136x1xf32>
    %get3A_2 = arith.constant 0 : index
    %get3A_3 = arith.constant 1 : index
    %get3A_4 = vector.load %arg2[%get3A_2, %get3A_3] : memref<3136x2xf32, #tpu.memory_space<vmem>>, vector<3136x1xf32>
    %add3A = arith.addf %get3A_1, %get3A_4 : vector<3136x1xf32>
    %gt3A = arith.constant 0.000000e+00 : f32
    %gt3A_5 = vector.broadcast %gt3A : f32 to vector<3136x1xf32>
    %gt3A_6 = arith.cmpf ogt, %add3A, %gt3A_5 : vector<3136x1xf32>
    %rsqrt3A = math.rsqrt %add3A : vector<3136x1xf32>
    %jit3A = arith.constant 0.000000e+00 : f32
    %broadcast_in_dim3A = vector.broadcast %jit3A : f32 to vector<3136x1xf32>
    %select_n3A = arith.select %gt3A_6, %rsqrt3A, %broadcast_in_dim3A : vector<3136x1xi1>, vector<3136x1xf32>
    %div3A = arith.constant 1.000000e+00 : f32
    %div3A_7 = vector.broadcast %div3A : f32 to vector<3136x1xf32>
    %div3A_8 = arith.divf %div3A_7, %add3A : vector<3136x1xf32>
    %jit3A_9 = arith.constant 0.000000e+00 : f32
    %broadcast_in_dim3A_10 = vector.broadcast %jit3A_9 : f32 to vector<3136x1xf32>
    %select_n3A_11 = arith.select %gt3A_6, %div3A_8, %broadcast_in_dim3A_10 : vector<3136x1xi1>, vector<3136x1xf32>
    %get3A_12 = arith.constant 0 : index
    %get3A_13 = arith.constant 0 : index
    %get3A_14 = vector.load %arg1[%get3A_12, %get3A_13] : memref<3136x64xf32, #tpu.memory_space<vmem>>, vector<3136x64xf32>
    %mul3A = arith.mulf %get3A_14, %get3A_14 : vector<3136x64xf32>
    %reduce_sum3A = arith.constant dense<0.000000e+00> : vector<3136xf32>
    %reduce_sum3A_15 = vector.multi_reduction <add>, %mul3A, %reduce_sum3A [1] : vector<3136x64xf32> to vector<3136xf32>
    %broadcast_in_dim3A_16 = vector.shape_cast %reduce_sum3A_15 : vector<3136xf32> to vector<3136x1xf32>
    %sqrt3A = math.sqrt %broadcast_in_dim3A_16 : vector<3136x1xf32>
    %max3A = arith.constant 9.99999996E-13 : f32
    %max3A_17 = vector.broadcast %max3A : f32 to vector<3136x1xf32>
    %max3A_18 = arith.maximumf %sqrt3A, %max3A_17 : vector<3136x1xf32>
    %div3A_19 = vector.broadcast %max3A_18 : vector<3136x1xf32> to vector<3136x64xf32>
    %div3A_20 = arith.divf %get3A_14, %div3A_19 : vector<3136x64xf32>
    %mul3A_21 = vector.broadcast %select_n3A : vector<3136x1xf32> to vector<3136x64xf32>
    %mul3A_22 = arith.mulf %div3A_20, %mul3A_21 : vector<3136x64xf32>
    %swap3A = arith.constant 0 : index
    %swap3A_23 = arith.constant 0 : index
    %swap3A_24 = vector.load %arg3[%swap3A, %swap3A_23] : memref<3136x64xf32, #tpu.memory_space<vmem>>, vector<3136x64xf32>
    tpu.vector_store %arg3[%swap3A, %swap3A_23], %div3A_20 {strides = array<i32>} : memref<3136x64xf32, #tpu.memory_space<vmem>>, vector<3136x64xf32>,
    %slice3A = vector.extract_strided_slice %mul3A_22 {offsets = [0, 0], sizes = [3136, 32], strides = [1, 1]} : vector<3136x64xf32> to vector<3136x32xf32>
    %swap3A_25 = arith.constant 0 : index
    %swap3A_26 = arith.constant 0 : index
    %swap3A_27 = arith.constant 0 : index
    %swap3A_28 = vector.load %arg4[%swap3A_25, %swap3A_26, %swap3A_27] : memref<2x3136x32xf32, #tpu.memory_space<vmem>>, vector<1x3136x32xf32>
    %swap3A_29 = vector.shape_cast %swap3A_28 : vector<1x3136x32xf32> to vector<3136x32xf32>
    %swap3A_30 = vector.shape_cast %slice3A : vector<3136x32xf32> to vector<1x3136x32xf32>
    tpu.vector_store %arg4[%swap3A_25, %swap3A_26, %swap3A_27], %swap3A_30 {strides = array<i32>} : memref<2x3136x32xf32, #tpu.memory_space<vmem>>, vector<1x3136x32xf32>,
    %slice3A_31 = vector.extract_strided_slice %mul3A_22 {offsets = [0, 32], sizes = [3136, 32], strides = [1, 1]} : vector<3136x64xf32> to vector<3136x32xf32>
    %swap3A_32 = arith.constant 1 : index
    %swap3A_33 = arith.constant 0 : index
    %swap3A_34 = arith.constant 0 : index
    %swap3A_35 = vector.load %arg4[%swap3A_32, %swap3A_33, %swap3A_34] : memref<2x3136x32xf32, #tpu.memory_space<vmem>>, vector<1x3136x32xf32>
    %swap3A_36 = vector.shape_cast %swap3A_35 : vector<1x3136x32xf32> to vector<3136x32xf32>
    %swap3A_37 = vector.shape_cast %slice3A_31 : vector<3136x32xf32> to vector<1x3136x32xf32>
    tpu.vector_store %arg4[%swap3A_32, %swap3A_33, %swap3A_34], %swap3A_37 {strides = array<i32>} : memref<2x3136x32xf32, #tpu.memory_space<vmem>>, vector<1x3136x32xf32>,
    %swap3A_38 = arith.constant 0 : index
    %swap3A_39 = arith.constant 0 : index
    %swap3A_40 = vector.load %arg5[%swap3A_38, %swap3A_39] : memref<3136x1xf32, #tpu.memory_space<vmem>>, vector<3136x1xf32>
    tpu.vector_store %arg5[%swap3A_38, %swap3A_39], %select_n3A {strides = array<i32>} : memref<3136x1xf32, #tpu.memory_space<vmem>>, vector<3136x1xf32>,
    %swap3A_41 = arith.constant 0 : index
    %swap3A_42 = arith.constant 0 : index
    %swap3A_43 = vector.load %arg6[%swap3A_41, %swap3A_42] : memref<3136x1xf32, #tpu.memory_space<vmem>>, vector<3136x1xf32>
    tpu.vector_store %arg6[%swap3A_41, %swap3A_42], %select_n3A_11 {strides = array<i32>} : memref<3136x1xf32, #tpu.memory_space<vmem>>, vector<3136x1xf32>,
    return
  }
  func.func @transform_0(%arg0: i32) -> (i32, i32) {
    %c0_i32 = arith.constant 0 : i32
    %c0_i32_0 = arith.constant 0 : i32
    return %arg0, %c0_i32 : i32, i32
  }
  func.func @transform_1(%arg0: i32) -> (i32, i32) {
    %c0_i32 = arith.constant 0 : i32
    %c0_i32_0 = arith.constant 0 : i32
    return %arg0, %c0_i32 : i32, i32
  }
  func.func @transform_2(%arg0: i32) -> (i32, i32) {
    %c0_i32 = arith.constant 0 : i32
    %c0_i32_0 = arith.constant 0 : i32
    return %arg0, %c0_i32 : i32, i32
  }
  func.func @transform_3(%arg0: i32) -> (i32, i32, i32) {
    %c0_i32 = arith.constant 0 : i32
    %c0_i32_0 = arith.constant 0 : i32
    %c0_i32_1 = arith.constant 0 : i32
    return %c0_i32, %arg0, %c0_i32_0 : i32, i32, i32
  }
  func.func @transform_4(%arg0: i32) -> (i32, i32) {
    %c0_i32 = arith.constant 0 : i32
    %c0_i32_0 = arith.constant 0 : i32
    return %arg0, %c0_i32 : i32, i32
  }
  func.func @transform_5(%arg0: i32) -> (i32, i32) {
    %c0_i32 = arith.constant 0 : i32
    %c0_i32_0 = arith.constant 0 : i32
    return %arg0, %c0_i32 : i32, i32
  }
}

module attributes {stable_mosaic.version = 14 : i64} {
  func.func @_scale_body(%arg0: i32, %arg1: memref<2x3136x32xf32, #tpu.memory_space<vmem>>, %arg2: memref<3136x1xf32, #tpu.memory_space<vmem>>, %arg3: memref<2x3136x32xf32, #tpu.memory_space<vmem>>) attributes {dimension_semantics = [#tpu.dimension_semantics<arbitrary>], iteration_bounds = array<i64: 16>, scalar_prefetch = 0 : i64, scratch_operands = 0 : i64, tpu.core_type = #tpu.core_type<tc>, window_params = [{transform_indices = @transform_0, window_bounds = array<i64: 2, 3136, 32>}, {transform_indices = @transform_1, window_bounds = array<i64: 3136, 1>}, {transform_indices = @transform_2, window_bounds = array<i64: 2, 3136, 32>}]} {
    %get3A = arith.constant 0 : index
    %get3A_0 = arith.constant 0 : index
    %get3A_1 = arith.constant 0 : index
    %get3A_2 = vector.load %arg1[%get3A, %get3A_0, %get3A_1] : memref<2x3136x32xf32, #tpu.memory_space<vmem>>, vector<1x3136x32xf32>
    %get3A_3 = vector.shape_cast %get3A_2 : vector<1x3136x32xf32> to vector<3136x32xf32>
    %get3A_4 = arith.constant 0 : index
    %get3A_5 = arith.constant 0 : index
    %get3A_6 = vector.load %arg2[%get3A_4, %get3A_5] : memref<3136x1xf32, #tpu.memory_space<vmem>>, vector<3136x1xf32>
    %mul3A = vector.broadcast %get3A_6 : vector<3136x1xf32> to vector<3136x32xf32>
    %mul3A_7 = arith.mulf %get3A_3, %mul3A : vector<3136x32xf32>
    %swap3A = arith.constant 0 : index
    %swap3A_8 = arith.constant 0 : index
    %swap3A_9 = arith.constant 0 : index
    %swap3A_10 = vector.load %arg3[%swap3A, %swap3A_8, %swap3A_9] : memref<2x3136x32xf32, #tpu.memory_space<vmem>>, vector<1x3136x32xf32>
    %swap3A_11 = vector.shape_cast %swap3A_10 : vector<1x3136x32xf32> to vector<3136x32xf32>
    %swap3A_12 = vector.shape_cast %mul3A_7 : vector<3136x32xf32> to vector<1x3136x32xf32>
    tpu.vector_store %arg3[%swap3A, %swap3A_8, %swap3A_9], %swap3A_12 {strides = array<i32>} : memref<2x3136x32xf32, #tpu.memory_space<vmem>>, vector<1x3136x32xf32>,
    %get3A_13 = arith.constant 1 : index
    %get3A_14 = arith.constant 0 : index
    %get3A_15 = arith.constant 0 : index
    %get3A_16 = vector.load %arg1[%get3A_13, %get3A_14, %get3A_15] : memref<2x3136x32xf32, #tpu.memory_space<vmem>>, vector<1x3136x32xf32>
    %get3A_17 = vector.shape_cast %get3A_16 : vector<1x3136x32xf32> to vector<3136x32xf32>
    %get3A_18 = arith.constant 0 : index
    %get3A_19 = arith.constant 0 : index
    %get3A_20 = vector.load %arg2[%get3A_18, %get3A_19] : memref<3136x1xf32, #tpu.memory_space<vmem>>, vector<3136x1xf32>
    %mul3A_21 = vector.broadcast %get3A_20 : vector<3136x1xf32> to vector<3136x32xf32>
    %mul3A_22 = arith.mulf %get3A_17, %mul3A_21 : vector<3136x32xf32>
    %swap3A_23 = arith.constant 1 : index
    %swap3A_24 = arith.constant 0 : index
    %swap3A_25 = arith.constant 0 : index
    %swap3A_26 = vector.load %arg3[%swap3A_23, %swap3A_24, %swap3A_25] : memref<2x3136x32xf32, #tpu.memory_space<vmem>>, vector<1x3136x32xf32>
    %swap3A_27 = vector.shape_cast %swap3A_26 : vector<1x3136x32xf32> to vector<3136x32xf32>
    %swap3A_28 = vector.shape_cast %mul3A_22 : vector<3136x32xf32> to vector<1x3136x32xf32>
    tpu.vector_store %arg3[%swap3A_23, %swap3A_24, %swap3A_25], %swap3A_28 {strides = array<i32>} : memref<2x3136x32xf32, #tpu.memory_space<vmem>>, vector<1x3136x32xf32>,
    return
  }
  func.func @transform_0(%arg0: i32) -> (i32, i32, i32) {
    %c0_i32 = arith.constant 0 : i32
    %c0_i32_0 = arith.constant 0 : i32
    %c0_i32_1 = arith.constant 0 : i32
    return %c0_i32, %arg0, %c0_i32_0 : i32, i32, i32
  }
  func.func @transform_1(%arg0: i32) -> (i32, i32) {
    %c0_i32 = arith.constant 0 : i32
    %c0_i32_0 = arith.constant 0 : i32
    return %arg0, %c0_i32 : i32, i32
  }
  func.func @transform_2(%arg0: i32) -> (i32, i32, i32) {
    %c0_i32 = arith.constant 0 : i32
    %c0_i32_0 = arith.constant 0 : i32
    %c0_i32_1 = arith.constant 0 : i32
    return %c0_i32, %arg0, %c0_i32_0 : i32, i32, i32
  }
}

module attributes {stable_mosaic.version = 14 : i64} {
  func.func @_comb_body(%arg0: i32, %arg1: memref<3136x64xf32, #tpu.memory_space<vmem>>, %arg2: memref<2x3136x32xf32, #tpu.memory_space<vmem>>, %arg3: memref<2x3136x32xf32, #tpu.memory_space<vmem>>, %arg4: memref<3136x1xf32, #tpu.memory_space<vmem>>, %arg5: memref<3136x64xf32, #tpu.memory_space<vmem>>) attributes {dimension_semantics = [#tpu.dimension_semantics<arbitrary>], iteration_bounds = array<i64: 16>, scalar_prefetch = 0 : i64, scratch_operands = 0 : i64, tpu.core_type = #tpu.core_type<tc>, window_params = [{transform_indices = @transform_0, window_bounds = array<i64: 3136, 64>}, {transform_indices = @transform_1, window_bounds = array<i64: 2, 3136, 32>}, {transform_indices = @transform_2, window_bounds = array<i64: 2, 3136, 32>}, {transform_indices = @transform_3, window_bounds = array<i64: 3136, 1>}, {transform_indices = @transform_4, window_bounds = array<i64: 3136, 64>}]} {
    %get3A = arith.constant 0 : index
    %get3A_0 = arith.constant 0 : index
    %get3A_1 = arith.constant 0 : index
    %get3A_2 = vector.load %arg2[%get3A, %get3A_0, %get3A_1] : memref<2x3136x32xf32, #tpu.memory_space<vmem>>, vector<1x3136x32xf32>
    %get3A_3 = vector.shape_cast %get3A_2 : vector<1x3136x32xf32> to vector<3136x32xf32>
    %get3A_4 = arith.constant 0 : index
    %get3A_5 = arith.constant 0 : index
    %get3A_6 = arith.constant 0 : index
    %get3A_7 = vector.load %arg3[%get3A_4, %get3A_5, %get3A_6] : memref<2x3136x32xf32, #tpu.memory_space<vmem>>, vector<1x3136x32xf32>
    %get3A_8 = vector.shape_cast %get3A_7 : vector<1x3136x32xf32> to vector<3136x32xf32>
    %add3A = arith.addf %get3A_3, %get3A_8 : vector<3136x32xf32>
    %get3A_9 = arith.constant 1 : index
    %get3A_10 = arith.constant 0 : index
    %get3A_11 = arith.constant 0 : index
    %get3A_12 = vector.load %arg2[%get3A_9, %get3A_10, %get3A_11] : memref<2x3136x32xf32, #tpu.memory_space<vmem>>, vector<1x3136x32xf32>
    %get3A_13 = vector.shape_cast %get3A_12 : vector<1x3136x32xf32> to vector<3136x32xf32>
    %get3A_14 = arith.constant 1 : index
    %get3A_15 = arith.constant 0 : index
    %get3A_16 = arith.constant 0 : index
    %get3A_17 = vector.load %arg3[%get3A_14, %get3A_15, %get3A_16] : memref<2x3136x32xf32, #tpu.memory_space<vmem>>, vector<1x3136x32xf32>
    %get3A_18 = vector.shape_cast %get3A_17 : vector<1x3136x32xf32> to vector<3136x32xf32>
    %add3A_19 = arith.addf %get3A_13, %get3A_18 : vector<3136x32xf32>
    %concatenate3A = tpu.concatenate %add3A, %add3A_19 in 1 : vector<3136x32xf32>, vector<3136x32xf32> -> vector<3136x64xf32>
    %get3A_20 = arith.constant 0 : index
    %get3A_21 = arith.constant 0 : index
    %get3A_22 = vector.load %arg1[%get3A_20, %get3A_21] : memref<3136x64xf32, #tpu.memory_space<vmem>>, vector<3136x64xf32>
    %get3A_23 = arith.constant 0 : index
    %get3A_24 = arith.constant 0 : index
    %get3A_25 = vector.load %arg4[%get3A_23, %get3A_24] : memref<3136x1xf32, #tpu.memory_space<vmem>>, vector<3136x1xf32>
    %mul3A = vector.broadcast %get3A_25 : vector<3136x1xf32> to vector<3136x64xf32>
    %mul3A_26 = arith.mulf %mul3A, %concatenate3A : vector<3136x64xf32>
    %add3A_27 = arith.addf %get3A_22, %mul3A_26 : vector<3136x64xf32>
    %swap3A = arith.constant 0 : index
    %swap3A_28 = arith.constant 0 : index
    %swap3A_29 = vector.load %arg5[%swap3A, %swap3A_28] : memref<3136x64xf32, #tpu.memory_space<vmem>>, vector<3136x64xf32>
    tpu.vector_store %arg5[%swap3A, %swap3A_28], %add3A_27 {strides = array<i32>} : memref<3136x64xf32, #tpu.memory_space<vmem>>, vector<3136x64xf32>,
    return
  }
  func.func @transform_0(%arg0: i32) -> (i32, i32) {
    %c0_i32 = arith.constant 0 : i32
    %c0_i32_0 = arith.constant 0 : i32
    return %arg0, %c0_i32 : i32, i32
  }
  func.func @transform_1(%arg0: i32) -> (i32, i32, i32) {
    %c0_i32 = arith.constant 0 : i32
    %c0_i32_0 = arith.constant 0 : i32
    %c0_i32_1 = arith.constant 0 : i32
    return %c0_i32, %arg0, %c0_i32_0 : i32, i32, i32
  }
  func.func @transform_2(%arg0: i32) -> (i32, i32, i32) {
    %c0_i32 = arith.constant 0 : i32
    %c0_i32_0 = arith.constant 0 : i32
    %c0_i32_1 = arith.constant 0 : i32
    return %c0_i32, %arg0, %c0_i32_0 : i32, i32, i32
  }
  func.func @transform_3(%arg0: i32) -> (i32, i32) {
    %c0_i32 = arith.constant 0 : i32
    %c0_i32_0 = arith.constant 0 : i32
    return %arg0, %c0_i32 : i32, i32
  }
  func.func @transform_4(%arg0: i32) -> (i32, i32) {
    %c0_i32 = arith.constant 0 : i32
    %c0_i32_0 = arith.constant 0 : i32
    return %arg0, %c0_i32 : i32, i32
  }
}

</mosaic_0001>

<sc_bundles>
// kernel: kernel.12.cloned.1.call-start
scs
__scs_entry_jumppad:
0x0: {  	(pc) =	sbr.rel $0x88, $3  }
0x1: {  	(tag) =	ssettag $0x0;
	lr =	simm.s32 $0x1  }
0x2: {  	[smem:$0x3F9A] =	sst lr;
	_ =	strace $0xD0000000  }
0x3: {  	_ = 	snop  }
0x4: {  	_ = 	snop  }
0x5: {  	_ = 	snop  }
0x6: {  	_ = 	snop  }
0x7: {  	_ = 	snop  }
__scs_overlays_trampoline_lowered:
0x8: {  	[smem:$0x3FA9] =	sst s0  }
0x9: {  	[smem:$0x3FAA] =	sst s1  }
0xa: {  	[smem:$0x3FAB] =	sst s2  }
0xb: {  	[smem:$0x3FAC] =	sst s3  }
0xc: {  	[smem:$0x3FAD] =	sst s4  }
0xd: {  	[smem:$0x3FAE] =	sst s5  }
0xe: {  	[smem:$0x3FAF] =	sst s6  }
0xf: {  	[smem:$0x3FB0] =	sst s7  }
0x10: {  	[smem:$0x3FB1] =	sst s8  }
0x11: {  	[smem:$0x3FB2] =	sst s9;
	s0 =	simm.s32 @!p0 $0x0  }
0x12: {  	s1 =	sld [smem:$0x3F98];
	s0 =	simm.s32 @p0 $0x1  }
0x13: {  	[smem:$0x3FB3] =	sst s0;
	s0 =	simm.s32 @!p1 $0x0  }
0x14: {  	s2 =	sld [smem:$0x3F97];
	s0 =	simm.s32 @p1 $0x1  }
0x15: {  	[smem:$0x3FB4] =	sst s0;
	s0 =	simm.s32 @!p2 $0x0  }
0x16: {  	s3 =	sld [smem:$0x3FDB];
	s0 =	simm.s32 @p2 $0x1  }
0x17: {  	s4 =	simm.s32 $0x1BF5;
	[smem:$0x3FB6] =	sst s0  }
0x18: {  	s0 =	sld [smem:$0x3F99];
	_ =	swait.ge [sflag:s4], $0x0  }
0x19: {  	s7 =	sld [smem:$0x3F9A]  }
0x1a: {  	s8 =	sadd.s32 $0xFFFFE003, lr  }
0x1b: {  	s9 =	sadd.s32 $0xFFFFFEF7, lr;
	s5 =	simm.s32 $0xFFFFFFFF;
	p2 =	slt.u32 s8, $0xFFFFF086  }
0x1c: {  	p1 =	slt.u32 s9, $0xF7A;
	s5 =	simm.s32 @!p2 $0x0  }
0x1d: {  	s5 =	simm.s32 @p1 $0x1;
	p0 =	seq.s32 s7, s2  }
0x1e: {  	s7 =	smul.u32 @!p0 $0xF7A, s2;
	p2 =	seq.s32 @!p0 s5, $0x0  }
0x1f: {  	s9 =	smul.u32 $0xF7A, s1;
	s8 =	simm.s32 @!p0 $0x1BF5;
	p2 =	por !p2, p0  }
0x20: {  	[sflag:s8] =	ssyncset.s32 @!p0 $0xFFFFF086;
	s6 =	sadd.s32 @!p0 s3, s7;
	s7 =	simm.s32 @!p0 $0x108  }
0x21: {  	s3 =	sadd.s32 s3, s9;
	s6 =	sadd.s32 @!p0 $0x88, s6;
	s7 =	simm.s32 @p2 $0x1082  }
0x22: {  	[simem:s7], [sflag:s8] =	dma.local @!p0 [hbm:s6], $0xF7A  }
0x23: {  	s9 =	sor.u32 $0xD0000000, s2;
	s6 =	simm.s32 $0x108;
	_ =	swait.ge @!p0 [sflag:s8], $0x0  }
0x24: {  	s3 =	sadd.s32 $0x88, s3;
	s6 =	simm.s32 @!p1 $0x1082;
	[sflag:s4] =	ssyncset.s32 $0xFFFFF086  }
0x25: {  	[simem:s6], [sflag:s4] =	dma.local [hbm:s3], $0xF7A  }
0x26: {  	[smem:$0x3F9A] =	sst s1;
	(tag) =	ssettag s2;
	_ =	strace s9  }
0x27: {  	s1 =	sld [smem:$0x3FAA]  }
0x28: {  	s2 =	sld [smem:$0x3FAB]  }
0x29: {  	s4 =	sld [smem:$0x3FAD]  }
0x2a: {  	p0 =	seq.s32 s5, $0x0;
	s5 =	sld [smem:$0x3FAE]  }
0x2b: {  	s6 =	sld [smem:$0x3FAF]  }
0x2c: {  	s7 =	sld [smem:$0x3FB0]  }
0x2d: {  	s3 =	simm.s32 $0x108;
	s8 =	sld [smem:$0x3FB1]  }
0x2e: {  	s3 =	simm.s32 @!p0 $0x1082;
	s9 =	sld [smem:$0x3FB2]  }
0x2f: {  	lr =	sadd.s32 s0, s3;
	s0 =	sld [smem:$0x3FA9]  }
0x30: {  	s3 =	sld [smem:$0x3FAC]  }
0x31: {  	[smem:$0x3FB5] =	sst s10  }
0x32: {  	s10 =	sld [smem:$0x3FB3];
	_ =	sdelay $0x3  }
0x33: {  	p0 =	seq.s32 s10, $0x1;
	s10 =	sld [smem:$0x3FB5];
	_ =	sdelay $0x3  }
0x34: {  	[smem:$0x3FB5] =	sst s10  }
0x35: {  	s10 =	sld [smem:$0x3FB4];
	_ =	sdelay $0x3  }
0x36: {  	p1 =	seq.s32 s10, $0x1;
	s10 =	sld [smem:$0x3FB5];
	_ =	sdelay $0x3  }
0x37: {  	[smem:$0x3FB5] =	sst s10  }
0x38: {  	s10 =	sld [smem:$0x3FB6]  }
0x39: {  	_ = 	snop;
	(pc) =	sbr.ind lr, $3  }
0x3a: {  	_ = 	snop  }
0x3b: {  	_ = 	snop  }
0x3c: {  	p2 =	seq.s32 s10, $0x1;
	s10 =	sld [smem:$0x3FB5]  }
0x3d: {  	_ =	shalt  }
0x3e: {  	_ =	shalt  }
0x3f: {  	_ =	shalt  }
0x40: {  	_ =	shalt  }
0x41: {  	_ =	shalt  }
0x42: {  	_ =	shalt  }
0x43: {  	_ =	shalt  }
0x44: {  	_ =	shalt  }
0x45: {  	_ =	shalt  }
0x46: {  	_ =	shalt  }
0x47: {  	_ =	shalt  }
0x48: {  	_ =	shalt  }
0x49: {  	_ =	shalt  }
0x4a: {  	_ =	shalt  }
0x4b: {  	_ =	shalt  }
0x4c: {  	_ =	shalt  }
0x4d: {  	_ =	shalt  }
0x4e: {  	_ =	shalt  }
0x4f: {  	_ =	shalt  }
0x50: {  	_ =	shalt  }
0x51: {  	_ =	shalt  }
0x52: {  	_ =	shalt  }
0x53: {  	_ =	shalt  }
0x54: {  	_ =	shalt  }
0x55: {  	_ =	shalt  }
0x56: {  	_ =	shalt  }
0x57: {  	_ =	shalt  }
0x58: {  	_ =	shalt  }
0x59: {  	_ =	shalt  }
0x5a: {  	_ =	shalt  }
0x5b: {  	_ =	shalt  }
0x5c: {  	_ =	shalt  }
0x5d: {  	_ =	shalt  }
0x5e: {  	_ =	shalt  }
0x5f: {  	_ =	shalt  }
0x60: {  	_ =	shalt  }
0x61: {  	_ =	shalt  }
0x62: {  	_ =	shalt  }
0x63: {  	_ =	shalt  }
0x64: {  	_ =	shalt  }
0x65: {  	_ =	shalt  }
0x66: {  	_ =	shalt  }
0x67: {  	_ =	shalt  }
0x68: {  	_ =	shalt  }
0x69: {  	_ =	shalt  }
0x6a: {  	_ =	shalt  }
0x6b: {  	_ =	shalt  }
0x6c: {  	_ =	shalt  }
0x6d: {  	_ =	shalt  }
0x6e: {  	_ =	shalt  }
0x6f: {  	_ =	shalt  }
0x70: {  	_ =	shalt  }
0x71: {  	_ =	shalt  }
0x72: {  	_ =	shalt  }
0x73: {  	_ =	shalt  }
0x74: {  	_ =	shalt  }
0x75: {  	_ =	shalt  }
0x76: {  	_ =	shalt  }
0x77: {  	_ =	shalt  }
0x78: {  	_ =	shalt  }
0x79: {  	_ =	shalt  }
0x7a: {  	_ =	shalt  }
0x7b: {  	_ =	shalt  }
0x7c: {  	_ =	shalt  }
0x7d: {  	_ =	shalt  }
0x7e: {  	_ =	shalt  }
0x7f: {  	_ =	shalt  }
0x80: {  	_ =	shalt  }
0x81: {  	_ =	shalt  }
0x82: {  	_ =	shalt  }
0x83: {  	_ =	shalt  }
0x84: {  	_ =	shalt  }
0x85: {  	_ =	shalt  }
0x86: {  	_ =	shalt  }
0x87: {  	_ =	shalt  }
.Lfunc_end0:
.L_simem_size_0:
called_computation.1_lowered:
.L_overlay_start_0:
0x88: {  	s2 =	sld [smem:$0x3FD9]  }
0x89: {  	s3 =	sld [smem:$0x3FFE];
	_ =	sdelay $0x1  }
0x8a: {  	s1 =	srdreg.scid  }
0x8b: {  	s0 =	sand.u32 $0x1, s1  }
0x8c: {  	s14 =	sshll.u32 s0, $0xA;
	s2 =	sadd.s32 s3, s2  }
0x8d: {  	s2 =	sadd.s32 s2, s14  }
0x8e: {  	[smem:$0x3FC1] =	sst s2  }
0x8f: {  	_ = 	snop  }
0x90: {  	s2 =	sld [smem:$0x3FD0];
	_ =	sdelay $0x2  }
0x91: {  	s15 =	simm.s32 $0xA;
	s4 =	simm.s32 $0x10  }
0x92: {  	[smem:s4], [sflag:s15] =	dma.local [hbm:s2], $0x1  }
0x93: {  	_ =	swait.eq [sflag:s15], $0x1  }
0x94: {  	[sflag:s15] =	ssyncset.done $0x0  }
0x95: {  	[sflag:s15] =	ssyncadd.s32 $0xFFFFFFFF  }
0x96: {  	s16 =	sld [smem:$0x11];
	(tm) =	ssettm $0x1  }
0x97: {  	s17 =	sld [smem:$0x3FFB];
	_ =	sdelay $0x3  }
0x98: {  	_ =	strace s17  }
0x99: {  	s3 =	sld [smem:$0x3FFC];
	_ =	sdelay $0x3  }
0x9a: {  	_ =	strace s3  }
0x9b: {  	s3 =	sld [smem:$0x3FFD];
	_ =	sdelay $0x3  }
0x9c: {  	_ =	strace s3  }
0x9d: {  	_ =	strace $0x8FFFFFFF  }
0x9e: {  	s18 =	sld [smem:$0x3FDB];
	_ =	sdelay $0x1  }
0x9f: {  	s19 =	simm.s32 $_scs_section_size  }
0xa0: {  	s5 =	simm.s32 $_size__tile_overlayer_lowered;
	s6 =	simm.s32 $_tile_overlayer_lowered  }
0xa1: {  	s22 =	simm.s32 $0x1BFF;
	s21 =	sshll.u32 s6, $0x1;
	s3 =	sadd.s32 s19, s18  }
0xa2: {  	s7 =	simm.s32 $0x0;
	s20 =	sshll.u32 s5, $0x1;
	s5 =	sadd.s32 s21, s3  }
0xa3: {  	[timem:s7], [sflag:s22] =	dma.local [hbm:s5], s20  }
0xa4: {  	_ =	swait.ge [sflag:s22], s20  }
0xa5: {  	s4 =	ssub.s32 $0x0, s20;
	[sflag:s22] =	ssyncset.done $0x0  }
0xa6: {  	[sflag:s22] =	ssyncadd.s32 s4;
	_ =	sdelay $0x1  }
0xa7: {  	s23 =	simm.s32 $0x1B8B  }
0xa8: {  	_ =	swait.ge [sflag:s23], $0x1  }
0xa9: {  	[sflag:s23] =	ssyncset.done $0x0  }
0xaa: {  	s25 =	simm.s32 $0x1B8E;
	s24 =	sld [smem:$0x3FFE];
	[sflag:s23] =	ssyncadd.s32 $0xFFFFFFFF  }
0xab: {  	s26 =	simm.s32 $execute0_lowered;
	[smem:$0x3FD2] =	sst s25  }
0xac: {  	s5 =	sshll.u32 s26, $0x1;
	_ =	strace $0x80000049;
	[dreg:$0x1] =	wrdreg $0xFFFFFFFF  }
0xad: {  	s28 =	simm.s32 $_size_execute0_lowered;
	s3 =	sadd.s32 s3, s5;
	[dreg:$0x0] =	wrdreg $0x0  }
0xae: {  	s5 =	sshll.u32 s28, $0x1;
	[dreg:$0x2] =	wrdreg s3  }
0xaf: {  	[dreg:$0x3] =	wrdreg s5  }
0xb0: {  	[dreg:$0x4] =	wrdreg $0xC0  }
0xb1: {  	_ =	task [dreg:s7], $0x5FFFF  }
0xb2: {  	[dreg:$0x1] =	wrdreg $0xFFFFFFFF  }
0xb3: {  	[dreg:$0x0] =	wrdreg $0x60  }
0xb4: {  	[dreg:$0x2] =	wrdreg s24  }
0xb5: {  	[dreg:$0x3] =	wrdreg s16  }
0xb6: {  	[dreg:$0x4] =	wrdreg $0x70000  }
0xb7: {  	[dreg:$0x5] =	wrdreg $0x9  }
0xb8: {  	_ =	task.clear_ibuf [dreg:s7], $0x6FFFF;
	_ =	strace $0x90000049  }
0xb9: {  	s29 =	simm.s32 $0x9;
	_ =	strace $0x8000004B  }
0xba: {  	_ =	swait.ge [sflag:s29], $0x1  }
0xbb: {  	[sflag:s29] =	ssyncadd.s32 $0xFFFFFFFF  }
0xbc: {  	_ =	strace $0x9000004B  }
0xbd: {  	_ =	sfence  }
0xbe: {  	s30 =	sld [smem:$0x0];
	_ =	sdelay $0x2  }
0xbf: {  	s31 =	sshll.u32 s1, $0xD;
	s1 =	sshrl.u32 s1, $0x2  }
0xc0: {  	s3 =	sand.u32 $0x4000, s31;
	s1 =	sadd.s32 s1, s30  }
0xc1: {  	s0 =	sor.u32 s3, s0;
	s1 =	sshll.u32 s1, $0x11  }
0xc2: {  	s0 =	sor.u32 s1, s0  }
0xc3: {  	s0 =	sadd.s32 $0x8F2B, s0  }
0xc4: {  	[sflag:s0] =	ssyncadd.remote.s32 $0x1  }
0xc5: {  	_ =	sfence.sel $0xFFFF  }
0xc6: {  	[dreg:$0x0] =	wrdreg $0xFFFFFFFF;
	(pc) =	sbr.abs _section_cstart, $3  }
0xc7: {  	[dreg:$0x1] =	wrdreg $0xFFFFFFFF  }
0xc8: {  	_ =	task.clear_ibuf [dreg:s7], $0x2FFFF;
	_ =	strace $0x9FFFFFFF  }
0xc9: {  	(tm) =	ssettm $0x7FFFFFFF  }
tec
execute0_lowered:
.L_overlay_start_1:
0x0: {  	(tag) =	ssettag $0x1  }
0x1: {  	s0 =	rddreg [dreg:$0x0]  }
0x2: {  	s1 =	rddreg [dreg:$0x1];
	s10 =	stileid.u32  }
0x3: {  	s3 =	srdreg.scid;
	s2 =	rddreg [dreg:$0x2]  }
0x4: {  	s28 =	simm.s32 $0x1;
	s30 =	simm.s32 $0x5000;
	s4 =	smul.u32 $0x1900, s10  }
0x5: {  	s5 =	sand.u32 $0x1, s3;
	s3 =	simm.s32 $0x0;
	s7 =	smul.u32 $0x62000, s10  }
0x6: {  	s31 =	simm.s32 $0x2;
	s8 =	smul.u32 $0x18800, s10;
	[smem:$0x7FF] =	sst s3  }
0x7: {  	s6 =	smul.u32 $0x31000, s5;
	s5 =	ssub.s32 $0x2, s5;
	_ =	strace $0x8000004A  }
0x8: {  	s12 =	sshrl.u32 s5, $0x1;
	s8 =	sadd.s32 $0x18000, s8;
	s1 =	sadd.s32 s4, s1  }
0x9: {  	s7 =	sshrl.u32 s7, $0x2;
	s13 =	sadd.s32 s8, s2;
	[dreg:$0x4] =	wrdreg s1  }
0xa: {  	s5 =	ssub.s32 s5, s12;
	s29 =	sadd.s32 s7, s2;
	[dreg:$0x6] =	wrdreg s13  }
0xb: {  	s11 =	simm.s32 $0x400;
	s5 =	smax.u32 s5, $0x1;
	[dreg:$0x5] =	wrdreg s29  }
0xc: {  	s26 =	smul.u32 $0x3100, s10;
	s15 =	sadd.s32 $0x2000, s29;
	[dreg:$0x7] =	wrdreg s5  }
0xd: {  	s10 =	simm.s32 $0xA00;
	s16 =	sadd.s32 $0x4000, s29;
	[dreg:$0x8] =	wrdreg s15  }
0xe: {  	s9 =	sadd.s32 s4, s0;
	s17 =	sadd.s32 $0x6000, s29;
	[dreg:$0x9] =	wrdreg s16  }
0xf: {  	s4 =	simm.s32 $0x0;
	s18 =	sadd.s32 $0x8000, s29;
	[dreg:$0xa] =	wrdreg s17  }
0x10: {  	s0 =	sadd.s32 s6, s0;
	s19 =	sadd.s32 $0xA000, s29;
	[dreg:$0xb] =	wrdreg s18  }
0x11: {  	s14 =	sshrl.u32 s8, $0x3;
	s20 =	sadd.s32 $0xC000, s29;
	[dreg:$0xc] =	wrdreg s19  }
0x12: {  	s7 =	simm.s32 $0x900;
	s21 =	sadd.s32 $0xE000, s29;
	[dreg:$0xd] =	wrdreg s20  }
0x13: {  	s8 =	simm.s32 $0x300;
	s22 =	sadd.s32 $0x10000, s29;
	[dreg:$0xe] =	wrdreg s21  }
0x14: {  	s12 =	simm.s32 $0xB00;
	s23 =	sadd.s32 $0x12000, s29;
	[dreg:$0xf] =	wrdreg s22  }
0x15: {  	s6 =	sadd.s32 $0x1E600, s0;
	s24 =	sadd.s32 $0x14000, s29;
	[dreg:$0x10] =	wrdreg s23  }
0x16: {  	s0 =	sadd.s32 $0x80600, s0;
	s25 =	sadd.s32 $0x16000, s29;
	[dreg:$0x11] =	wrdreg s24  }
0x17: {  	s13 =	simm.s32 $0x500;
	[dreg:$0x12] =	wrdreg s25;
	s19 =	sadd.s32 $0x5600, s9  }
0x18: {  	s20 =	simm.s32 $0x1000;
	s21 =	simm.s32 $0x5;
	s22 =	simm.s32 $0x800  }
0x19: {  	s23 =	sadd.s32 s0, s26;
	s0 =	sadd.s32 s14, s0;
	s25 =	simm.s32 $0x100  }
0x1a: {  	s26 =	simm.s32 $0x3000;
	s9 =	simm.s32 $0x4;
	s14 =	simm.s32 $0xC00  }
0x1b: {  	s15 =	simm.s32 $0x600;
	s16 =	simm.s32 $0xD00;
	s17 =	simm.s32 $0x700  }
0x1c: {  	v0 =	vimm.f32 $0.0e+00;
	s18 =	simm.s32 $0xE00;
	[dreg:$0x13] =	wrdreg s0;
	s0 =	simm.s32 $0x3  }
.LBB2_1:
0x1d: {  	[dreg:$0x14] =	wrdreg s4;
	s4 =	simm.s32 $0x80;
	s5 =	simm.s32 $0x0  }
.LBB2_2:
0x1e: {  	p0 =	sne.s32 s4, $0x7F80;
	[tilespmem:s5+$0x1000] =	vst v0;
	s24 =	smov.u32 s4;
	s4 =	sadd.s32 $0x80, s4  }
.Ltmp0:
0x1f: {  	[tilespmem:s5+$0x1010] =	vst v0;
	(pc) =	sbr.rel @p0 .LBB2_2-.Ltmp0, $2  }
0x20: {  	_ =	sdelay $0x2  }
0x21: {  	s5 =	sshra.s32 s24, $0x2  }
0x22: {  	[tilespmem:s5+$0x1000] =	vst v0  }
0x23: {  	[tilespmem:s5+$0x1010] =	vst v0  }
0x24: {  	[spmem:s29] =	stream.linear.scatter [tilespmem:s20], [sflag:$0x5], $0x2000, $0x38;
	[tilespmem:$0x1F800] =	vst v63  }
0x25: {  	_ =	swait.ge [sflag:s21], $0x2000  }
0x26: {  	[sflag:s21] =	ssyncset.done $0x0  }
0x27: {  	s1 =	rddreg [dreg:$0x8];
	[sflag:s21] =	ssyncadd.s32 $0xFFFFE000  }
0x28: {  	[spmem:s1] =	stream.linear.scatter [tilespmem:s20], [sflag:$0x5], $0x2000, $0x38;
	[tilespmem:$0x1F800] =	vst v63  }
0x29: {  	_ =	swait.ge [sflag:s21], $0x2000  }
0x2a: {  	[sflag:s21] =	ssyncset.done $0x0  }
0x2b: {  	s24 =	rddreg [dreg:$0x9];
	[sflag:s21] =	ssyncadd.s32 $0xFFFFE000  }
0x2c: {  	[spmem:s24] =	stream.linear.scatter [tilespmem:s20], [sflag:$0x5], $0x2000, $0x38;
	[tilespmem:$0x1F800] =	vst v63  }
0x2d: {  	_ =	swait.ge [sflag:s21], $0x2000  }
0x2e: {  	[sflag:s21] =	ssyncset.done $0x0  }
0x2f: {  	s29 =	rddreg [dreg:$0xa];
	[sflag:s21] =	ssyncadd.s32 $0xFFFFE000  }
0x30: {  	[spmem:s29] =	stream.linear.scatter [tilespmem:s20], [sflag:$0x5], $0x2000, $0x38;
	[tilespmem:$0x1F800] =	vst v63  }
0x31: {  	_ =	swait.ge [sflag:s21], $0x2000  }
0x32: {  	[sflag:s21] =	ssyncset.done $0x0  }
0x33: {  	s4 =	rddreg [dreg:$0xb];
	[sflag:s21] =	ssyncadd.s32 $0xFFFFE000  }
0x34: {  	[spmem:s4] =	stream.linear.scatter [tilespmem:s20], [sflag:$0x5], $0x2000, $0x38;
	[tilespmem:$0x1F800] =	vst v63  }
0x35: {  	_ =	swait.ge [sflag:s21], $0x2000  }
0x36: {  	[sflag:s21] =	ssyncset.done $0x0  }
0x37: {  	s5 =	rddreg [dreg:$0xc];
	[sflag:s21] =	ssyncadd.s32 $0xFFFFE000  }
0x38: {  	[spmem:s5] =	stream.linear.scatter [tilespmem:s20], [sflag:$0x5], $0x2000, $0x38;
	[tilespmem:$0x1F800] =	vst v63  }
0x39: {  	_ =	swait.ge [sflag:s21], $0x2000  }
0x3a: {  	[sflag:s21] =	ssyncset.done $0x0  }
0x3b: {  	s24 =	rddreg [dreg:$0xd];
	[sflag:s21] =	ssyncadd.s32 $0xFFFFE000  }
0x3c: {  	[spmem:s24] =	stream.linear.scatter [tilespmem:s20], [sflag:$0x5], $0x2000, $0x38;
	[tilespmem:$0x1F800] =	vst v63  }
0x3d: {  	_ =	swait.ge [sflag:s21], $0x2000  }
0x3e: {  	[sflag:s21] =	ssyncset.done $0x0  }
0x3f: {  	s29 =	rddreg [dreg:$0xe];
	[sflag:s21] =	ssyncadd.s32 $0xFFFFE000  }
0x40: {  	[spmem:s29] =	stream.linear.scatter [tilespmem:s20], [sflag:$0x5], $0x2000, $0x38;
	[tilespmem:$0x1F800] =	vst v63  }
0x41: {  	_ =	swait.ge [sflag:s21], $0x2000  }
0x42: {  	[sflag:s21] =	ssyncset.done $0x0  }
0x43: {  	s4 =	rddreg [dreg:$0xf];
	[sflag:s21] =	ssyncadd.s32 $0xFFFFE000  }
0x44: {  	[spmem:s4] =	stream.linear.scatter [tilespmem:s20], [sflag:$0x5], $0x2000, $0x38;
	[tilespmem:$0x1F800] =	vst v63  }
0x45: {  	_ =	swait.ge [sflag:s21], $0x2000  }
0x46: {  	[sflag:s21] =	ssyncset.done $0x0  }
0x47: {  	s5 =	rddreg [dreg:$0x10];
	[sflag:s21] =	ssyncadd.s32 $0xFFFFE000  }
0x48: {  	[spmem:s5] =	stream.linear.scatter [tilespmem:s20], [sflag:$0x5], $0x2000, $0x38;
	[tilespmem:$0x1F800] =	vst v63  }
0x49: {  	_ =	swait.ge [sflag:s21], $0x2000  }
0x4a: {  	[sflag:s21] =	ssyncset.done $0x0  }
0x4b: {  	s24 =	rddreg [dreg:$0x11];
	[sflag:s21] =	ssyncadd.s32 $0xFFFFE000  }
0x4c: {  	[spmem:s24] =	stream.linear.scatter [tilespmem:s20], [sflag:$0x5], $0x2000, $0x38;
	[tilespmem:$0x1F800] =	vst v63  }
0x4d: {  	_ =	swait.ge [sflag:s21], $0x2000  }
0x4e: {  	[sflag:s21] =	ssyncset.done $0x0  }
0x4f: {  	s29 =	rddreg [dreg:$0x12];
	[sflag:s21] =	ssyncadd.s32 $0xFFFFE000  }
0x50: {  	[spmem:s29] =	stream.linear.scatter [tilespmem:s20], [sflag:$0x5], $0x2000, $0x38;
	[tilespmem:$0x1F800] =	vst v63  }
0x51: {  	_ =	swait.ge [sflag:s21], $0x2000  }
0x52: {  	[sflag:s21] =	ssyncset.done $0x0  }
0x53: {  	s4 =	rddreg [dreg:$0x6];
	[sflag:s21] =	ssyncadd.s32 $0xFFFFE000  }
0x54: {  	[spmem:s4] =	stream.linear.scatter [tilespmem:s20], [sflag:$0x5], $0x800, $0x38;
	[tilespmem:$0x1F800] =	vst v63  }
0x55: {  	_ =	swait.ge [sflag:s21], $0x800  }
0x56: {  	[sflag:s21] =	ssyncset.done $0x0  }
0x57: {  	[sflag:s21] =	ssyncadd.s32 $0xFFFFF800  }
0x58: {  	s4 =	sadd.s32 $0x0, s19;
	[bflag:$0x0] =	sbarrier.arrive $0xFFFF  }
0x59: {  	[tilespmem:s3], [sflag:$0x5] =	stream.linear.gather [hbm4b:s4+s3], $0x800, $0x38;
	[tilespmem:$0x1F800] =	vst v63  }
0x5a: {  	_ =	swait.ge [sflag:s21], $0x800  }
0x5b: {  	s5 =	rddreg [dreg:$0x4];
	[sflag:s21] =	ssyncset.done $0x0  }
0x5c: {  	[sflag:s21] =	ssyncadd.s32 $0xFFFFF800;
	s4 =	sadd.s32 $0x0, s5  }
0x5d: {  	[tilespmem:s22], [sflag:$0x5] =	stream.linear.gather [hbm4b:s4+s3], $0x800, $0x38;
	[tilespmem:$0x1F800] =	vst v63  }
0x5e: {  	_ =	swait.ge [sflag:s21], $0x800  }
0x5f: {  	[sflag:s21] =	ssyncset.done $0x0  }
0x60: {  	[sflag:s21] =	ssyncadd.s32 $0xFFFFF800  }
0x61: {  	[tilespmem:s20], [sflag:$0x1] =	stream.indirect.gather [hbm4b:s6+s25], $0x20, s3, s25, $0xb8;
	[tilespmem:$0x1F800] =	vst v63  }
0x62: {  	_ = 	snop  }
0x63: {  	[tilespmem:s26], [sflag:$0x2] =	stream.indirect.gather [hbm4b:s6+s25], $0x20, s25, s25, $0xb8;
	[tilespmem:$0x1F800] =	vst v63  }
0x64: {  	_ =	swait.ge [sflag:s28], $0x2000  }
0x65: {  	[sflag:s28] =	ssyncset.done $0x0  }
0x66: {  	[sflag:s28] =	ssyncadd.s32 $0xFFFFE000  }
0x67: {  	[spmem:s2] =	stream.indirect.scatter.add.f32 [tilespmem:s20], [sflag:$0x3], $0x20, s22, s25, $0xb8;
	[tilespmem:$0x1F800] =	vst v63  }
0x68: {  	s24 =	simm.s32 $0x200  }
0x69: {  	[tilespmem:s30], [sflag:$0x1] =	stream.indirect.gather [hbm4b:s6+s25], $0x20, s24, s25, $0xb8;
	[tilespmem:$0x1F800] =	vst v63  }
0x6a: {  	_ =	swait.ge [sflag:s31], $0x2000  }
0x6b: {  	[sflag:s31] =	ssyncset.done $0x0  }
0x6c: {  	[sflag:s31] =	ssyncadd.s32 $0xFFFFE000  }
0x6d: {  	[spmem:s2] =	stream.indirect.scatter.add.f32 [tilespmem:s26], [sflag:$0x4], $0x20, s7, s25, $0xb8;
	[tilespmem:$0x1F800] =	vst v63  }
0x6e: {  	_ =	swait.ge [sflag:s0], $0x2000  }
0x6f: {  	[sflag:s0] =	ssyncset.done $0x0  }
0x70: {  	[sflag:s0] =	ssyncadd.s32 $0xFFFFE000  }
0x71: {  	[tilespmem:s20], [sflag:$0x2] =	stream.indirect.gather [hbm4b:s6+s25], $0x20, s8, s25, $0xb8;
	[tilespmem:$0x1F800] =	vst v63  }
0x72: {  	_ =	swait.ge [sflag:s28], $0x2000  }
0x73: {  	[sflag:s28] =	ssyncset.done $0x0  }
0x74: {  	[sflag:s28] =	ssyncadd.s32 $0xFFFFE000  }
0x75: {  	[spmem:s2] =	stream.indirect.scatter.add.f32 [tilespmem:s30], [sflag:$0x3], $0x20, s10, s25, $0xb8;
	[tilespmem:$0x1F800] =	vst v63  }
0x76: {  	_ =	swait.ge [sflag:s9], $0x2000  }
0x77: {  	[sflag:s9] =	ssyncset.done $0x0  }
0x78: {  	[sflag:s9] =	ssyncadd.s32 $0xFFFFE000  }
0x79: {  	[tilespmem:s26], [sflag:$0x1] =	stream.indirect.gather [hbm4b:s6+s25], $0x20, s11, s25, $0xb8;
	[tilespmem:$0x1F800] =	vst v63  }
0x7a: {  	_ =	swait.ge [sflag:s31], $0x2000  }
0x7b: {  	[sflag:s31] =	ssyncset.done $0x0  }
0x7c: {  	[sflag:s31] =	ssyncadd.s32 $0xFFFFE000  }
0x7d: {  	[spmem:s2] =	stream.indirect.scatter.add.f32 [tilespmem:s20], [sflag:$0x4], $0x20, s12, s25, $0xb8;
	[tilespmem:$0x1F800] =	vst v63  }
0x7e: {  	_ =	swait.ge [sflag:s0], $0x2000  }
0x7f: {  	[sflag:s0] =	ssyncset.done $0x0  }
0x80: {  	[sflag:s0] =	ssyncadd.s32 $0xFFFFE000  }
0x81: {  	[tilespmem:s30], [sflag:$0x2] =	stream.indirect.gather [hbm4b:s6+s25], $0x20, s13, s25, $0xb8;
	[tilespmem:$0x1F800] =	vst v63  }
0x82: {  	_ =	swait.ge [sflag:s28], $0x2000  }
0x83: {  	[sflag:s28] =	ssyncset.done $0x0  }
0x84: {  	[sflag:s28] =	ssyncadd.s32 $0xFFFFE000  }
0x85: {  	[spmem:s2] =	stream.indirect.scatter.add.f32 [tilespmem:s26], [sflag:$0x3], $0x20, s14, s25, $0xb8;
	[tilespmem:$0x1F800] =	vst v63  }
0x86: {  	_ =	swait.ge [sflag:s9], $0x2000  }
0x87: {  	[sflag:s9] =	ssyncset.done $0x0  }
0x88: {  	[sflag:s9] =	ssyncadd.s32 $0xFFFFE000  }
0x89: {  	[tilespmem:s20], [sflag:$0x1] =	stream.indirect.gather [hbm4b:s6+s25], $0x20, s15, s25, $0xb8;
	[tilespmem:$0x1F800] =	vst v63  }
0x8a: {  	_ =	swait.ge [sflag:s31], $0x2000  }
0x8b: {  	[sflag:s31] =	ssyncset.done $0x0  }
0x8c: {  	[sflag:s31] =	ssyncadd.s32 $0xFFFFE000  }
0x8d: {  	[spmem:s2] =	stream.indirect.scatter.add.f32 [tilespmem:s30], [sflag:$0x4], $0x20, s16, s25, $0xb8;
	[tilespmem:$0x1F800] =	vst v63  }
0x8e: {  	_ =	swait.ge [sflag:s0], $0x2000  }
0x8f: {  	[sflag:s0] =	ssyncset.done $0x0  }
0x90: {  	[sflag:s0] =	ssyncadd.s32 $0xFFFFE000  }
0x91: {  	[tilespmem:s26], [sflag:$0x2] =	stream.indirect.gather [hbm4b:s6+s25], $0x20, s17, s25, $0xb8;
	[tilespmem:$0x1F800] =	vst v63  }
0x92: {  	_ =	swait.ge [sflag:s28], $0x2000  }
0x93: {  	[sflag:s28] =	ssyncset.done $0x0  }
0x94: {  	[sflag:s28] =	ssyncadd.s32 $0xFFFFE000  }
0x95: {  	[spmem:s2] =	stream.indirect.scatter.add.f32 [tilespmem:s20], [sflag:$0x3], $0x20, s18, s25, $0xb8;
	[tilespmem:$0x1F800] =	vst v63  }
0x96: {  	_ =	swait.ge [sflag:s9], $0x2000  }
0x97: {  	[sflag:s9] =	ssyncset.done $0x0  }
0x98: {  	[sflag:s9] =	ssyncadd.s32 $0xFFFFE000  }
0x99: {  	_ =	swait.ge [sflag:s31], $0x2000  }
0x9a: {  	[sflag:s31] =	ssyncset.done $0x0  }
0x9b: {  	s29 =	simm.s32 $0xF00;
	[sflag:s31] =	ssyncadd.s32 $0xFFFFE000  }
0x9c: {  	[spmem:s2] =	stream.indirect.scatter.add.f32 [tilespmem:s26], [sflag:$0x4], $0x20, s29, s25, $0xb8;
	[tilespmem:$0x1F800] =	vst v63  }
0x9d: {  	_ =	swait.ge [sflag:s0], $0x2000  }
0x9e: {  	[sflag:s0] =	ssyncset.done $0x0  }
0x9f: {  	[sflag:s0] =	ssyncadd.s32 $0xFFFFE000  }
0xa0: {  	_ =	swait.ge [sflag:s9], $0x2000  }
0xa1: {  	s5 =	simm.s32 $0x100;
	s4 =	simm.s32 $0x200;
	[sflag:s9] =	ssyncset.done $0x0  }
.LBB2_4:
0xa2: {  	s29 =	sadd.s32 s5, s19;
	[sflag:s9] =	ssyncadd.s32 $0xFFFFE000  }
0xa3: {  	[tilespmem:s3], [sflag:$0x5] =	stream.linear.gather [hbm4b:s29+s3], $0x800, $0x38;
	[tilespmem:$0x1F800] =	vst v63  }
0xa4: {  	s1 =	smov.u32 s4;
	s24 =	sadd.s32 $0x100, s4;
	_ =	swait.ge [sflag:s21], $0x800  }
0xa5: {  	p0 =	sne.s32 s4, $0x1800;
	s4 =	rddreg [dreg:$0x4];
	[sflag:s21] =	ssyncset.done $0x0  }
0xa6: {  	[sflag:s21] =	ssyncadd.s32 $0xFFFFF800;
	s4 =	sadd.s32 s5, s4  }
0xa7: {  	[tilespmem:s22], [sflag:$0x5] =	stream.linear.gather [hbm4b:s4+s3], $0x800, $0x38;
	[tilespmem:$0x1F800] =	vst v63  }
0xa8: {  	_ =	swait.ge [sflag:s21], $0x800  }
0xa9: {  	[sflag:s21] =	ssyncset.done $0x0  }
0xaa: {  	[sflag:s21] =	ssyncadd.s32 $0xFFFFF800  }
0xab: {  	[tilespmem:s20], [sflag:$0x1] =	stream.indirect.gather [hbm4b:s6+s25], $0x20, s3, s25, $0xb8;
	[tilespmem:$0x1F800] =	vst v63  }
0xac: {  	_ = 	snop  }
0xad: {  	[tilespmem:s26], [sflag:$0x2] =	stream.indirect.gather [hbm4b:s6+s25], $0x20, s25, s25, $0xb8;
	[tilespmem:$0x1F800] =	vst v63  }
0xae: {  	_ =	swait.ge [sflag:s28], $0x2000  }
0xaf: {  	[sflag:s28] =	ssyncset.done $0x0  }
0xb0: {  	[sflag:s28] =	ssyncadd.s32 $0xFFFFE000  }
0xb1: {  	[spmem:s2] =	stream.indirect.scatter.add.f32 [tilespmem:s20], [sflag:$0x3], $0x20, s22, s25, $0xb8;
	[tilespmem:$0x1F800] =	vst v63  }
0xb2: {  	s29 =	simm.s32 $0x200  }
0xb3: {  	[tilespmem:s30], [sflag:$0x1] =	stream.indirect.gather [hbm4b:s6+s25], $0x20, s29, s25, $0xb8;
	[tilespmem:$0x1F800] =	vst v63  }
0xb4: {  	_ =	swait.ge [sflag:s31], $0x2000  }
0xb5: {  	[sflag:s31] =	ssyncset.done $0x0  }
0xb6: {  	[sflag:s31] =	ssyncadd.s32 $0xFFFFE000  }
0xb7: {  	[spmem:s2] =	stream.indirect.scatter.add.f32 [tilespmem:s26], [sflag:$0x4], $0x20, s7, s25, $0xb8;
	[tilespmem:$0x1F800] =	vst v63  }
0xb8: {  	_ =	swait.ge [sflag:s0], $0x2000  }
0xb9: {  	[sflag:s0] =	ssyncset.done $0x0  }
0xba: {  	[sflag:s0] =	ssyncadd.s32 $0xFFFFE000  }
0xbb: {  	[tilespmem:s20], [sflag:$0x2] =	stream.indirect.gather [hbm4b:s6+s25], $0x20, s8, s25, $0xb8;
	[tilespmem:$0x1F800] =	vst v63  }
0xbc: {  	_ =	swait.ge [sflag:s28], $0x2000  }
0xbd: {  	[sflag:s28] =	ssyncset.done $0x0  }
0xbe: {  	[sflag:s28] =	ssyncadd.s32 $0xFFFFE000  }
0xbf: {  	[spmem:s2] =	stream.indirect.scatter.add.f32 [tilespmem:s30], [sflag:$0x3], $0x20, s10, s25, $0xb8;
	[tilespmem:$0x1F800] =	vst v63  }
0xc0: {  	_ =	swait.ge [sflag:s9], $0x2000  }
0xc1: {  	[sflag:s9] =	ssyncset.done $0x0  }
0xc2: {  	[sflag:s9] =	ssyncadd.s32 $0xFFFFE000  }
0xc3: {  	[tilespmem:s26], [sflag:$0x1] =	stream.indirect.gather [hbm4b:s6+s25], $0x20, s11, s25, $0xb8;
	[tilespmem:$0x1F800] =	vst v63  }
0xc4: {  	_ =	swait.ge [sflag:s31], $0x2000  }
0xc5: {  	[sflag:s31] =	ssyncset.done $0x0  }
0xc6: {  	[sflag:s31] =	ssyncadd.s32 $0xFFFFE000  }
0xc7: {  	[spmem:s2] =	stream.indirect.scatter.add.f32 [tilespmem:s20], [sflag:$0x4], $0x20, s12, s25, $0xb8;
	[tilespmem:$0x1F800] =	vst v63  }
0xc8: {  	_ =	swait.ge [sflag:s0], $0x2000  }
0xc9: {  	[sflag:s0] =	ssyncset.done $0x0  }
0xca: {  	[sflag:s0] =	ssyncadd.s32 $0xFFFFE000  }
0xcb: {  	[tilespmem:s30], [sflag:$0x2] =	stream.indirect.gather [hbm4b:s6+s25], $0x20, s13, s25, $0xb8;
	[tilespmem:$0x1F800] =	vst v63  }
0xcc: {  	_ =	swait.ge [sflag:s28], $0x2000  }
0xcd: {  	[sflag:s28] =	ssyncset.done $0x0  }
0xce: {  	[sflag:s28] =	ssyncadd.s32 $0xFFFFE000  }
0xcf: {  	[spmem:s2] =	stream.indirect.scatter.add.f32 [tilespmem:s26], [sflag:$0x3], $0x20, s14, s25, $0xb8;
	[tilespmem:$0x1F800] =	vst v63  }
0xd0: {  	_ =	swait.ge [sflag:s9], $0x2000  }
0xd1: {  	[sflag:s9] =	ssyncset.done $0x0  }
0xd2: {  	[sflag:s9] =	ssyncadd.s32 $0xFFFFE000  }
0xd3: {  	[tilespmem:s20], [sflag:$0x1] =	stream.indirect.gather [hbm4b:s6+s25], $0x20, s15, s25, $0xb8;
	[tilespmem:$0x1F800] =	vst v63  }
0xd4: {  	_ =	swait.ge [sflag:s31], $0x2000  }
0xd5: {  	[sflag:s31] =	ssyncset.done $0x0  }
0xd6: {  	[sflag:s31] =	ssyncadd.s32 $0xFFFFE000  }
0xd7: {  	[spmem:s2] =	stream.indirect.scatter.add.f32 [tilespmem:s30], [sflag:$0x4], $0x20, s16, s25, $0xb8;
	[tilespmem:$0x1F800] =	vst v63  }
0xd8: {  	_ =	swait.ge [sflag:s0], $0x2000  }
0xd9: {  	[sflag:s0] =	ssyncset.done $0x0  }
0xda: {  	[sflag:s0] =	ssyncadd.s32 $0xFFFFE000  }
0xdb: {  	[tilespmem:s26], [sflag:$0x2] =	stream.indirect.gather [hbm4b:s6+s25], $0x20, s17, s25, $0xb8;
	[tilespmem:$0x1F800] =	vst v63  }
0xdc: {  	_ =	swait.ge [sflag:s28], $0x2000  }
0xdd: {  	[sflag:s28] =	ssyncset.done $0x0  }
0xde: {  	[sflag:s28] =	ssyncadd.s32 $0xFFFFE000  }
0xdf: {  	[spmem:s2] =	stream.indirect.scatter.add.f32 [tilespmem:s20], [sflag:$0x3], $0x20, s18, s25, $0xb8;
	[tilespmem:$0x1F800] =	vst v63  }
0xe0: {  	_ =	swait.ge [sflag:s9], $0x2000  }
0xe1: {  	[sflag:s9] =	ssyncset.done $0x0  }
0xe2: {  	[sflag:s9] =	ssyncadd.s32 $0xFFFFE000  }
0xe3: {  	_ =	swait.ge [sflag:s31], $0x2000  }
0xe4: {  	[sflag:s31] =	ssyncset.done $0x0  }
0xe5: {  	s4 =	simm.s32 $0xF00;
	[sflag:s31] =	ssyncadd.s32 $0xFFFFE000  }
0xe6: {  	[spmem:s2] =	stream.indirect.scatter.add.f32 [tilespmem:s26], [sflag:$0x4], $0x20, s4, s25, $0xb8;
	[tilespmem:$0x1F800] =	vst v63  }
.Ltmp1:
0xe7: {  	_ =	swait.ge [sflag:s0], $0x2000;
	(pc) =	sbr.rel @p0 .LBB2_4-.Ltmp1, $4  }
0xe8: {  	[sflag:s0] =	ssyncset.done $0x0  }
0xe9: {  	[sflag:s0] =	ssyncadd.s32 $0xFFFFE000  }
0xea: {  	_ =	swait.ge [sflag:s9], $0x2000  }
0xeb: {  	s5 =	smov.u32 s1;
	s4 =	smov.u32 s24;
	[sflag:s9] =	ssyncset.done $0x0  }
0xec: {  	s1 =	sadd.s32 s5, s19;
	[sflag:s9] =	ssyncadd.s32 $0xFFFFE000  }
0xed: {  	[tilespmem:s3], [sflag:$0x5] =	stream.linear.gather [hbm4b:s1+s3], $0x800, $0x38;
	[tilespmem:$0x1F800] =	vst v63  }
0xee: {  	_ =	swait.ge [sflag:s21], $0x800  }
0xef: {  	s4 =	rddreg [dreg:$0x4];
	[sflag:s21] =	ssyncset.done $0x0  }
0xf0: {  	[sflag:s21] =	ssyncadd.s32 $0xFFFFF800;
	s1 =	sadd.s32 s5, s4  }
0xf1: {  	[tilespmem:s22], [sflag:$0x5] =	stream.linear.gather [hbm4b:s1+s3], $0x800, $0x38;
	[tilespmem:$0x1F800] =	vst v63  }
0xf2: {  	_ =	swait.ge [sflag:s21], $0x800  }
0xf3: {  	[sflag:s21] =	ssyncset.done $0x0  }
0xf4: {  	[sflag:s21] =	ssyncadd.s32 $0xFFFFF800  }
0xf5: {  	[tilespmem:s20], [sflag:$0x1] =	stream.indirect.gather [hbm4b:s6+s25], $0x20, s3, s25, $0xb8;
	[tilespmem:$0x1F800] =	vst v63  }
0xf6: {  	_ = 	snop  }
0xf7: {  	[tilespmem:s26], [sflag:$0x2] =	stream.indirect.gather [hbm4b:s6+s25], $0x20, s25, s25, $0xb8;
	[tilespmem:$0x1F800] =	vst v63  }
0xf8: {  	_ =	swait.ge [sflag:s28], $0x2000  }
0xf9: {  	[sflag:s28] =	ssyncset.done $0x0  }
0xfa: {  	[sflag:s28] =	ssyncadd.s32 $0xFFFFE000  }
0xfb: {  	[spmem:s2] =	stream.indirect.scatter.add.f32 [tilespmem:s20], [sflag:$0x3], $0x20, s22, s25, $0xb8;
	[tilespmem:$0x1F800] =	vst v63  }
0xfc: {  	_ = 	snop  }
0xfd: {  	[tilespmem:s30], [sflag:$0x1] =	stream.indirect.gather [hbm4b:s6+s25], $0x20, s29, s25, $0xb8;
	[tilespmem:$0x1F800] =	vst v63  }
0xfe: {  	_ =	swait.ge [sflag:s31], $0x2000  }
0xff: {  	[sflag:s31] =	ssyncset.done $0x0  }
0x100: {  	[sflag:s31] =	ssyncadd.s32 $0xFFFFE000  }
0x101: {  	[spmem:s2] =	stream.indirect.scatter.add.f32 [tilespmem:s26], [sflag:$0x4], $0x20, s7, s25, $0xb8;
	[tilespmem:$0x1F800] =	vst v63  }
0x102: {  	_ =	swait.ge [sflag:s0], $0x2000  }
0x103: {  	[sflag:s0] =	ssyncset.done $0x0  }
0x104: {  	[sflag:s0] =	ssyncadd.s32 $0xFFFFE000  }
0x105: {  	[tilespmem:s20], [sflag:$0x2] =	stream.indirect.gather [hbm4b:s6+s25], $0x20, s8, s25, $0xb8;
	[tilespmem:$0x1F800] =	vst v63  }
0x106: {  	_ =	swait.ge [sflag:s28], $0x2000  }
0x107: {  	[sflag:s28] =	ssyncset.done $0x0  }
0x108: {  	[sflag:s28] =	ssyncadd.s32 $0xFFFFE000  }
0x109: {  	[spmem:s2] =	stream.indirect.scatter.add.f32 [tilespmem:s30], [sflag:$0x3], $0x20, s10, s25, $0xb8;
	[tilespmem:$0x1F800] =	vst v63  }
0x10a: {  	_ =	swait.ge [sflag:s9], $0x2000  }
0x10b: {  	[sflag:s9] =	ssyncset.done $0x0  }
0x10c: {  	[sflag:s9] =	ssyncadd.s32 $0xFFFFE000  }
0x10d: {  	[tilespmem:s26], [sflag:$0x1] =	stream.indirect.gather [hbm4b:s6+s25], $0x20, s11, s25, $0xb8;
	[tilespmem:$0x1F800] =	vst v63  }
0x10e: {  	_ =	swait.ge [sflag:s31], $0x2000  }
0x10f: {  	[sflag:s31] =	ssyncset.done $0x0  }
0x110: {  	[sflag:s31] =	ssyncadd.s32 $0xFFFFE000  }
0x111: {  	[spmem:s2] =	stream.indirect.scatter.add.f32 [tilespmem:s20], [sflag:$0x4], $0x20, s12, s25, $0xb8;
	[tilespmem:$0x1F800] =	vst v63  }
0x112: {  	_ =	swait.ge [sflag:s0], $0x2000  }
0x113: {  	[sflag:s0] =	ssyncset.done $0x0  }
0x114: {  	[sflag:s0] =	ssyncadd.s32 $0xFFFFE000  }
0x115: {  	[tilespmem:s30], [sflag:$0x2] =	stream.indirect.gather [hbm4b:s6+s25], $0x20, s13, s25, $0xb8;
	[tilespmem:$0x1F800] =	vst v63  }
0x116: {  	_ =	swait.ge [sflag:s28], $0x2000  }
0x117: {  	[sflag:s28] =	ssyncset.done $0x0  }
0x118: {  	[sflag:s28] =	ssyncadd.s32 $0xFFFFE000  }
0x119: {  	[spmem:s2] =	stream.indirect.scatter.add.f32 [tilespmem:s26], [sflag:$0x3], $0x20, s14, s25, $0xb8;
	[tilespmem:$0x1F800] =	vst v63  }
0x11a: {  	_ =	swait.ge [sflag:s9], $0x2000  }
0x11b: {  	[sflag:s9] =	ssyncset.done $0x0  }
0x11c: {  	[sflag:s9] =	ssyncadd.s32 $0xFFFFE000  }
0x11d: {  	[tilespmem:s20], [sflag:$0x1] =	stream.indirect.gather [hbm4b:s6+s25], $0x20, s15, s25, $0xb8;
	[tilespmem:$0x1F800] =	vst v63  }
0x11e: {  	_ =	swait.ge [sflag:s31], $0x2000  }
0x11f: {  	[sflag:s31] =	ssyncset.done $0x0  }
0x120: {  	[sflag:s31] =	ssyncadd.s32 $0xFFFFE000  }
0x121: {  	[spmem:s2] =	stream.indirect.scatter.add.f32 [tilespmem:s30], [sflag:$0x4], $0x20, s16, s25, $0xb8;
	[tilespmem:$0x1F800] =	vst v63  }
0x122: {  	_ =	swait.ge [sflag:s0], $0x2000  }
0x123: {  	[sflag:s0] =	ssyncset.done $0x0  }
0x124: {  	[sflag:s0] =	ssyncadd.s32 $0xFFFFE000  }
0x125: {  	[tilespmem:s26], [sflag:$0x2] =	stream.indirect.gather [hbm4b:s6+s25], $0x20, s17, s25, $0xb8;
	[tilespmem:$0x1F800] =	vst v63  }
0x126: {  	_ =	swait.ge [sflag:s28], $0x2000  }
0x127: {  	[sflag:s28] =	ssyncset.done $0x0  }
0x128: {  	[sflag:s28] =	ssyncadd.s32 $0xFFFFE000  }
0x129: {  	[spmem:s2] =	stream.indirect.scatter.add.f32 [tilespmem:s20], [sflag:$0x3], $0x20, s18, s25, $0xb8;
	[tilespmem:$0x1F800] =	vst v63  }
0x12a: {  	_ =	swait.ge [sflag:s9], $0x2000  }
0x12b: {  	[sflag:s9] =	ssyncset.done $0x0  }
0x12c: {  	[sflag:s9] =	ssyncadd.s32 $0xFFFFE000  }
0x12d: {  	_ =	swait.ge [sflag:s31], $0x2000  }
0x12e: {  	[sflag:s31] =	ssyncset.done $0x0  }
0x12f: {  	s5 =	simm.s32 $0xF00;
	[sflag:s31] =	ssyncadd.s32 $0xFFFFE000  }
0x130: {  	[spmem:s2] =	stream.indirect.scatter.add.f32 [tilespmem:s26], [sflag:$0x4], $0x20, s5, s25, $0xb8;
	[tilespmem:$0x1F800] =	vst v63  }
0x131: {  	_ =	swait.ge [sflag:s0], $0x2000  }
0x132: {  	[sflag:s0] =	ssyncset.done $0x0  }
0x133: {  	[sflag:s0] =	ssyncadd.s32 $0xFFFFE000  }
0x134: {  	_ =	swait.ge [sflag:s9], $0x2000  }
0x135: {  	[sflag:s9] =	ssyncset.done $0x0  }
0x136: {  	[sflag:s9] =	ssyncadd.s32 $0xFFFFE000  }
0x137: {  	[bflag:$0x0] =	sbarrier.arrive $0xFFFF  }
0x138: {  	s29 =	rddreg [dreg:$0x5]  }
0x139: {  	[tilespmem:s20], [sflag:$0x5] =	stream.linear.gather [spmem:s29], $0x2000, $0x38;
	[tilespmem:$0x1F800] =	vst v63  }
0x13a: {  	_ =	swait.ge [sflag:s21], $0x2000  }
0x13b: {  	[sflag:s21] =	ssyncset.done $0x0  }
0x13c: {  	s24 =	sadd.s32 $0x0, s23;
	[sflag:s21] =	ssyncadd.s32 $0xFFFFE000  }
0x13d: {  	[hbm4b:s24+s3] =	stream.linear.scatter [tilespmem:s20], [sflag:$0x5], $0x2000, $0x38;
	[tilespmem:$0x1F800] =	vst v63  }
0x13e: {  	_ =	swait.ge [sflag:s21], $0x2000  }
0x13f: {  	s4 =	simm.s32 $0x400;
	s5 =	smov.u32 s29;
	[sflag:s21] =	ssyncset.done $0x0  }
.LBB2_6:
0x140: {  	p0 =	sne.s32 s4, $0x2C00;
	[sflag:s21] =	ssyncadd.s32 $0xFFFFE000;
	s5 =	sadd.s32 $0x2000, s5  }
0x141: {  	[tilespmem:s20], [sflag:$0x5] =	stream.linear.gather [spmem:s5], $0x2000, $0x38;
	[tilespmem:$0x1F800] =	vst v63  }
0x142: {  	s1 =	smov.u32 s4;
	s4 =	sadd.s32 $0x400, s4;
	_ =	swait.ge [sflag:s21], $0x2000  }
.Ltmp2:
0x143: {  	[sflag:s21] =	ssyncset.done $0x0;
	(pc) =	sbr.rel @p0 .LBB2_6-.Ltmp2, $4  }
0x144: {  	s1 =	sadd.s32 s1, s23;
	[sflag:s21] =	ssyncadd.s32 $0xFFFFE000  }
0x145: {  	[hbm4b:s1+s3] =	stream.linear.scatter [tilespmem:s20], [sflag:$0x5], $0x2000, $0x38;
	[tilespmem:$0x1F800] =	vst v63  }
0x146: {  	_ =	swait.ge [sflag:s21], $0x2000  }
0x147: {  	[sflag:s21] =	ssyncset.done $0x0  }
0x148: {  	[sflag:s21] =	ssyncadd.s32 $0xFFFFE000;
	s1 =	rddreg [dreg:$0x6]  }
0x149: {  	[tilespmem:s20], [sflag:$0x5] =	stream.linear.gather [spmem:s1], $0x800, $0x38;
	[tilespmem:$0x1F800] =	vst v63  }
0x14a: {  	_ =	swait.ge [sflag:s21], $0x800  }
0x14b: {  	[sflag:s21] =	ssyncset.done $0x0  }
0x14c: {  	s5 =	rddreg [dreg:$0x13];
	[sflag:s21] =	ssyncadd.s32 $0xFFFFF800  }
0x14d: {  	[hbm4b:s5+s3] =	stream.linear.scatter [tilespmem:s20], [sflag:$0x5], $0x800, $0x38;
	[tilespmem:$0x1F800] =	vst v63  }
0x14e: {  	_ =	swait.ge [sflag:s21], $0x800  }
0x14f: {  	s4 =	rddreg [dreg:$0x14]  }
0x150: {  	s24 =	rddreg [dreg:$0x7];
	s4 =	sadd.s32 $0x1, s4  }
0x151: {  	p0 =	sne.s32 s4, s24  }
.Ltmp3:
0x152: {  	_ = 	snop;
	(pc) =	sbr.rel @p0 .LBB2_1-.Ltmp3, $3  }
0x153: {  	_ =	sdelay $0x1  }
0x154: {  	[sflag:s21] =	ssyncset.done $0x0  }
0x155: {  	[sflag:s21] =	ssyncadd.s32 $0xFFFFF800  }
0x156: {  	_ =	sfence.sel $0x180000  }
0x157: {  	[bflag:$0x0] =	sbarrier.arrive $0xFFFF  }
0x158: {  	_ =	strace $0x9000004A  }
0x159: {  	s0 =	stileid.u32;
	[bflag:$0x2] =	sbarrier.arrive $0xFFFF  }
0x15a: {  	p0 =	sne.s32 s0, $0x0;
	s0 =	rddreg [dreg:$0x3]  }
0x15b: {  	s0 =	sadd.s32 @!p0 $0x100000, s0  }
0x15c: {  	[sflag:s0] =	ssyncadd.tile.s32 @!p0 $0x1;
	_ =	shalt  }
.Lfunc_end2:
_tile_overlayer_lowered:
.L_overlay_start_2:
0x15d: {  	(tag) =	ssettag $0x2  }
0x15e: {  	s0 =	rddreg [dreg:$0x0];
	s2 =	stileid.u32  }
0x15f: {  	s1 =	rddreg [dreg:$0x1];
	p0 =	sne.s32 s2, $0x0  }
0x160: {  	s3 =	rddreg [dreg:$0x2];
	[bflag:$0x3] =	sbarrier.arrive $0xFFFF;
	s2 =	simm.s32 @!p0 $0x1C05  }
0x161: {  	[timem:s3], [sflag:s2] =	dma.local @!p0 [hbm:s0], s1  }
0x162: {  	s0 =	simm.s32 @!p0 $0x5  }
0x163: {  	_ =	swait.ge @!p0 [sflag:s0], s1  }
0x164: {  	s1 =	ssub.s32 @!p0 $0x0, s1;
	[sflag:s0] =	ssyncset.done @!p0 $0x0  }
0x165: {  	[sflag:s0] =	ssyncadd.s32 @!p0 s1  }
0x166: {  	[bflag:$0x3] =	sbarrier.arrive $0xFFFF  }
0x167: {  	_ =	shalt  }

// kernel: kernel.15.cloned.1.call-start
scs
__scs_entry_jumppad:
0x0: {  	(pc) =	sbr.rel $0x88, $3  }
0x1: {  	(tag) =	ssettag $0x0;
	lr =	simm.s32 $0x1  }
0x2: {  	[smem:$0x3F9A] =	sst lr;
	_ =	strace $0xD0000000  }
0x3: {  	_ = 	snop  }
0x4: {  	_ = 	snop  }
0x5: {  	_ = 	snop  }
0x6: {  	_ = 	snop  }
0x7: {  	_ = 	snop  }
__scs_overlays_trampoline_lowered:
0x8: {  	[smem:$0x3FA9] =	sst s0  }
0x9: {  	[smem:$0x3FAA] =	sst s1  }
0xa: {  	[smem:$0x3FAB] =	sst s2  }
0xb: {  	[smem:$0x3FAC] =	sst s3  }
0xc: {  	[smem:$0x3FAD] =	sst s4  }
0xd: {  	[smem:$0x3FAE] =	sst s5  }
0xe: {  	[smem:$0x3FAF] =	sst s6  }
0xf: {  	[smem:$0x3FB0] =	sst s7  }
0x10: {  	[smem:$0x3FB1] =	sst s8  }
0x11: {  	[smem:$0x3FB2] =	sst s9;
	s0 =	simm.s32 @!p0 $0x0  }
0x12: {  	s1 =	sld [smem:$0x3F98];
	s0 =	simm.s32 @p0 $0x1  }
0x13: {  	[smem:$0x3FB3] =	sst s0;
	s0 =	simm.s32 @!p1 $0x0  }
0x14: {  	s2 =	sld [smem:$0x3F97];
	s0 =	simm.s32 @p1 $0x1  }
0x15: {  	[smem:$0x3FB4] =	sst s0;
	s0 =	simm.s32 @!p2 $0x0  }
0x16: {  	s3 =	sld [smem:$0x3FDB];
	s0 =	simm.s32 @p2 $0x1  }
0x17: {  	s4 =	simm.s32 $0x1BF5;
	[smem:$0x3FB6] =	sst s0  }
0x18: {  	s0 =	sld [smem:$0x3F99];
	_ =	swait.ge [sflag:s4], $0x0  }
0x19: {  	s7 =	sld [smem:$0x3F9A]  }
0x1a: {  	s8 =	sadd.s32 $0xFFFFE003, lr  }
0x1b: {  	s9 =	sadd.s32 $0xFFFFFEF7, lr;
	s5 =	simm.s32 $0xFFFFFFFF;
	p2 =	slt.u32 s8, $0xFFFFF086  }
0x1c: {  	p1 =	slt.u32 s9, $0xF7A;
	s5 =	simm.s32 @!p2 $0x0  }
0x1d: {  	s5 =	simm.s32 @p1 $0x1;
	p0 =	seq.s32 s7, s2  }
0x1e: {  	s7 =	smul.u32 @!p0 $0xF7A, s2;
	p2 =	seq.s32 @!p0 s5, $0x0  }
0x1f: {  	s9 =	smul.u32 $0xF7A, s1;
	s8 =	simm.s32 @!p0 $0x1BF5;
	p2 =	por !p2, p0  }
0x20: {  	[sflag:s8] =	ssyncset.s32 @!p0 $0xFFFFF086;
	s6 =	sadd.s32 @!p0 s3, s7;
	s7 =	simm.s32 @!p0 $0x108  }
0x21: {  	s3 =	sadd.s32 s3, s9;
	s6 =	sadd.s32 @!p0 $0x88, s6;
	s7 =	simm.s32 @p2 $0x1082  }
0x22: {  	[simem:s7], [sflag:s8] =	dma.local @!p0 [hbm:s6], $0xF7A  }
0x23: {  	s9 =	sor.u32 $0xD0000000, s2;
	s6 =	simm.s32 $0x108;
	_ =	swait.ge @!p0 [sflag:s8], $0x0  }
0x24: {  	s3 =	sadd.s32 $0x88, s3;
	s6 =	simm.s32 @!p1 $0x1082;
	[sflag:s4] =	ssyncset.s32 $0xFFFFF086  }
0x25: {  	[simem:s6], [sflag:s4] =	dma.local [hbm:s3], $0xF7A  }
0x26: {  	[smem:$0x3F9A] =	sst s1;
	(tag) =	ssettag s2;
	_ =	strace s9  }
0x27: {  	s1 =	sld [smem:$0x3FAA]  }
0x28: {  	s2 =	sld [smem:$0x3FAB]  }
0x29: {  	s4 =	sld [smem:$0x3FAD]  }
0x2a: {  	p0 =	seq.s32 s5, $0x0;
	s5 =	sld [smem:$0x3FAE]  }
0x2b: {  	s6 =	sld [smem:$0x3FAF]  }
0x2c: {  	s7 =	sld [smem:$0x3FB0]  }
0x2d: {  	s3 =	simm.s32 $0x108;
	s8 =	sld [smem:$0x3FB1]  }
0x2e: {  	s3 =	simm.s32 @!p0 $0x1082;
	s9 =	sld [smem:$0x3FB2]  }
0x2f: {  	lr =	sadd.s32 s0, s3;
	s0 =	sld [smem:$0x3FA9]  }
0x30: {  	s3 =	sld [smem:$0x3FAC]  }
0x31: {  	[smem:$0x3FB5] =	sst s10  }
0x32: {  	s10 =	sld [smem:$0x3FB3];
	_ =	sdelay $0x3  }
0x33: {  	p0 =	seq.s32 s10, $0x1;
	s10 =	sld [smem:$0x3FB5];
	_ =	sdelay $0x3  }
0x34: {  	[smem:$0x3FB5] =	sst s10  }
0x35: {  	s10 =	sld [smem:$0x3FB4];
	_ =	sdelay $0x3  }
0x36: {  	p1 =	seq.s32 s10, $0x1;
	s10 =	sld [smem:$0x3FB5];
	_ =	sdelay $0x3  }
0x37: {  	[smem:$0x3FB5] =	sst s10  }
0x38: {  	s10 =	sld [smem:$0x3FB6]  }
0x39: {  	_ = 	snop;
	(pc) =	sbr.ind lr, $3  }
0x3a: {  	_ = 	snop  }
0x3b: {  	_ = 	snop  }
0x3c: {  	p2 =	seq.s32 s10, $0x1;
	s10 =	sld [smem:$0x3FB5]  }
0x3d: {  	_ =	shalt  }
0x3e: {  	_ =	shalt  }
0x3f: {  	_ =	shalt  }
0x40: {  	_ =	shalt  }
0x41: {  	_ =	shalt  }
0x42: {  	_ =	shalt  }
0x43: {  	_ =	shalt  }
0x44: {  	_ =	shalt  }
0x45: {  	_ =	shalt  }
0x46: {  	_ =	shalt  }
0x47: {  	_ =	shalt  }
0x48: {  	_ =	shalt  }
0x49: {  	_ =	shalt  }
0x4a: {  	_ =	shalt  }
0x4b: {  	_ =	shalt  }
0x4c: {  	_ =	shalt  }
0x4d: {  	_ =	shalt  }
0x4e: {  	_ =	shalt  }
0x4f: {  	_ =	shalt  }
0x50: {  	_ =	shalt  }
0x51: {  	_ =	shalt  }
0x52: {  	_ =	shalt  }
0x53: {  	_ =	shalt  }
0x54: {  	_ =	shalt  }
0x55: {  	_ =	shalt  }
0x56: {  	_ =	shalt  }
0x57: {  	_ =	shalt  }
0x58: {  	_ =	shalt  }
0x59: {  	_ =	shalt  }
0x5a: {  	_ =	shalt  }
0x5b: {  	_ =	shalt  }
0x5c: {  	_ =	shalt  }
0x5d: {  	_ =	shalt  }
0x5e: {  	_ =	shalt  }
0x5f: {  	_ =	shalt  }
0x60: {  	_ =	shalt  }
0x61: {  	_ =	shalt  }
0x62: {  	_ =	shalt  }
0x63: {  	_ =	shalt  }
0x64: {  	_ =	shalt  }
0x65: {  	_ =	shalt  }
0x66: {  	_ =	shalt  }
0x67: {  	_ =	shalt  }
0x68: {  	_ =	shalt  }
0x69: {  	_ =	shalt  }
0x6a: {  	_ =	shalt  }
0x6b: {  	_ =	shalt  }
0x6c: {  	_ =	shalt  }
0x6d: {  	_ =	shalt  }
0x6e: {  	_ =	shalt  }
0x6f: {  	_ =	shalt  }
0x70: {  	_ =	shalt  }
0x71: {  	_ =	shalt  }
0x72: {  	_ =	shalt  }
0x73: {  	_ =	shalt  }
0x74: {  	_ =	shalt  }
0x75: {  	_ =	shalt  }
0x76: {  	_ =	shalt  }
0x77: {  	_ =	shalt  }
0x78: {  	_ =	shalt  }
0x79: {  	_ =	shalt  }
0x7a: {  	_ =	shalt  }
0x7b: {  	_ =	shalt  }
0x7c: {  	_ =	shalt  }
0x7d: {  	_ =	shalt  }
0x7e: {  	_ =	shalt  }
0x7f: {  	_ =	shalt  }
0x80: {  	_ =	shalt  }
0x81: {  	_ =	shalt  }
0x82: {  	_ =	shalt  }
0x83: {  	_ =	shalt  }
0x84: {  	_ =	shalt  }
0x85: {  	_ =	shalt  }
0x86: {  	_ =	shalt  }
0x87: {  	_ =	shalt  }
.Lfunc_end0:
.L_simem_size_0:
called_computation.2_lowered:
.L_overlay_start_0:
0x88: {  	s2 =	sld [smem:$0x3FD9]  }
0x89: {  	s3 =	sld [smem:$0x3FFE];
	_ =	sdelay $0x1  }
0x8a: {  	s1 =	srdreg.scid  }
0x8b: {  	s0 =	sand.u32 $0x1, s1  }
0x8c: {  	s14 =	sshll.u32 s0, $0xA;
	s2 =	sadd.s32 s3, s2  }
0x8d: {  	s2 =	sadd.s32 s2, s14  }
0x8e: {  	[smem:$0x3FC1] =	sst s2  }
0x8f: {  	_ = 	snop  }
0x90: {  	s2 =	sld [smem:$0x3FD0];
	_ =	sdelay $0x2  }
0x91: {  	s15 =	simm.s32 $0xA;
	s4 =	simm.s32 $0x10  }
0x92: {  	[smem:s4], [sflag:s15] =	dma.local [hbm:s2], $0x1  }
0x93: {  	_ =	swait.eq [sflag:s15], $0x1  }
0x94: {  	[sflag:s15] =	ssyncset.done $0x0  }
0x95: {  	[sflag:s15] =	ssyncadd.s32 $0xFFFFFFFF  }
0x96: {  	s16 =	sld [smem:$0x11];
	(tm) =	ssettm $0x1  }
0x97: {  	s17 =	sld [smem:$0x3FFB];
	_ =	sdelay $0x3  }
0x98: {  	_ =	strace s17  }
0x99: {  	s3 =	sld [smem:$0x3FFC];
	_ =	sdelay $0x3  }
0x9a: {  	_ =	strace s3  }
0x9b: {  	s3 =	sld [smem:$0x3FFD];
	_ =	sdelay $0x3  }
0x9c: {  	_ =	strace s3  }
0x9d: {  	_ =	strace $0x8FFFFFFF  }
0x9e: {  	s18 =	sld [smem:$0x3FDB];
	_ =	sdelay $0x1  }
0x9f: {  	s19 =	simm.s32 $_scs_section_size  }
0xa0: {  	s5 =	simm.s32 $_size__tile_overlayer_lowered;
	s6 =	simm.s32 $_tile_overlayer_lowered  }
0xa1: {  	s22 =	simm.s32 $0x1BFF;
	s21 =	sshll.u32 s6, $0x1;
	s3 =	sadd.s32 s19, s18  }
0xa2: {  	s7 =	simm.s32 $0x0;
	s20 =	sshll.u32 s5, $0x1;
	s5 =	sadd.s32 s21, s3  }
0xa3: {  	[timem:s7], [sflag:s22] =	dma.local [hbm:s5], s20  }
0xa4: {  	_ =	swait.ge [sflag:s22], s20  }
0xa5: {  	s4 =	ssub.s32 $0x0, s20;
	[sflag:s22] =	ssyncset.done $0x0  }
0xa6: {  	[sflag:s22] =	ssyncadd.s32 s4;
	_ =	sdelay $0x1  }
0xa7: {  	s23 =	simm.s32 $0x1B8B  }
0xa8: {  	_ =	swait.ge [sflag:s23], $0x1  }
0xa9: {  	[sflag:s23] =	ssyncset.done $0x0  }
0xaa: {  	s25 =	simm.s32 $0x1B8E;
	s24 =	sld [smem:$0x3FFE];
	[sflag:s23] =	ssyncadd.s32 $0xFFFFFFFF  }
0xab: {  	s26 =	simm.s32 $execute0_lowered;
	[smem:$0x3FD2] =	sst s25  }
0xac: {  	s5 =	sshll.u32 s26, $0x1;
	_ =	strace $0x8000004C;
	[dreg:$0x1] =	wrdreg $0xFFFFFFFF  }
0xad: {  	s28 =	simm.s32 $_size_execute0_lowered;
	s3 =	sadd.s32 s3, s5;
	[dreg:$0x0] =	wrdreg $0x0  }
0xae: {  	s5 =	sshll.u32 s28, $0x1;
	[dreg:$0x2] =	wrdreg s3  }
0xaf: {  	[dreg:$0x3] =	wrdreg s5  }
0xb0: {  	[dreg:$0x4] =	wrdreg $0xC0  }
0xb1: {  	_ =	task [dreg:s7], $0x5FFFF  }
0xb2: {  	[dreg:$0x1] =	wrdreg $0xFFFFFFFF  }
0xb3: {  	[dreg:$0x0] =	wrdreg $0x60  }
0xb4: {  	[dreg:$0x2] =	wrdreg s24  }
0xb5: {  	[dreg:$0x3] =	wrdreg s16  }
0xb6: {  	[dreg:$0x4] =	wrdreg $0x70000  }
0xb7: {  	[dreg:$0x5] =	wrdreg $0x9  }
0xb8: {  	_ =	task.clear_ibuf [dreg:s7], $0x6FFFF;
	_ =	strace $0x9000004C  }
0xb9: {  	s29 =	simm.s32 $0x9;
	_ =	strace $0x8000004E  }
0xba: {  	_ =	swait.ge [sflag:s29], $0x1  }
0xbb: {  	[sflag:s29] =	ssyncadd.s32 $0xFFFFFFFF  }
0xbc: {  	_ =	strace $0x9000004E  }
0xbd: {  	_ =	sfence  }
0xbe: {  	s30 =	sld [smem:$0x0];
	_ =	sdelay $0x2  }
0xbf: {  	s31 =	sshll.u32 s1, $0xD;
	s1 =	sshrl.u32 s1, $0x2  }
0xc0: {  	s3 =	sand.u32 $0x4000, s31;
	s1 =	sadd.s32 s1, s30  }
0xc1: {  	s0 =	sor.u32 s3, s0;
	s1 =	sshll.u32 s1, $0x11  }
0xc2: {  	s0 =	sor.u32 s1, s0  }
0xc3: {  	s0 =	sadd.s32 $0x8F2B, s0  }
0xc4: {  	[sflag:s0] =	ssyncadd.remote.s32 $0x1  }
0xc5: {  	_ =	sfence.sel $0xFFFF  }
0xc6: {  	[dreg:$0x0] =	wrdreg $0xFFFFFFFF;
	(pc) =	sbr.abs _section_cstart, $3  }
0xc7: {  	[dreg:$0x1] =	wrdreg $0xFFFFFFFF  }
0xc8: {  	_ =	task.clear_ibuf [dreg:s7], $0x2FFFF;
	_ =	strace $0x9FFFFFFF  }
0xc9: {  	(tm) =	ssettm $0x7FFFFFFF  }
tec
execute0_lowered:
.L_overlay_start_1:
0x0: {  	(tag) =	ssettag $0x1  }
0x1: {  	s0 =	rddreg [dreg:$0x0]  }
0x2: {  	s1 =	rddreg [dreg:$0x1];
	s10 =	stileid.u32  }
0x3: {  	s3 =	srdreg.scid;
	s2 =	rddreg [dreg:$0x2]  }
0x4: {  	s28 =	simm.s32 $0x1;
	s30 =	simm.s32 $0x5000;
	s4 =	smul.u32 $0x1900, s10  }
0x5: {  	s5 =	sand.u32 $0x1, s3;
	s3 =	simm.s32 $0x0;
	s7 =	smul.u32 $0x62000, s10  }
0x6: {  	s31 =	simm.s32 $0x2;
	s8 =	smul.u32 $0x18800, s10;
	[smem:$0x7FF] =	sst s3  }
0x7: {  	s6 =	smul.u32 $0x31000, s5;
	s5 =	ssub.s32 $0x2, s5;
	_ =	strace $0x8000004D  }
0x8: {  	s12 =	sshrl.u32 s5, $0x1;
	s8 =	sadd.s32 $0x18000, s8;
	s1 =	sadd.s32 s4, s1  }
0x9: {  	s7 =	sshrl.u32 s7, $0x2;
	s13 =	sadd.s32 s8, s2;
	[dreg:$0x4] =	wrdreg s1  }
0xa: {  	s5 =	ssub.s32 s5, s12;
	s29 =	sadd.s32 s7, s2;
	[dreg:$0x6] =	wrdreg s13  }
0xb: {  	s11 =	simm.s32 $0x400;
	s5 =	smax.u32 s5, $0x1;
	[dreg:$0x5] =	wrdreg s29  }
0xc: {  	s26 =	smul.u32 $0x3100, s10;
	s15 =	sadd.s32 $0x2000, s29;
	[dreg:$0x7] =	wrdreg s5  }
0xd: {  	s10 =	simm.s32 $0xA00;
	s16 =	sadd.s32 $0x4000, s29;
	[dreg:$0x8] =	wrdreg s15  }
0xe: {  	s9 =	sadd.s32 s4, s0;
	s17 =	sadd.s32 $0x6000, s29;
	[dreg:$0x9] =	wrdreg s16  }
0xf: {  	s4 =	simm.s32 $0x0;
	s18 =	sadd.s32 $0x8000, s29;
	[dreg:$0xa] =	wrdreg s17  }
0x10: {  	s0 =	sadd.s32 s6, s0;
	s19 =	sadd.s32 $0xA000, s29;
	[dreg:$0xb] =	wrdreg s18  }
0x11: {  	s14 =	sshrl.u32 s8, $0x3;
	s20 =	sadd.s32 $0xC000, s29;
	[dreg:$0xc] =	wrdreg s19  }
0x12: {  	s7 =	simm.s32 $0x900;
	s21 =	sadd.s32 $0xE000, s29;
	[dreg:$0xd] =	wrdreg s20  }
0x13: {  	s8 =	simm.s32 $0x300;
	s22 =	sadd.s32 $0x10000, s29;
	[dreg:$0xe] =	wrdreg s21  }
0x14: {  	s12 =	simm.s32 $0xB00;
	s23 =	sadd.s32 $0x12000, s29;
	[dreg:$0xf] =	wrdreg s22  }
0x15: {  	s6 =	sadd.s32 $0x1E600, s0;
	s24 =	sadd.s32 $0x14000, s29;
	[dreg:$0x10] =	wrdreg s23  }
0x16: {  	s0 =	sadd.s32 $0x80600, s0;
	s25 =	sadd.s32 $0x16000, s29;
	[dreg:$0x11] =	wrdreg s24  }
0x17: {  	s13 =	simm.s32 $0x500;
	[dreg:$0x12] =	wrdreg s25;
	s19 =	sadd.s32 $0x5600, s9  }
0x18: {  	s20 =	simm.s32 $0x1000;
	s21 =	simm.s32 $0x5;
	s22 =	simm.s32 $0x800  }
0x19: {  	s23 =	sadd.s32 s0, s26;
	s0 =	sadd.s32 s14, s0;
	s25 =	simm.s32 $0x100  }
0x1a: {  	s26 =	simm.s32 $0x3000;
	s9 =	simm.s32 $0x4;
	s14 =	simm.s32 $0xC00  }
0x1b: {  	s15 =	simm.s32 $0x600;
	s16 =	simm.s32 $0xD00;
	s17 =	simm.s32 $0x700  }
0x1c: {  	v0 =	vimm.f32 $0.0e+00;
	s18 =	simm.s32 $0xE00;
	[dreg:$0x13] =	wrdreg s0;
	s0 =	simm.s32 $0x3  }
.LBB2_1:
0x1d: {  	[dreg:$0x14] =	wrdreg s4;
	s4 =	simm.s32 $0x80;
	s5 =	simm.s32 $0x0  }
.LBB2_2:
0x1e: {  	p0 =	sne.s32 s4, $0x7F80;
	[tilespmem:s5+$0x1000] =	vst v0;
	s24 =	smov.u32 s4;
	s4 =	sadd.s32 $0x80, s4  }
.Ltmp0:
0x1f: {  	[tilespmem:s5+$0x1010] =	vst v0;
	(pc) =	sbr.rel @p0 .LBB2_2-.Ltmp0, $2  }
0x20: {  	_ =	sdelay $0x2  }
0x21: {  	s5 =	sshra.s32 s24, $0x2  }
0x22: {  	[tilespmem:s5+$0x1000] =	vst v0  }
0x23: {  	[tilespmem:s5+$0x1010] =	vst v0  }
0x24: {  	[spmem:s29] =	stream.linear.scatter [tilespmem:s20], [sflag:$0x5], $0x2000, $0x38;
	[tilespmem:$0x1F800] =	vst v63  }
0x25: {  	_ =	swait.ge [sflag:s21], $0x2000  }
0x26: {  	[sflag:s21] =	ssyncset.done $0x0  }
0x27: {  	s1 =	rddreg [dreg:$0x8];
	[sflag:s21] =	ssyncadd.s32 $0xFFFFE000  }
0x28: {  	[spmem:s1] =	stream.linear.scatter [tilespmem:s20], [sflag:$0x5], $0x2000, $0x38;
	[tilespmem:$0x1F800] =	vst v63  }
0x29: {  	_ =	swait.ge [sflag:s21], $0x2000  }
0x2a: {  	[sflag:s21] =	ssyncset.done $0x0  }
0x2b: {  	s24 =	rddreg [dreg:$0x9];
	[sflag:s21] =	ssyncadd.s32 $0xFFFFE000  }
0x2c: {  	[spmem:s24] =	stream.linear.scatter [tilespmem:s20], [sflag:$0x5], $0x2000, $0x38;
	[tilespmem:$0x1F800] =	vst v63  }
0x2d: {  	_ =	swait.ge [sflag:s21], $0x2000  }
0x2e: {  	[sflag:s21] =	ssyncset.done $0x0  }
0x2f: {  	s29 =	rddreg [dreg:$0xa];
	[sflag:s21] =	ssyncadd.s32 $0xFFFFE000  }
0x30: {  	[spmem:s29] =	stream.linear.scatter [tilespmem:s20], [sflag:$0x5], $0x2000, $0x38;
	[tilespmem:$0x1F800] =	vst v63  }
0x31: {  	_ =	swait.ge [sflag:s21], $0x2000  }
0x32: {  	[sflag:s21] =	ssyncset.done $0x0  }
0x33: {  	s4 =	rddreg [dreg:$0xb];
	[sflag:s21] =	ssyncadd.s32 $0xFFFFE000  }
0x34: {  	[spmem:s4] =	stream.linear.scatter [tilespmem:s20], [sflag:$0x5], $0x2000, $0x38;
	[tilespmem:$0x1F800] =	vst v63  }
0x35: {  	_ =	swait.ge [sflag:s21], $0x2000  }
0x36: {  	[sflag:s21] =	ssyncset.done $0x0  }
0x37: {  	s5 =	rddreg [dreg:$0xc];
	[sflag:s21] =	ssyncadd.s32 $0xFFFFE000  }
0x38: {  	[spmem:s5] =	stream.linear.scatter [tilespmem:s20], [sflag:$0x5], $0x2000, $0x38;
	[tilespmem:$0x1F800] =	vst v63  }
0x39: {  	_ =	swait.ge [sflag:s21], $0x2000  }
0x3a: {  	[sflag:s21] =	ssyncset.done $0x0  }
0x3b: {  	s24 =	rddreg [dreg:$0xd];
	[sflag:s21] =	ssyncadd.s32 $0xFFFFE000  }
0x3c: {  	[spmem:s24] =	stream.linear.scatter [tilespmem:s20], [sflag:$0x5], $0x2000, $0x38;
	[tilespmem:$0x1F800] =	vst v63  }
0x3d: {  	_ =	swait.ge [sflag:s21], $0x2000  }
0x3e: {  	[sflag:s21] =	ssyncset.done $0x0  }
0x3f: {  	s29 =	rddreg [dreg:$0xe];
	[sflag:s21] =	ssyncadd.s32 $0xFFFFE000  }
0x40: {  	[spmem:s29] =	stream.linear.scatter [tilespmem:s20], [sflag:$0x5], $0x2000, $0x38;
	[tilespmem:$0x1F800] =	vst v63  }
0x41: {  	_ =	swait.ge [sflag:s21], $0x2000  }
0x42: {  	[sflag:s21] =	ssyncset.done $0x0  }
0x43: {  	s4 =	rddreg [dreg:$0xf];
	[sflag:s21] =	ssyncadd.s32 $0xFFFFE000  }
0x44: {  	[spmem:s4] =	stream.linear.scatter [tilespmem:s20], [sflag:$0x5], $0x2000, $0x38;
	[tilespmem:$0x1F800] =	vst v63  }
0x45: {  	_ =	swait.ge [sflag:s21], $0x2000  }
0x46: {  	[sflag:s21] =	ssyncset.done $0x0  }
0x47: {  	s5 =	rddreg [dreg:$0x10];
	[sflag:s21] =	ssyncadd.s32 $0xFFFFE000  }
0x48: {  	[spmem:s5] =	stream.linear.scatter [tilespmem:s20], [sflag:$0x5], $0x2000, $0x38;
	[tilespmem:$0x1F800] =	vst v63  }
0x49: {  	_ =	swait.ge [sflag:s21], $0x2000  }
0x4a: {  	[sflag:s21] =	ssyncset.done $0x0  }
0x4b: {  	s24 =	rddreg [dreg:$0x11];
	[sflag:s21] =	ssyncadd.s32 $0xFFFFE000  }
0x4c: {  	[spmem:s24] =	stream.linear.scatter [tilespmem:s20], [sflag:$0x5], $0x2000, $0x38;
	[tilespmem:$0x1F800] =	vst v63  }
0x4d: {  	_ =	swait.ge [sflag:s21], $0x2000  }
0x4e: {  	[sflag:s21] =	ssyncset.done $0x0  }
0x4f: {  	s29 =	rddreg [dreg:$0x12];
	[sflag:s21] =	ssyncadd.s32 $0xFFFFE000  }
0x50: {  	[spmem:s29] =	stream.linear.scatter [tilespmem:s20], [sflag:$0x5], $0x2000, $0x38;
	[tilespmem:$0x1F800] =	vst v63  }
0x51: {  	_ =	swait.ge [sflag:s21], $0x2000  }
0x52: {  	[sflag:s21] =	ssyncset.done $0x0  }
0x53: {  	s4 =	rddreg [dreg:$0x6];
	[sflag:s21] =	ssyncadd.s32 $0xFFFFE000  }
0x54: {  	[spmem:s4] =	stream.linear.scatter [tilespmem:s20], [sflag:$0x5], $0x800, $0x38;
	[tilespmem:$0x1F800] =	vst v63  }
0x55: {  	_ =	swait.ge [sflag:s21], $0x800  }
0x56: {  	[sflag:s21] =	ssyncset.done $0x0  }
0x57: {  	[sflag:s21] =	ssyncadd.s32 $0xFFFFF800  }
0x58: {  	s4 =	sadd.s32 $0x0, s19;
	[bflag:$0x0] =	sbarrier.arrive $0xFFFF  }
0x59: {  	[tilespmem:s3], [sflag:$0x5] =	stream.linear.gather [hbm4b:s4+s3], $0x800, $0x38;
	[tilespmem:$0x1F800] =	vst v63  }
0x5a: {  	_ =	swait.ge [sflag:s21], $0x800  }
0x5b: {  	s5 =	rddreg [dreg:$0x4];
	[sflag:s21] =	ssyncset.done $0x0  }
0x5c: {  	[sflag:s21] =	ssyncadd.s32 $0xFFFFF800;
	s4 =	sadd.s32 $0x0, s5  }
0x5d: {  	[tilespmem:s22], [sflag:$0x5] =	stream.linear.gather [hbm4b:s4+s3], $0x800, $0x38;
	[tilespmem:$0x1F800] =	vst v63  }
0x5e: {  	_ =	swait.ge [sflag:s21], $0x800  }
0x5f: {  	[sflag:s21] =	ssyncset.done $0x0  }
0x60: {  	[sflag:s21] =	ssyncadd.s32 $0xFFFFF800  }
0x61: {  	[tilespmem:s20], [sflag:$0x1] =	stream.indirect.gather [hbm4b:s6+s25], $0x20, s3, s25, $0xb8;
	[tilespmem:$0x1F800] =	vst v63  }
0x62: {  	_ = 	snop  }
0x63: {  	[tilespmem:s26], [sflag:$0x2] =	stream.indirect.gather [hbm4b:s6+s25], $0x20, s25, s25, $0xb8;
	[tilespmem:$0x1F800] =	vst v63  }
0x64: {  	_ =	swait.ge [sflag:s28], $0x2000  }
0x65: {  	[sflag:s28] =	ssyncset.done $0x0  }
0x66: {  	[sflag:s28] =	ssyncadd.s32 $0xFFFFE000  }
0x67: {  	[spmem:s2] =	stream.indirect.scatter.add.f32 [tilespmem:s20], [sflag:$0x3], $0x20, s22, s25, $0xb8;
	[tilespmem:$0x1F800] =	vst v63  }
0x68: {  	s24 =	simm.s32 $0x200  }
0x69: {  	[tilespmem:s30], [sflag:$0x1] =	stream.indirect.gather [hbm4b:s6+s25], $0x20, s24, s25, $0xb8;
	[tilespmem:$0x1F800] =	vst v63  }
0x6a: {  	_ =	swait.ge [sflag:s31], $0x2000  }
0x6b: {  	[sflag:s31] =	ssyncset.done $0x0  }
0x6c: {  	[sflag:s31] =	ssyncadd.s32 $0xFFFFE000  }
0x6d: {  	[spmem:s2] =	stream.indirect.scatter.add.f32 [tilespmem:s26], [sflag:$0x4], $0x20, s7, s25, $0xb8;
	[tilespmem:$0x1F800] =	vst v63  }
0x6e: {  	_ =	swait.ge [sflag:s0], $0x2000  }
0x6f: {  	[sflag:s0] =	ssyncset.done $0x0  }
0x70: {  	[sflag:s0] =	ssyncadd.s32 $0xFFFFE000  }
0x71: {  	[tilespmem:s20], [sflag:$0x2] =	stream.indirect.gather [hbm4b:s6+s25], $0x20, s8, s25, $0xb8;
	[tilespmem:$0x1F800] =	vst v63  }
0x72: {  	_ =	swait.ge [sflag:s28], $0x2000  }
0x73: {  	[sflag:s28] =	ssyncset.done $0x0  }
0x74: {  	[sflag:s28] =	ssyncadd.s32 $0xFFFFE000  }
0x75: {  	[spmem:s2] =	stream.indirect.scatter.add.f32 [tilespmem:s30], [sflag:$0x3], $0x20, s10, s25, $0xb8;
	[tilespmem:$0x1F800] =	vst v63  }
0x76: {  	_ =	swait.ge [sflag:s9], $0x2000  }
0x77: {  	[sflag:s9] =	ssyncset.done $0x0  }
0x78: {  	[sflag:s9] =	ssyncadd.s32 $0xFFFFE000  }
0x79: {  	[tilespmem:s26], [sflag:$0x1] =	stream.indirect.gather [hbm4b:s6+s25], $0x20, s11, s25, $0xb8;
	[tilespmem:$0x1F800] =	vst v63  }
0x7a: {  	_ =	swait.ge [sflag:s31], $0x2000  }
0x7b: {  	[sflag:s31] =	ssyncset.done $0x0  }
0x7c: {  	[sflag:s31] =	ssyncadd.s32 $0xFFFFE000  }
0x7d: {  	[spmem:s2] =	stream.indirect.scatter.add.f32 [tilespmem:s20], [sflag:$0x4], $0x20, s12, s25, $0xb8;
	[tilespmem:$0x1F800] =	vst v63  }
0x7e: {  	_ =	swait.ge [sflag:s0], $0x2000  }
0x7f: {  	[sflag:s0] =	ssyncset.done $0x0  }
0x80: {  	[sflag:s0] =	ssyncadd.s32 $0xFFFFE000  }
0x81: {  	[tilespmem:s30], [sflag:$0x2] =	stream.indirect.gather [hbm4b:s6+s25], $0x20, s13, s25, $0xb8;
	[tilespmem:$0x1F800] =	vst v63  }
0x82: {  	_ =	swait.ge [sflag:s28], $0x2000  }
0x83: {  	[sflag:s28] =	ssyncset.done $0x0  }
0x84: {  	[sflag:s28] =	ssyncadd.s32 $0xFFFFE000  }
0x85: {  	[spmem:s2] =	stream.indirect.scatter.add.f32 [tilespmem:s26], [sflag:$0x3], $0x20, s14, s25, $0xb8;
	[tilespmem:$0x1F800] =	vst v63  }
0x86: {  	_ =	swait.ge [sflag:s9], $0x2000  }
0x87: {  	[sflag:s9] =	ssyncset.done $0x0  }
0x88: {  	[sflag:s9] =	ssyncadd.s32 $0xFFFFE000  }
0x89: {  	[tilespmem:s20], [sflag:$0x1] =	stream.indirect.gather [hbm4b:s6+s25], $0x20, s15, s25, $0xb8;
	[tilespmem:$0x1F800] =	vst v63  }
0x8a: {  	_ =	swait.ge [sflag:s31], $0x2000  }
0x8b: {  	[sflag:s31] =	ssyncset.done $0x0  }
0x8c: {  	[sflag:s31] =	ssyncadd.s32 $0xFFFFE000  }
0x8d: {  	[spmem:s2] =	stream.indirect.scatter.add.f32 [tilespmem:s30], [sflag:$0x4], $0x20, s16, s25, $0xb8;
	[tilespmem:$0x1F800] =	vst v63  }
0x8e: {  	_ =	swait.ge [sflag:s0], $0x2000  }
0x8f: {  	[sflag:s0] =	ssyncset.done $0x0  }
0x90: {  	[sflag:s0] =	ssyncadd.s32 $0xFFFFE000  }
0x91: {  	[tilespmem:s26], [sflag:$0x2] =	stream.indirect.gather [hbm4b:s6+s25], $0x20, s17, s25, $0xb8;
	[tilespmem:$0x1F800] =	vst v63  }
0x92: {  	_ =	swait.ge [sflag:s28], $0x2000  }
0x93: {  	[sflag:s28] =	ssyncset.done $0x0  }
0x94: {  	[sflag:s28] =	ssyncadd.s32 $0xFFFFE000  }
0x95: {  	[spmem:s2] =	stream.indirect.scatter.add.f32 [tilespmem:s20], [sflag:$0x3], $0x20, s18, s25, $0xb8;
	[tilespmem:$0x1F800] =	vst v63  }
0x96: {  	_ =	swait.ge [sflag:s9], $0x2000  }
0x97: {  	[sflag:s9] =	ssyncset.done $0x0  }
0x98: {  	[sflag:s9] =	ssyncadd.s32 $0xFFFFE000  }
0x99: {  	_ =	swait.ge [sflag:s31], $0x2000  }
0x9a: {  	[sflag:s31] =	ssyncset.done $0x0  }
0x9b: {  	s29 =	simm.s32 $0xF00;
	[sflag:s31] =	ssyncadd.s32 $0xFFFFE000  }
0x9c: {  	[spmem:s2] =	stream.indirect.scatter.add.f32 [tilespmem:s26], [sflag:$0x4], $0x20, s29, s25, $0xb8;
	[tilespmem:$0x1F800] =	vst v63  }
0x9d: {  	_ =	swait.ge [sflag:s0], $0x2000  }
0x9e: {  	[sflag:s0] =	ssyncset.done $0x0  }
0x9f: {  	[sflag:s0] =	ssyncadd.s32 $0xFFFFE000  }
0xa0: {  	_ =	swait.ge [sflag:s9], $0x2000  }
0xa1: {  	s5 =	simm.s32 $0x100;
	s4 =	simm.s32 $0x200;
	[sflag:s9] =	ssyncset.done $0x0  }
.LBB2_4:
0xa2: {  	s29 =	sadd.s32 s5, s19;
	[sflag:s9] =	ssyncadd.s32 $0xFFFFE000  }
0xa3: {  	[tilespmem:s3], [sflag:$0x5] =	stream.linear.gather [hbm4b:s29+s3], $0x800, $0x38;
	[tilespmem:$0x1F800] =	vst v63  }
0xa4: {  	s1 =	smov.u32 s4;
	s24 =	sadd.s32 $0x100, s4;
	_ =	swait.ge [sflag:s21], $0x800  }
0xa5: {  	p0 =	sne.s32 s4, $0x1800;
	s4 =	rddreg [dreg:$0x4];
	[sflag:s21] =	ssyncset.done $0x0  }
0xa6: {  	[sflag:s21] =	ssyncadd.s32 $0xFFFFF800;
	s4 =	sadd.s32 s5, s4  }
0xa7: {  	[tilespmem:s22], [sflag:$0x5] =	stream.linear.gather [hbm4b:s4+s3], $0x800, $0x38;
	[tilespmem:$0x1F800] =	vst v63  }
0xa8: {  	_ =	swait.ge [sflag:s21], $0x800  }
0xa9: {  	[sflag:s21] =	ssyncset.done $0x0  }
0xaa: {  	[sflag:s21] =	ssyncadd.s32 $0xFFFFF800  }
0xab: {  	[tilespmem:s20], [sflag:$0x1] =	stream.indirect.gather [hbm4b:s6+s25], $0x20, s3, s25, $0xb8;
	[tilespmem:$0x1F800] =	vst v63  }
0xac: {  	_ = 	snop  }
0xad: {  	[tilespmem:s26], [sflag:$0x2] =	stream.indirect.gather [hbm4b:s6+s25], $0x20, s25, s25, $0xb8;
	[tilespmem:$0x1F800] =	vst v63  }
0xae: {  	_ =	swait.ge [sflag:s28], $0x2000  }
0xaf: {  	[sflag:s28] =	ssyncset.done $0x0  }
0xb0: {  	[sflag:s28] =	ssyncadd.s32 $0xFFFFE000  }
0xb1: {  	[spmem:s2] =	stream.indirect.scatter.add.f32 [tilespmem:s20], [sflag:$0x3], $0x20, s22, s25, $0xb8;
	[tilespmem:$0x1F800] =	vst v63  }
0xb2: {  	s29 =	simm.s32 $0x200  }
0xb3: {  	[tilespmem:s30], [sflag:$0x1] =	stream.indirect.gather [hbm4b:s6+s25], $0x20, s29, s25, $0xb8;
	[tilespmem:$0x1F800] =	vst v63  }
0xb4: {  	_ =	swait.ge [sflag:s31], $0x2000  }
0xb5: {  	[sflag:s31] =	ssyncset.done $0x0  }
0xb6: {  	[sflag:s31] =	ssyncadd.s32 $0xFFFFE000  }
0xb7: {  	[spmem:s2] =	stream.indirect.scatter.add.f32 [tilespmem:s26], [sflag:$0x4], $0x20, s7, s25, $0xb8;
	[tilespmem:$0x1F800] =	vst v63  }
0xb8: {  	_ =	swait.ge [sflag:s0], $0x2000  }
0xb9: {  	[sflag:s0] =	ssyncset.done $0x0  }
0xba: {  	[sflag:s0] =	ssyncadd.s32 $0xFFFFE000  }
0xbb: {  	[tilespmem:s20], [sflag:$0x2] =	stream.indirect.gather [hbm4b:s6+s25], $0x20, s8, s25, $0xb8;
	[tilespmem:$0x1F800] =	vst v63  }
0xbc: {  	_ =	swait.ge [sflag:s28], $0x2000  }
0xbd: {  	[sflag:s28] =	ssyncset.done $0x0  }
0xbe: {  	[sflag:s28] =	ssyncadd.s32 $0xFFFFE000  }
0xbf: {  	[spmem:s2] =	stream.indirect.scatter.add.f32 [tilespmem:s30], [sflag:$0x3], $0x20, s10, s25, $0xb8;
	[tilespmem:$0x1F800] =	vst v63  }
0xc0: {  	_ =	swait.ge [sflag:s9], $0x2000  }
0xc1: {  	[sflag:s9] =	ssyncset.done $0x0  }
0xc2: {  	[sflag:s9] =	ssyncadd.s32 $0xFFFFE000  }
0xc3: {  	[tilespmem:s26], [sflag:$0x1] =	stream.indirect.gather [hbm4b:s6+s25], $0x20, s11, s25, $0xb8;
	[tilespmem:$0x1F800] =	vst v63  }
0xc4: {  	_ =	swait.ge [sflag:s31], $0x2000  }
0xc5: {  	[sflag:s31] =	ssyncset.done $0x0  }
0xc6: {  	[sflag:s31] =	ssyncadd.s32 $0xFFFFE000  }
0xc7: {  	[spmem:s2] =	stream.indirect.scatter.add.f32 [tilespmem:s20], [sflag:$0x4], $0x20, s12, s25, $0xb8;
	[tilespmem:$0x1F800] =	vst v63  }
0xc8: {  	_ =	swait.ge [sflag:s0], $0x2000  }
0xc9: {  	[sflag:s0] =	ssyncset.done $0x0  }
0xca: {  	[sflag:s0] =	ssyncadd.s32 $0xFFFFE000  }
0xcb: {  	[tilespmem:s30], [sflag:$0x2] =	stream.indirect.gather [hbm4b:s6+s25], $0x20, s13, s25, $0xb8;
	[tilespmem:$0x1F800] =	vst v63  }
0xcc: {  	_ =	swait.ge [sflag:s28], $0x2000  }
0xcd: {  	[sflag:s28] =	ssyncset.done $0x0  }
0xce: {  	[sflag:s28] =	ssyncadd.s32 $0xFFFFE000  }
0xcf: {  	[spmem:s2] =	stream.indirect.scatter.add.f32 [tilespmem:s26], [sflag:$0x3], $0x20, s14, s25, $0xb8;
	[tilespmem:$0x1F800] =	vst v63  }
0xd0: {  	_ =	swait.ge [sflag:s9], $0x2000  }
0xd1: {  	[sflag:s9] =	ssyncset.done $0x0  }
0xd2: {  	[sflag:s9] =	ssyncadd.s32 $0xFFFFE000  }
0xd3: {  	[tilespmem:s20], [sflag:$0x1] =	stream.indirect.gather [hbm4b:s6+s25], $0x20, s15, s25, $0xb8;
	[tilespmem:$0x1F800] =	vst v63  }
0xd4: {  	_ =	swait.ge [sflag:s31], $0x2000  }
0xd5: {  	[sflag:s31] =	ssyncset.done $0x0  }
0xd6: {  	[sflag:s31] =	ssyncadd.s32 $0xFFFFE000  }
0xd7: {  	[spmem:s2] =	stream.indirect.scatter.add.f32 [tilespmem:s30], [sflag:$0x4], $0x20, s16, s25, $0xb8;
	[tilespmem:$0x1F800] =	vst v63  }
0xd8: {  	_ =	swait.ge [sflag:s0], $0x2000  }
0xd9: {  	[sflag:s0] =	ssyncset.done $0x0  }
0xda: {  	[sflag:s0] =	ssyncadd.s32 $0xFFFFE000  }
0xdb: {  	[tilespmem:s26], [sflag:$0x2] =	stream.indirect.gather [hbm4b:s6+s25], $0x20, s17, s25, $0xb8;
	[tilespmem:$0x1F800] =	vst v63  }
0xdc: {  	_ =	swait.ge [sflag:s28], $0x2000  }
0xdd: {  	[sflag:s28] =	ssyncset.done $0x0  }
0xde: {  	[sflag:s28] =	ssyncadd.s32 $0xFFFFE000  }
0xdf: {  	[spmem:s2] =	stream.indirect.scatter.add.f32 [tilespmem:s20], [sflag:$0x3], $0x20, s18, s25, $0xb8;
	[tilespmem:$0x1F800] =	vst v63  }
0xe0: {  	_ =	swait.ge [sflag:s9], $0x2000  }
0xe1: {  	[sflag:s9] =	ssyncset.done $0x0  }
0xe2: {  	[sflag:s9] =	ssyncadd.s32 $0xFFFFE000  }
0xe3: {  	_ =	swait.ge [sflag:s31], $0x2000  }
0xe4: {  	[sflag:s31] =	ssyncset.done $0x0  }
0xe5: {  	s4 =	simm.s32 $0xF00;
	[sflag:s31] =	ssyncadd.s32 $0xFFFFE000  }
0xe6: {  	[spmem:s2] =	stream.indirect.scatter.add.f32 [tilespmem:s26], [sflag:$0x4], $0x20, s4, s25, $0xb8;
	[tilespmem:$0x1F800] =	vst v63  }
.Ltmp1:
0xe7: {  	_ =	swait.ge [sflag:s0], $0x2000;
	(pc) =	sbr.rel @p0 .LBB2_4-.Ltmp1, $4  }
0xe8: {  	[sflag:s0] =	ssyncset.done $0x0  }
0xe9: {  	[sflag:s0] =	ssyncadd.s32 $0xFFFFE000  }
0xea: {  	_ =	swait.ge [sflag:s9], $0x2000  }
0xeb: {  	s5 =	smov.u32 s1;
	s4 =	smov.u32 s24;
	[sflag:s9] =	ssyncset.done $0x0  }
0xec: {  	s1 =	sadd.s32 s5, s19;
	[sflag:s9] =	ssyncadd.s32 $0xFFFFE000  }
0xed: {  	[tilespmem:s3], [sflag:$0x5] =	stream.linear.gather [hbm4b:s1+s3], $0x800, $0x38;
	[tilespmem:$0x1F800] =	vst v63  }
0xee: {  	_ =	swait.ge [sflag:s21], $0x800  }
0xef: {  	s4 =	rddreg [dreg:$0x4];
	[sflag:s21] =	ssyncset.done $0x0  }
0xf0: {  	[sflag:s21] =	ssyncadd.s32 $0xFFFFF800;
	s1 =	sadd.s32 s5, s4  }
0xf1: {  	[tilespmem:s22], [sflag:$0x5] =	stream.linear.gather [hbm4b:s1+s3], $0x800, $0x38;
	[tilespmem:$0x1F800] =	vst v63  }
0xf2: {  	_ =	swait.ge [sflag:s21], $0x800  }
0xf3: {  	[sflag:s21] =	ssyncset.done $0x0  }
0xf4: {  	[sflag:s21] =	ssyncadd.s32 $0xFFFFF800  }
0xf5: {  	[tilespmem:s20], [sflag:$0x1] =	stream.indirect.gather [hbm4b:s6+s25], $0x20, s3, s25, $0xb8;
	[tilespmem:$0x1F800] =	vst v63  }
0xf6: {  	_ = 	snop  }
0xf7: {  	[tilespmem:s26], [sflag:$0x2] =	stream.indirect.gather [hbm4b:s6+s25], $0x20, s25, s25, $0xb8;
	[tilespmem:$0x1F800] =	vst v63  }
0xf8: {  	_ =	swait.ge [sflag:s28], $0x2000  }
0xf9: {  	[sflag:s28] =	ssyncset.done $0x0  }
0xfa: {  	[sflag:s28] =	ssyncadd.s32 $0xFFFFE000  }
0xfb: {  	[spmem:s2] =	stream.indirect.scatter.add.f32 [tilespmem:s20], [sflag:$0x3], $0x20, s22, s25, $0xb8;
	[tilespmem:$0x1F800] =	vst v63  }
0xfc: {  	_ = 	snop  }
0xfd: {  	[tilespmem:s30], [sflag:$0x1] =	stream.indirect.gather [hbm4b:s6+s25], $0x20, s29, s25, $0xb8;
	[tilespmem:$0x1F800] =	vst v63  }
0xfe: {  	_ =	swait.ge [sflag:s31], $0x2000  }
0xff: {  	[sflag:s31] =	ssyncset.done $0x0  }
0x100: {  	[sflag:s31] =	ssyncadd.s32 $0xFFFFE000  }
0x101: {  	[spmem:s2] =	stream.indirect.scatter.add.f32 [tilespmem:s26], [sflag:$0x4], $0x20, s7, s25, $0xb8;
	[tilespmem:$0x1F800] =	vst v63  }
0x102: {  	_ =	swait.ge [sflag:s0], $0x2000  }
0x103: {  	[sflag:s0] =	ssyncset.done $0x0  }
0x104: {  	[sflag:s0] =	ssyncadd.s32 $0xFFFFE000  }
0x105: {  	[tilespmem:s20], [sflag:$0x2] =	stream.indirect.gather [hbm4b:s6+s25], $0x20, s8, s25, $0xb8;
	[tilespmem:$0x1F800] =	vst v63  }
0x106: {  	_ =	swait.ge [sflag:s28], $0x2000  }
0x107: {  	[sflag:s28] =	ssyncset.done $0x0  }
0x108: {  	[sflag:s28] =	ssyncadd.s32 $0xFFFFE000  }
0x109: {  	[spmem:s2] =	stream.indirect.scatter.add.f32 [tilespmem:s30], [sflag:$0x3], $0x20, s10, s25, $0xb8;
	[tilespmem:$0x1F800] =	vst v63  }
0x10a: {  	_ =	swait.ge [sflag:s9], $0x2000  }
0x10b: {  	[sflag:s9] =	ssyncset.done $0x0  }
0x10c: {  	[sflag:s9] =	ssyncadd.s32 $0xFFFFE000  }
0x10d: {  	[tilespmem:s26], [sflag:$0x1] =	stream.indirect.gather [hbm4b:s6+s25], $0x20, s11, s25, $0xb8;
	[tilespmem:$0x1F800] =	vst v63  }
0x10e: {  	_ =	swait.ge [sflag:s31], $0x2000  }
0x10f: {  	[sflag:s31] =	ssyncset.done $0x0  }
0x110: {  	[sflag:s31] =	ssyncadd.s32 $0xFFFFE000  }
0x111: {  	[spmem:s2] =	stream.indirect.scatter.add.f32 [tilespmem:s20], [sflag:$0x4], $0x20, s12, s25, $0xb8;
	[tilespmem:$0x1F800] =	vst v63  }
0x112: {  	_ =	swait.ge [sflag:s0], $0x2000  }
0x113: {  	[sflag:s0] =	ssyncset.done $0x0  }
0x114: {  	[sflag:s0] =	ssyncadd.s32 $0xFFFFE000  }
0x115: {  	[tilespmem:s30], [sflag:$0x2] =	stream.indirect.gather [hbm4b:s6+s25], $0x20, s13, s25, $0xb8;
	[tilespmem:$0x1F800] =	vst v63  }
0x116: {  	_ =	swait.ge [sflag:s28], $0x2000  }
0x117: {  	[sflag:s28] =	ssyncset.done $0x0  }
0x118: {  	[sflag:s28] =	ssyncadd.s32 $0xFFFFE000  }
0x119: {  	[spmem:s2] =	stream.indirect.scatter.add.f32 [tilespmem:s26], [sflag:$0x3], $0x20, s14, s25, $0xb8;
	[tilespmem:$0x1F800] =	vst v63  }
0x11a: {  	_ =	swait.ge [sflag:s9], $0x2000  }
0x11b: {  	[sflag:s9] =	ssyncset.done $0x0  }
0x11c: {  	[sflag:s9] =	ssyncadd.s32 $0xFFFFE000  }
0x11d: {  	[tilespmem:s20], [sflag:$0x1] =	stream.indirect.gather [hbm4b:s6+s25], $0x20, s15, s25, $0xb8;
	[tilespmem:$0x1F800] =	vst v63  }
0x11e: {  	_ =	swait.ge [sflag:s31], $0x2000  }
0x11f: {  	[sflag:s31] =	ssyncset.done $0x0  }
0x120: {  	[sflag:s31] =	ssyncadd.s32 $0xFFFFE000  }
0x121: {  	[spmem:s2] =	stream.indirect.scatter.add.f32 [tilespmem:s30], [sflag:$0x4], $0x20, s16, s25, $0xb8;
	[tilespmem:$0x1F800] =	vst v63  }
0x122: {  	_ =	swait.ge [sflag:s0], $0x2000  }
0x123: {  	[sflag:s0] =	ssyncset.done $0x0  }
0x124: {  	[sflag:s0] =	ssyncadd.s32 $0xFFFFE000  }
0x125: {  	[tilespmem:s26], [sflag:$0x2] =	stream.indirect.gather [hbm4b:s6+s25], $0x20, s17, s25, $0xb8;
	[tilespmem:$0x1F800] =	vst v63  }
0x126: {  	_ =	swait.ge [sflag:s28], $0x2000  }
0x127: {  	[sflag:s28] =	ssyncset.done $0x0  }
0x128: {  	[sflag:s28] =	ssyncadd.s32 $0xFFFFE000  }
0x129: {  	[spmem:s2] =	stream.indirect.scatter.add.f32 [tilespmem:s20], [sflag:$0x3], $0x20, s18, s25, $0xb8;
	[tilespmem:$0x1F800] =	vst v63  }
0x12a: {  	_ =	swait.ge [sflag:s9], $0x2000  }
0x12b: {  	[sflag:s9] =	ssyncset.done $0x0  }
0x12c: {  	[sflag:s9] =	ssyncadd.s32 $0xFFFFE000  }
0x12d: {  	_ =	swait.ge [sflag:s31], $0x2000  }
0x12e: {  	[sflag:s31] =	ssyncset.done $0x0  }
0x12f: {  	s5 =	simm.s32 $0xF00;
	[sflag:s31] =	ssyncadd.s32 $0xFFFFE000  }
0x130: {  	[spmem:s2] =	stream.indirect.scatter.add.f32 [tilespmem:s26], [sflag:$0x4], $0x20, s5, s25, $0xb8;
	[tilespmem:$0x1F800] =	vst v63  }
0x131: {  	_ =	swait.ge [sflag:s0], $0x2000  }
0x132: {  	[sflag:s0] =	ssyncset.done $0x0  }
0x133: {  	[sflag:s0] =	ssyncadd.s32 $0xFFFFE000  }
0x134: {  	_ =	swait.ge [sflag:s9], $0x2000  }
0x135: {  	[sflag:s9] =	ssyncset.done $0x0  }
0x136: {  	[sflag:s9] =	ssyncadd.s32 $0xFFFFE000  }
0x137: {  	[bflag:$0x0] =	sbarrier.arrive $0xFFFF  }
0x138: {  	s29 =	rddreg [dreg:$0x5]  }
0x139: {  	[tilespmem:s20], [sflag:$0x5] =	stream.linear.gather [spmem:s29], $0x2000, $0x38;
	[tilespmem:$0x1F800] =	vst v63  }
0x13a: {  	_ =	swait.ge [sflag:s21], $0x2000  }
0x13b: {  	[sflag:s21] =	ssyncset.done $0x0  }
0x13c: {  	s24 =	sadd.s32 $0x0, s23;
	[sflag:s21] =	ssyncadd.s32 $0xFFFFE000  }
0x13d: {  	[hbm4b:s24+s3] =	stream.linear.scatter [tilespmem:s20], [sflag:$0x5], $0x2000, $0x38;
	[tilespmem:$0x1F800] =	vst v63  }
0x13e: {  	_ =	swait.ge [sflag:s21], $0x2000  }
0x13f: {  	s4 =	simm.s32 $0x400;
	s5 =	smov.u32 s29;
	[sflag:s21] =	ssyncset.done $0x0  }
.LBB2_6:
0x140: {  	p0 =	sne.s32 s4, $0x2C00;
	[sflag:s21] =	ssyncadd.s32 $0xFFFFE000;
	s5 =	sadd.s32 $0x2000, s5  }
0x141: {  	[tilespmem:s20], [sflag:$0x5] =	stream.linear.gather [spmem:s5], $0x2000, $0x38;
	[tilespmem:$0x1F800] =	vst v63  }
0x142: {  	s1 =	smov.u32 s4;
	s4 =	sadd.s32 $0x400, s4;
	_ =	swait.ge [sflag:s21], $0x2000  }
.Ltmp2:
0x143: {  	[sflag:s21] =	ssyncset.done $0x0;
	(pc) =	sbr.rel @p0 .LBB2_6-.Ltmp2, $4  }
0x144: {  	s1 =	sadd.s32 s1, s23;
	[sflag:s21] =	ssyncadd.s32 $0xFFFFE000  }
0x145: {  	[hbm4b:s1+s3] =	stream.linear.scatter [tilespmem:s20], [sflag:$0x5], $0x2000, $0x38;
	[tilespmem:$0x1F800] =	vst v63  }
0x146: {  	_ =	swait.ge [sflag:s21], $0x2000  }
0x147: {  	[sflag:s21] =	ssyncset.done $0x0  }
0x148: {  	[sflag:s21] =	ssyncadd.s32 $0xFFFFE000;
	s1 =	rddreg [dreg:$0x6]  }
0x149: {  	[tilespmem:s20], [sflag:$0x5] =	stream.linear.gather [spmem:s1], $0x800, $0x38;
	[tilespmem:$0x1F800] =	vst v63  }
0x14a: {  	_ =	swait.ge [sflag:s21], $0x800  }
0x14b: {  	[sflag:s21] =	ssyncset.done $0x0  }
0x14c: {  	s5 =	rddreg [dreg:$0x13];
	[sflag:s21] =	ssyncadd.s32 $0xFFFFF800  }
0x14d: {  	[hbm4b:s5+s3] =	stream.linear.scatter [tilespmem:s20], [sflag:$0x5], $0x800, $0x38;
	[tilespmem:$0x1F800] =	vst v63  }
0x14e: {  	_ =	swait.ge [sflag:s21], $0x800  }
0x14f: {  	s4 =	rddreg [dreg:$0x14]  }
0x150: {  	s24 =	rddreg [dreg:$0x7];
	s4 =	sadd.s32 $0x1, s4  }
0x151: {  	p0 =	sne.s32 s4, s24  }
.Ltmp3:
0x152: {  	_ = 	snop;
	(pc) =	sbr.rel @p0 .LBB2_1-.Ltmp3, $3  }
0x153: {  	_ =	sdelay $0x1  }
0x154: {  	[sflag:s21] =	ssyncset.done $0x0  }
0x155: {  	[sflag:s21] =	ssyncadd.s32 $0xFFFFF800  }
0x156: {  	_ =	sfence.sel $0x180000  }
0x157: {  	[bflag:$0x0] =	sbarrier.arrive $0xFFFF  }
0x158: {  	_ =	strace $0x9000004D  }
0x159: {  	s0 =	stileid.u32;
	[bflag:$0x2] =	sbarrier.arrive $0xFFFF  }
0x15a: {  	p0 =	sne.s32 s0, $0x0;
	s0 =	rddreg [dreg:$0x3]  }
0x15b: {  	s0 =	sadd.s32 @!p0 $0x100000, s0  }
0x15c: {  	[sflag:s0] =	ssyncadd.tile.s32 @!p0 $0x1;
	_ =	shalt  }
.Lfunc_end2:
_tile_overlayer_lowered:
.L_overlay_start_2:
0x15d: {  	(tag) =	ssettag $0x2  }
0x15e: {  	s0 =	rddreg [dreg:$0x0];
	s2 =	stileid.u32  }
0x15f: {  	s1 =	rddreg [dreg:$0x1];
	p0 =	sne.s32 s2, $0x0  }
0x160: {  	s3 =	rddreg [dreg:$0x2];
	[bflag:$0x3] =	sbarrier.arrive $0xFFFF;
	s2 =	simm.s32 @!p0 $0x1C05  }
0x161: {  	[timem:s3], [sflag:s2] =	dma.local @!p0 [hbm:s0], s1  }
0x162: {  	s0 =	simm.s32 @!p0 $0x5  }
0x163: {  	_ =	swait.ge @!p0 [sflag:s0], s1  }
0x164: {  	s1 =	ssub.s32 @!p0 $0x0, s1;
	[sflag:s0] =	ssyncset.done @!p0 $0x0  }
0x165: {  	[sflag:s0] =	ssyncadd.s32 @!p0 s1  }
0x166: {  	[bflag:$0x3] =	sbarrier.arrive $0xFFFF  }
0x167: {  	_ =	shalt  }

// kernel: kernel.9.cloned.1.call-start
scs
__scs_entry_jumppad:
0x0: {  	(pc) =	sbr.rel $0x88, $3  }
0x1: {  	(tag) =	ssettag $0x0;
	lr =	simm.s32 $0x1  }
0x2: {  	[smem:$0x3F9A] =	sst lr;
	_ =	strace $0xD0000000  }
0x3: {  	_ = 	snop  }
0x4: {  	_ = 	snop  }
0x5: {  	_ = 	snop  }
0x6: {  	_ = 	snop  }
0x7: {  	_ = 	snop  }
__scs_overlays_trampoline_lowered:
0x8: {  	[smem:$0x3FA9] =	sst s0  }
0x9: {  	[smem:$0x3FAA] =	sst s1  }
0xa: {  	[smem:$0x3FAB] =	sst s2  }
0xb: {  	[smem:$0x3FAC] =	sst s3  }
0xc: {  	[smem:$0x3FAD] =	sst s4  }
0xd: {  	[smem:$0x3FAE] =	sst s5  }
0xe: {  	[smem:$0x3FAF] =	sst s6  }
0xf: {  	[smem:$0x3FB0] =	sst s7  }
0x10: {  	[smem:$0x3FB1] =	sst s8  }
0x11: {  	[smem:$0x3FB2] =	sst s9;
	s0 =	simm.s32 @!p0 $0x0  }
0x12: {  	s1 =	sld [smem:$0x3F98];
	s0 =	simm.s32 @p0 $0x1  }
0x13: {  	[smem:$0x3FB3] =	sst s0;
	s0 =	simm.s32 @!p1 $0x0  }
0x14: {  	s2 =	sld [smem:$0x3F97];
	s0 =	simm.s32 @p1 $0x1  }
0x15: {  	[smem:$0x3FB4] =	sst s0;
	s0 =	simm.s32 @!p2 $0x0  }
0x16: {  	s3 =	sld [smem:$0x3FDB];
	s0 =	simm.s32 @p2 $0x1  }
0x17: {  	s4 =	simm.s32 $0x1BF5;
	[smem:$0x3FB6] =	sst s0  }
0x18: {  	s0 =	sld [smem:$0x3F99];
	_ =	swait.ge [sflag:s4], $0x0  }
0x19: {  	s7 =	sld [smem:$0x3F9A]  }
0x1a: {  	s8 =	sadd.s32 $0xFFFFE003, lr  }
0x1b: {  	s9 =	sadd.s32 $0xFFFFFEF7, lr;
	s5 =	simm.s32 $0xFFFFFFFF;
	p2 =	slt.u32 s8, $0xFFFFF086  }
0x1c: {  	p1 =	slt.u32 s9, $0xF7A;
	s5 =	simm.s32 @!p2 $0x0  }
0x1d: {  	s5 =	simm.s32 @p1 $0x1;
	p0 =	seq.s32 s7, s2  }
0x1e: {  	s7 =	smul.u32 @!p0 $0xF7A, s2;
	p2 =	seq.s32 @!p0 s5, $0x0  }
0x1f: {  	s9 =	smul.u32 $0xF7A, s1;
	s8 =	simm.s32 @!p0 $0x1BF5;
	p2 =	por !p2, p0  }
0x20: {  	[sflag:s8] =	ssyncset.s32 @!p0 $0xFFFFF086;
	s6 =	sadd.s32 @!p0 s3, s7;
	s7 =	simm.s32 @!p0 $0x108  }
0x21: {  	s3 =	sadd.s32 s3, s9;
	s6 =	sadd.s32 @!p0 $0x88, s6;
	s7 =	simm.s32 @p2 $0x1082  }
0x22: {  	[simem:s7], [sflag:s8] =	dma.local @!p0 [hbm:s6], $0xF7A  }
0x23: {  	s9 =	sor.u32 $0xD0000000, s2;
	s6 =	simm.s32 $0x108;
	_ =	swait.ge @!p0 [sflag:s8], $0x0  }
0x24: {  	s3 =	sadd.s32 $0x88, s3;
	s6 =	simm.s32 @!p1 $0x1082;
	[sflag:s4] =	ssyncset.s32 $0xFFFFF086  }
0x25: {  	[simem:s6], [sflag:s4] =	dma.local [hbm:s3], $0xF7A  }
0x26: {  	[smem:$0x3F9A] =	sst s1;
	(tag) =	ssettag s2;
	_ =	strace s9  }
0x27: {  	s1 =	sld [smem:$0x3FAA]  }
0x28: {  	s2 =	sld [smem:$0x3FAB]  }
0x29: {  	s4 =	sld [smem:$0x3FAD]  }
0x2a: {  	p0 =	seq.s32 s5, $0x0;
	s5 =	sld [smem:$0x3FAE]  }
0x2b: {  	s6 =	sld [smem:$0x3FAF]  }
0x2c: {  	s7 =	sld [smem:$0x3FB0]  }
0x2d: {  	s3 =	simm.s32 $0x108;
	s8 =	sld [smem:$0x3FB1]  }
0x2e: {  	s3 =	simm.s32 @!p0 $0x1082;
	s9 =	sld [smem:$0x3FB2]  }
0x2f: {  	lr =	sadd.s32 s0, s3;
	s0 =	sld [smem:$0x3FA9]  }
0x30: {  	s3 =	sld [smem:$0x3FAC]  }
0x31: {  	[smem:$0x3FB5] =	sst s10  }
0x32: {  	s10 =	sld [smem:$0x3FB3];
	_ =	sdelay $0x3  }
0x33: {  	p0 =	seq.s32 s10, $0x1;
	s10 =	sld [smem:$0x3FB5];
	_ =	sdelay $0x3  }
0x34: {  	[smem:$0x3FB5] =	sst s10  }
0x35: {  	s10 =	sld [smem:$0x3FB4];
	_ =	sdelay $0x3  }
0x36: {  	p1 =	seq.s32 s10, $0x1;
	s10 =	sld [smem:$0x3FB5];
	_ =	sdelay $0x3  }
0x37: {  	[smem:$0x3FB5] =	sst s10  }
0x38: {  	s10 =	sld [smem:$0x3FB6]  }
0x39: {  	_ = 	snop;
	(pc) =	sbr.ind lr, $3  }
0x3a: {  	_ = 	snop  }
0x3b: {  	_ = 	snop  }
0x3c: {  	p2 =	seq.s32 s10, $0x1;
	s10 =	sld [smem:$0x3FB5]  }
0x3d: {  	_ =	shalt  }
0x3e: {  	_ =	shalt  }
0x3f: {  	_ =	shalt  }
0x40: {  	_ =	shalt  }
0x41: {  	_ =	shalt  }
0x42: {  	_ =	shalt  }
0x43: {  	_ =	shalt  }
0x44: {  	_ =	shalt  }
0x45: {  	_ =	shalt  }
0x46: {  	_ =	shalt  }
0x47: {  	_ =	shalt  }
0x48: {  	_ =	shalt  }
0x49: {  	_ =	shalt  }
0x4a: {  	_ =	shalt  }
0x4b: {  	_ =	shalt  }
0x4c: {  	_ =	shalt  }
0x4d: {  	_ =	shalt  }
0x4e: {  	_ =	shalt  }
0x4f: {  	_ =	shalt  }
0x50: {  	_ =	shalt  }
0x51: {  	_ =	shalt  }
0x52: {  	_ =	shalt  }
0x53: {  	_ =	shalt  }
0x54: {  	_ =	shalt  }
0x55: {  	_ =	shalt  }
0x56: {  	_ =	shalt  }
0x57: {  	_ =	shalt  }
0x58: {  	_ =	shalt  }
0x59: {  	_ =	shalt  }
0x5a: {  	_ =	shalt  }
0x5b: {  	_ =	shalt  }
0x5c: {  	_ =	shalt  }
0x5d: {  	_ =	shalt  }
0x5e: {  	_ =	shalt  }
0x5f: {  	_ =	shalt  }
0x60: {  	_ =	shalt  }
0x61: {  	_ =	shalt  }
0x62: {  	_ =	shalt  }
0x63: {  	_ =	shalt  }
0x64: {  	_ =	shalt  }
0x65: {  	_ =	shalt  }
0x66: {  	_ =	shalt  }
0x67: {  	_ =	shalt  }
0x68: {  	_ =	shalt  }
0x69: {  	_ =	shalt  }
0x6a: {  	_ =	shalt  }
0x6b: {  	_ =	shalt  }
0x6c: {  	_ =	shalt  }
0x6d: {  	_ =	shalt  }
0x6e: {  	_ =	shalt  }
0x6f: {  	_ =	shalt  }
0x70: {  	_ =	shalt  }
0x71: {  	_ =	shalt  }
0x72: {  	_ =	shalt  }
0x73: {  	_ =	shalt  }
0x74: {  	_ =	shalt  }
0x75: {  	_ =	shalt  }
0x76: {  	_ =	shalt  }
0x77: {  	_ =	shalt  }
0x78: {  	_ =	shalt  }
0x79: {  	_ =	shalt  }
0x7a: {  	_ =	shalt  }
0x7b: {  	_ =	shalt  }
0x7c: {  	_ =	shalt  }
0x7d: {  	_ =	shalt  }
0x7e: {  	_ =	shalt  }
0x7f: {  	_ =	shalt  }
0x80: {  	_ =	shalt  }
0x81: {  	_ =	shalt  }
0x82: {  	_ =	shalt  }
0x83: {  	_ =	shalt  }
0x84: {  	_ =	shalt  }
0x85: {  	_ =	shalt  }
0x86: {  	_ =	shalt  }
0x87: {  	_ =	shalt  }
.Lfunc_end0:
.L_simem_size_0:
called_computation_lowered:
.L_overlay_start_0:
0x88: {  	s2 =	sld [smem:$0x3FD9]  }
0x89: {  	s3 =	sld [smem:$0x3FFE];
	_ =	sdelay $0x1  }
0x8a: {  	s1 =	srdreg.scid  }
0x8b: {  	s0 =	sand.u32 $0x1, s1  }
0x8c: {  	s14 =	sshll.u32 s0, $0xA;
	s2 =	sadd.s32 s3, s2  }
0x8d: {  	s2 =	sadd.s32 s2, s14  }
0x8e: {  	[smem:$0x3FC1] =	sst s2  }
0x8f: {  	_ = 	snop  }
0x90: {  	s2 =	sld [smem:$0x3FD0];
	_ =	sdelay $0x2  }
0x91: {  	s15 =	simm.s32 $0xA;
	s4 =	simm.s32 $0x10  }
0x92: {  	[smem:s4], [sflag:s15] =	dma.local [hbm:s2], $0x1  }
0x93: {  	_ =	swait.eq [sflag:s15], $0x1  }
0x94: {  	[sflag:s15] =	ssyncset.done $0x0  }
0x95: {  	[sflag:s15] =	ssyncadd.s32 $0xFFFFFFFF  }
0x96: {  	s16 =	sld [smem:$0x10];
	(tm) =	ssettm $0x1  }
0x97: {  	s17 =	sld [smem:$0x3FFB];
	_ =	sdelay $0x3  }
0x98: {  	_ =	strace s17  }
0x99: {  	s3 =	sld [smem:$0x3FFC];
	_ =	sdelay $0x3  }
0x9a: {  	_ =	strace s3  }
0x9b: {  	s3 =	sld [smem:$0x3FFD];
	_ =	sdelay $0x3  }
0x9c: {  	_ =	strace s3  }
0x9d: {  	_ =	strace $0x8FFFFFFF  }
0x9e: {  	s18 =	sld [smem:$0x3FDB];
	_ =	sdelay $0x1  }
0x9f: {  	s19 =	simm.s32 $_scs_section_size  }
0xa0: {  	s5 =	simm.s32 $_size__tile_overlayer_lowered;
	s6 =	simm.s32 $_tile_overlayer_lowered  }
0xa1: {  	s22 =	simm.s32 $0x1BFF;
	s21 =	sshll.u32 s6, $0x1;
	s3 =	sadd.s32 s19, s18  }
0xa2: {  	s7 =	simm.s32 $0x0;
	s20 =	sshll.u32 s5, $0x1;
	s5 =	sadd.s32 s21, s3  }
0xa3: {  	[timem:s7], [sflag:s22] =	dma.local [hbm:s5], s20  }
0xa4: {  	_ =	swait.ge [sflag:s22], s20  }
0xa5: {  	s4 =	ssub.s32 $0x0, s20;
	[sflag:s22] =	ssyncset.done $0x0  }
0xa6: {  	[sflag:s22] =	ssyncadd.s32 s4;
	_ =	sdelay $0x1  }
0xa7: {  	s23 =	simm.s32 $0x1B8B  }
0xa8: {  	_ =	swait.ge [sflag:s23], $0x1  }
0xa9: {  	[sflag:s23] =	ssyncset.done $0x0  }
0xaa: {  	s25 =	simm.s32 $0x1B8E;
	s24 =	sld [smem:$0x3FFE];
	[sflag:s23] =	ssyncadd.s32 $0xFFFFFFFF  }
0xab: {  	s26 =	simm.s32 $execute0_lowered;
	[smem:$0x3FD2] =	sst s25  }
0xac: {  	s5 =	sshll.u32 s26, $0x1;
	_ =	strace $0x80000046;
	[dreg:$0x1] =	wrdreg $0xFFFFFFFF  }
0xad: {  	s28 =	simm.s32 $_size_execute0_lowered;
	s3 =	sadd.s32 s3, s5;
	[dreg:$0x0] =	wrdreg $0x0  }
0xae: {  	s5 =	sshll.u32 s28, $0x1;
	[dreg:$0x2] =	wrdreg s3  }
0xaf: {  	[dreg:$0x3] =	wrdreg s5  }
0xb0: {  	[dreg:$0x4] =	wrdreg $0xC0  }
0xb1: {  	_ =	task [dreg:s7], $0x5FFFF  }
0xb2: {  	[dreg:$0x1] =	wrdreg $0xFFFFFFFF  }
0xb3: {  	[dreg:$0x0] =	wrdreg $0x60  }
0xb4: {  	[dreg:$0x2] =	wrdreg s16  }
0xb5: {  	[dreg:$0x3] =	wrdreg s24  }
0xb6: {  	[dreg:$0x4] =	wrdreg $0x21000  }
0xb7: {  	[dreg:$0x5] =	wrdreg $0x9  }
0xb8: {  	_ =	task.clear_ibuf [dreg:s7], $0x6FFFF;
	_ =	strace $0x90000046  }
0xb9: {  	s29 =	simm.s32 $0x9;
	_ =	strace $0x80000048  }
0xba: {  	_ =	swait.ge [sflag:s29], $0x1  }
0xbb: {  	[sflag:s29] =	ssyncadd.s32 $0xFFFFFFFF  }
0xbc: {  	_ =	strace $0x90000048  }
0xbd: {  	_ =	sfence  }
0xbe: {  	s30 =	sld [smem:$0x0];
	_ =	sdelay $0x2  }
0xbf: {  	s31 =	sshll.u32 s1, $0xD;
	s1 =	sshrl.u32 s1, $0x2  }
0xc0: {  	s3 =	sand.u32 $0x4000, s31;
	s1 =	sadd.s32 s1, s30  }
0xc1: {  	s0 =	sor.u32 s3, s0;
	s1 =	sshll.u32 s1, $0x11  }
0xc2: {  	s0 =	sor.u32 s1, s0  }
0xc3: {  	s0 =	sadd.s32 $0x8F2B, s0  }
0xc4: {  	[sflag:s0] =	ssyncadd.remote.s32 $0x1  }
0xc5: {  	_ =	sfence.sel $0xFFFF  }
0xc6: {  	[dreg:$0x0] =	wrdreg $0xFFFFFFFF;
	(pc) =	sbr.abs _section_cstart, $3  }
0xc7: {  	[dreg:$0x1] =	wrdreg $0xFFFFFFFF  }
0xc8: {  	_ =	task.clear_ibuf [dreg:s7], $0x2FFFF;
	_ =	strace $0x9FFFFFFF  }
0xc9: {  	(tm) =	ssettm $0x7FFFFFFF  }
tec
execute0_lowered:
.L_overlay_start_1:
0x0: {  	(tag) =	ssettag $0x1  }
0x1: {  	s7 =	rddreg [dreg:$0x0]  }
0x2: {  	s4 =	rddreg [dreg:$0x1]  }
0x3: {  	s2 =	rddreg [dreg:$0x2]  }
0x4: {  	s0 =	rddreg [dreg:$0x3]  }
0x5: {  	s5 =	srdreg.scid;
	s1 =	stileid.u32;
	s3 =	simm.s32 $0x0  }
0x6: {  	s12 =	simm.s32 $0x1480;
	s13 =	simm.s32 $0x1;
	s14 =	simm.s32 $0x80  }
0x7: {  	s15 =	simm.s32 $0x1400;
	s5 =	sand.u32 $0x1, s5;
	s6 =	smul.u32 $0xC40, s1  }
0x8: {  	s16 =	simm.s32 $0x0;
	s8 =	smul.u32 $0xC400, s5;
	s9 =	sshll.u32 s5, $0x4  }
0x9: {  	[smem:$0x7FF] =	sst s3;
	s5 =	ssub.s32 $0x2, s5;
	s9 =	sor.u32 s1, s9  }
0xa: {  	s10 =	sshrl.u32 s5, $0x1;
	s8 =	sadd.s32 s6, s8;
	s9 =	smul.u32 $0xC80, s9  }
0xb: {  	_ =	strace $0x80000047;
	s10 =	ssub.s32 s5, s10;
	s8 =	sshrl.u32 s8, $0x3  }
0xc: {  	s8 =	sadd.s32 s8, s4;
	s4 =	sadd.s32 s6, s2;
	s7 =	sadd.s32 s7, s9  }
0xd: {  	s6 =	smax.u32 s10, $0x1;
	s5 =	sadd.s32 $0x2400, s8;
	s8 =	sadd.s32 $0x280, s7  }
0xe: {  	v0 =	vimm.f32 $1.000000000e+00;
	v1 =	vimm.f32 $0.0e+00;
	s9 =	sadd.s32 $0x500, s7;
	s10 =	sadd.s32 $0x780, s7;
	s11 =	sadd.s32 $0xA00, s7  }
.LBB2_1:
0xf: {  	[tilespmem:$0x1400] =	vst v0  }
0x10: {  	[tilespmem:$0x1410] =	vst v0  }
0x11: {  	[tilespmem:$0x1420] =	vst v0  }
0x12: {  	[tilespmem:$0x1430] =	vst v0  }
0x13: {  	[tilespmem:$0x1440] =	vst v0  }
0x14: {  	[tilespmem:$0x1450] =	vst v0  }
0x15: {  	[tilespmem:$0x1460] =	vst v0  }
0x16: {  	[tilespmem:$0x1470] =	vst v0;
	s17 =	simm.s32 $0x40;
	s18 =	simm.s32 $0x0  }
.LBB2_2:
0x17: {  	p0 =	sne.s32 s17, $0x30C0;
	[tilespmem:s18+$0x1480] =	vst v1;
	s18 =	smov.u32 s17;
	s17 =	sadd.s32 $0x40, s17  }
.Ltmp0:
0x18: {  	(pc) =	sbr.rel @p0 .LBB2_2-.Ltmp0, $2  }
0x19: {  	_ =	sdelay $0x2  }
0x1a: {  	s18 =	sshra.s32 s18, $0x2  }
0x1b: {  	[tilespmem:s18+$0x1480] =	vst v1  }
0x1c: {  	[spmem:s4] =	stream.linear.scatter [tilespmem:s12], [sflag:$0x1], $0xC40, $0x38;
	[tilespmem:$0x2D40] =	vst v63  }
0x1d: {  	_ =	swait.ge [sflag:s13], $0xC40  }
0x1e: {  	[sflag:s13] =	ssyncset.done $0x0  }
0x1f: {  	[sflag:s13] =	ssyncadd.s32 $0xFFFFF3C0  }
0x20: {  	s17 =	simm.s32 $0x0;
	[bflag:$0x0] =	sbarrier.arrive $0xFFFF  }
0x21: {  	[tilespmem:s17], [sflag:$0x1] =	stream.linear.gather [hbm4b:s7+s17], $0x1400, $0x38;
	[tilespmem:$0x2D40] =	vst v63  }
0x22: {  	_ =	swait.ge [sflag:s13], $0x1400  }
0x23: {  	[sflag:s13] =	ssyncset.done $0x0  }
0x24: {  	s31 =	simm.s32 $0x0;
	[sflag:s13] =	ssyncadd.s32 $0xFFFFEC00  }
0x25: {  	[spmem:s2] =	stream.indirect.scatter.add.f32 [tilespmem:s15], [sflag:$0x1], $0x1, s31, s14, $0xb8;
	[tilespmem:$0x2D40] =	vst v63  }
0x26: {  	_ =	swait.ge [sflag:s13], $0x80  }
0x27: {  	s17 =	simm.s32 $0x200;
	[sflag:s13] =	ssyncset.done $0x0  }
.LBB2_4:
0x28: {  	s18 =	sshra.s32 s17, $0x2;
	[sflag:s13] =	ssyncadd.s32 $0xFFFFFF80;
	p0 =	sne.s32 s17, $0x4E00  }
0x29: {  	[spmem:s2] =	stream.indirect.scatter.add.f32 [tilespmem:s15], [sflag:$0x1], $0x1, s18, s14, $0xb8;
	[tilespmem:$0x2D40] =	vst v63  }
.Ltmp1:
0x2a: {  	_ = 	snop;
	(pc) =	sbr.rel @p0 .LBB2_4-.Ltmp1, $4  }
0x2b: {  	_ = 	snop  }
0x2c: {  	s17 =	sadd.s32 $0x200, s17  }
0x2d: {  	_ =	swait.ge [sflag:s13], $0x80  }
0x2e: {  	[sflag:s13] =	ssyncset.done $0x0  }
0x2f: {  	[sflag:s13] =	ssyncadd.s32 $0xFFFFFF80;
	s17 =	simm.s32 $0x0  }
0x30: {  	[tilespmem:s17], [sflag:$0x1] =	stream.linear.gather [hbm4b:s8+s17], $0x1400, $0x38;
	[tilespmem:$0x2D40] =	vst v63  }
0x31: {  	_ =	swait.ge [sflag:s13], $0x1400  }
0x32: {  	[sflag:s13] =	ssyncset.done $0x0  }
0x33: {  	s31 =	simm.s32 $0x0;
	[sflag:s13] =	ssyncadd.s32 $0xFFFFEC00  }
0x34: {  	[spmem:s2] =	stream.indirect.scatter.add.f32 [tilespmem:s15], [sflag:$0x1], $0x1, s31, s14, $0xb8;
	[tilespmem:$0x2D40] =	vst v63  }
0x35: {  	_ =	swait.ge [sflag:s13], $0x80  }
0x36: {  	s17 =	simm.s32 $0x200;
	[sflag:s13] =	ssyncset.done $0x0  }
.LBB2_6:
0x37: {  	s18 =	sshra.s32 s17, $0x2;
	[sflag:s13] =	ssyncadd.s32 $0xFFFFFF80;
	p0 =	sne.s32 s17, $0x4E00  }
0x38: {  	[spmem:s2] =	stream.indirect.scatter.add.f32 [tilespmem:s15], [sflag:$0x1], $0x1, s18, s14, $0xb8;
	[tilespmem:$0x2D40] =	vst v63  }
.Ltmp2:
0x39: {  	_ = 	snop;
	(pc) =	sbr.rel @p0 .LBB2_6-.Ltmp2, $4  }
0x3a: {  	_ = 	snop  }
0x3b: {  	s17 =	sadd.s32 $0x200, s17  }
0x3c: {  	_ =	swait.ge [sflag:s13], $0x80  }
0x3d: {  	[sflag:s13] =	ssyncset.done $0x0  }
0x3e: {  	[sflag:s13] =	ssyncadd.s32 $0xFFFFFF80;
	s17 =	simm.s32 $0x0  }
0x3f: {  	[tilespmem:s17], [sflag:$0x1] =	stream.linear.gather [hbm4b:s9+s17], $0x1400, $0x38;
	[tilespmem:$0x2D40] =	vst v63  }
0x40: {  	_ =	swait.ge [sflag:s13], $0x1400  }
0x41: {  	[sflag:s13] =	ssyncset.done $0x0  }
0x42: {  	s31 =	simm.s32 $0x0;
	[sflag:s13] =	ssyncadd.s32 $0xFFFFEC00  }
0x43: {  	[spmem:s2] =	stream.indirect.scatter.add.f32 [tilespmem:s15], [sflag:$0x1], $0x1, s31, s14, $0xb8;
	[tilespmem:$0x2D40] =	vst v63  }
0x44: {  	_ =	swait.ge [sflag:s13], $0x80  }
0x45: {  	s17 =	simm.s32 $0x200;
	[sflag:s13] =	ssyncset.done $0x0  }
.LBB2_8:
0x46: {  	s18 =	sshra.s32 s17, $0x2;
	[sflag:s13] =	ssyncadd.s32 $0xFFFFFF80;
	p0 =	sne.s32 s17, $0x4E00  }
0x47: {  	[spmem:s2] =	stream.indirect.scatter.add.f32 [tilespmem:s15], [sflag:$0x1], $0x1, s18, s14, $0xb8;
	[tilespmem:$0x2D40] =	vst v63  }
.Ltmp3:
0x48: {  	_ = 	snop;
	(pc) =	sbr.rel @p0 .LBB2_8-.Ltmp3, $4  }
0x49: {  	_ = 	snop  }
0x4a: {  	s17 =	sadd.s32 $0x200, s17  }
0x4b: {  	_ =	swait.ge [sflag:s13], $0x80  }
0x4c: {  	[sflag:s13] =	ssyncset.done $0x0  }
0x4d: {  	[sflag:s13] =	ssyncadd.s32 $0xFFFFFF80;
	s17 =	simm.s32 $0x0  }
0x4e: {  	[tilespmem:s17], [sflag:$0x1] =	stream.linear.gather [hbm4b:s10+s17], $0x1400, $0x38;
	[tilespmem:$0x2D40] =	vst v63  }
0x4f: {  	_ =	swait.ge [sflag:s13], $0x1400  }
0x50: {  	[sflag:s13] =	ssyncset.done $0x0  }
0x51: {  	s31 =	simm.s32 $0x0;
	[sflag:s13] =	ssyncadd.s32 $0xFFFFEC00  }
0x52: {  	[spmem:s2] =	stream.indirect.scatter.add.f32 [tilespmem:s15], [sflag:$0x1], $0x1, s31, s14, $0xb8;
	[tilespmem:$0x2D40] =	vst v63  }
0x53: {  	_ =	swait.ge [sflag:s13], $0x80  }
0x54: {  	s17 =	simm.s32 $0x200;
	[sflag:s13] =	ssyncset.done $0x0  }
.LBB2_10:
0x55: {  	s18 =	sshra.s32 s17, $0x2;
	[sflag:s13] =	ssyncadd.s32 $0xFFFFFF80;
	p0 =	sne.s32 s17, $0x4E00  }
0x56: {  	[spmem:s2] =	stream.indirect.scatter.add.f32 [tilespmem:s15], [sflag:$0x1], $0x1, s18, s14, $0xb8;
	[tilespmem:$0x2D40] =	vst v63  }
.Ltmp4:
0x57: {  	_ = 	snop;
	(pc) =	sbr.rel @p0 .LBB2_10-.Ltmp4, $4  }
0x58: {  	_ = 	snop  }
0x59: {  	s17 =	sadd.s32 $0x200, s17  }
0x5a: {  	_ =	swait.ge [sflag:s13], $0x80  }
0x5b: {  	[sflag:s13] =	ssyncset.done $0x0  }
0x5c: {  	[sflag:s13] =	ssyncadd.s32 $0xFFFFFF80;
	s17 =	simm.s32 $0x0  }
0x5d: {  	[tilespmem:s17], [sflag:$0x1] =	stream.linear.gather [hbm4b:s11+s17], $0x1400, $0x38;
	[tilespmem:$0x2D40] =	vst v63  }
0x5e: {  	_ =	swait.ge [sflag:s13], $0x1400  }
0x5f: {  	[sflag:s13] =	ssyncset.done $0x0  }
0x60: {  	s31 =	simm.s32 $0x0;
	[sflag:s13] =	ssyncadd.s32 $0xFFFFEC00  }
0x61: {  	[spmem:s2] =	stream.indirect.scatter.add.f32 [tilespmem:s15], [sflag:$0x1], $0x1, s31, s14, $0xb8;
	[tilespmem:$0x2D40] =	vst v63  }
0x62: {  	_ =	swait.ge [sflag:s13], $0x80  }
0x63: {  	s17 =	simm.s32 $0x200;
	[sflag:s13] =	ssyncset.done $0x0  }
.LBB2_12:
0x64: {  	s18 =	sshra.s32 s17, $0x2;
	[sflag:s13] =	ssyncadd.s32 $0xFFFFFF80;
	p0 =	sne.s32 s17, $0x4E00  }
0x65: {  	[spmem:s2] =	stream.indirect.scatter.add.f32 [tilespmem:s15], [sflag:$0x1], $0x1, s18, s14, $0xb8;
	[tilespmem:$0x2D40] =	vst v63  }
.Ltmp5:
0x66: {  	_ = 	snop;
	(pc) =	sbr.rel @p0 .LBB2_12-.Ltmp5, $4  }
0x67: {  	_ = 	snop  }
0x68: {  	s17 =	sadd.s32 $0x200, s17  }
0x69: {  	_ =	swait.ge [sflag:s13], $0x80  }
0x6a: {  	[sflag:s13] =	ssyncset.done $0x0  }
0x6b: {  	[sflag:s13] =	ssyncadd.s32 $0xFFFFFF80  }
0x6c: {  	[bflag:$0x0] =	sbarrier.arrive $0xFFFF  }
0x6d: {  	[tilespmem:s12], [sflag:$0x1] =	stream.linear.gather [spmem:s4], $0xC40, $0x38;
	[tilespmem:$0x2D40] =	vst v63  }
0x6e: {  	s16 =	sadd.s32 $0x1, s16;
	_ =	swait.ge [sflag:s13], $0xC40  }
0x6f: {  	p0 =	sne.s32 s16, s6;
	[sflag:s13] =	ssyncset.done $0x0  }
.Ltmp6:
0x70: {  	[sflag:s13] =	ssyncadd.s32 $0xFFFFF3C0;
	(pc) =	sbr.rel @p0 .LBB2_1-.Ltmp6, $4  }
0x71: {  	[hbm4b:s5+s3] =	stream.linear.scatter [tilespmem:s12], [sflag:$0x1], $0xC40, $0x38;
	[tilespmem:$0x2D40] =	vst v63  }
0x72: {  	_ =	swait.ge [sflag:s13], $0xC40  }
0x73: {  	[sflag:s13] =	ssyncset.done $0x0  }
0x74: {  	[sflag:s13] =	ssyncadd.s32 $0xFFFFF3C0  }
0x75: {  	_ =	sfence.sel $0x180000  }
0x76: {  	[bflag:$0x0] =	sbarrier.arrive $0xFFFF  }
0x77: {  	p0 =	sne.s32 s1, $0x0;
	_ =	strace $0x90000047  }
0x78: {  	s0 =	sadd.s32 @!p0 $0x100000, s0;
	[bflag:$0x2] =	sbarrier.arrive $0xFFFF  }
0x79: {  	[sflag:s0] =	ssyncadd.tile.s32 @!p0 $0x1;
	_ =	shalt  }
.Lfunc_end2:
_tile_overlayer_lowered:
.L_overlay_start_2:
0x7a: {  	(tag) =	ssettag $0x2  }
0x7b: {  	s0 =	rddreg [dreg:$0x0];
	s2 =	stileid.u32  }
0x7c: {  	s1 =	rddreg [dreg:$0x1];
	p0 =	sne.s32 s2, $0x0  }
0x7d: {  	s3 =	rddreg [dreg:$0x2];
	[bflag:$0x3] =	sbarrier.arrive $0xFFFF;
	s2 =	simm.s32 @!p0 $0x1C01  }
0x7e: {  	[timem:s3], [sflag:s2] =	dma.local @!p0 [hbm:s0], s1  }
0x7f: {  	s0 =	simm.s32 @!p0 $0x1  }
0x80: {  	_ =	swait.ge @!p0 [sflag:s0], s1  }
0x81: {  	s1 =	ssub.s32 @!p0 $0x0, s1;
	[sflag:s0] =	ssyncset.done @!p0 $0x0  }
0x82: {  	[sflag:s0] =	ssyncadd.s32 @!p0 s1  }
0x83: {  	[bflag:$0x3] =	sbarrier.arrive $0xFFFF  }
0x84: {  	_ =	shalt  }

</sc_bundles>
